<compile_context>
chip_gen: v7x
topology: tpu7x:2x2x1
jax: 0.10.2.dev20260603
libtpu: 0.0.44.dev20260713+nightly
codegen_flags: <defaults>
</compile_context>

<pallas_src>
import functools

import jax
import jax.numpy as jnp
from jax import lax
from jax.experimental import pallas as pl
from jax.experimental.pallas import tpu as pltpu
from jax.experimental.pallas import tpu_sc as plsc

N_NODES = 10000
N_EDGES = 320000
DIM = 128
BN_EPS = 1e-5

NC = 2
NS = 16
NW = NC * NS
E_PAD = 327680
EPW = E_PAD // NW
CH = 128
NCH = EPW // CH
NCH0 = NCH
NCH1 = NCH
N_PAD = 10112
RPT = N_PAD // NS

ROW_BLK = 2000
N_BLKS = N_NODES // ROW_BLK


def _mm_body(h_ref, w_ref, b_ref, o_ref):
    o_ref[...] = (
        jnp.dot(h_ref[...], w_ref[...], preferred_element_type=jnp.float32)
        + b_ref[...]
    )


def _project(h, W, b2):
    return pl.pallas_call(
        _mm_body,
        grid=(N_BLKS,),
        in_specs=[
            pl.BlockSpec((ROW_BLK, DIM), lambda i: (i, 0)),
            pl.BlockSpec((DIM, DIM), lambda i: (0, 0)),
            pl.BlockSpec((1, DIM), lambda i: (0, 0)),
        ],
        out_specs=pl.BlockSpec((ROW_BLK, DIM), lambda i: (i, 0)),
        out_shape=jax.ShapeDtypeStruct((N_NODES, DIM), jnp.float32),
    )(h, W, b2)


def _sc_aggregate(h2, edata):
    mesh = plsc.VectorSubcoreMesh(
        core_axis_name="c", subcore_axis_name="s", num_cores=NC, num_subcores=NS
    )

    @functools.partial(
        pl.kernel,
        out_type=jax.ShapeDtypeStruct((NC, N_PAD, DIM), jnp.float32),
        mesh=mesh,
        scratch_types=[
            pltpu.VMEM((3, CH), jnp.int32),
            pltpu.VMEM((3, CH), jnp.int32),
            pltpu.VMEM((CH, DIM), jnp.float32),
            pltpu.VMEM((CH, DIM), jnp.float32),
            pltpu.VMEM((CH // 2,), jnp.int32),
            pltpu.VMEM((CH // 2,), jnp.int32),
            pltpu.VMEM((CH // 2,), jnp.int32),
            pltpu.VMEM((CH // 2,), jnp.int32),
            pltpu.VMEM((8, DIM), jnp.float32),
            pltpu.VMEM_SHARED((N_PAD, DIM), jnp.float32),
            pltpu.SemaphoreType.DMA,
            pltpu.SemaphoreType.DMA,
            pltpu.SemaphoreType.DMA,
            pltpu.SemaphoreType.DMA,
            pltpu.SemaphoreType.DMA,
            pltpu.SemaphoreType.DMA,
        ],
        compiler_params=pltpu.CompilerParams(needs_layout_passes=False,
                                             use_tc_tiling_on_sc=False),
    )
    def body(h2_hbm, ed_hbm, out_hbm,
             eb0, eb1, rows0, rows1, db0a, db0b, db1a, db1b, zbuf_v, agg_sh,
             se0, se1, sg0, sg1, ss0, ss1):
        c = lax.axis_index("c")
        s = lax.axis_index("s")
        wid = s * NC + c

        eb = (eb0, eb1)
        rows = (rows0, rows1)
        db = ((db0a, db0b), (db1a, db1b))
        se = (se0, se1)
        sg = (sg0, sg1)
        ss = (ss0, ss1)

        for r in range(8):
            for j in range(DIM // 16):
                zbuf_v[r, pl.ds(j * 16, 16)] = jnp.zeros((16,), jnp.float32)

        def zcopy(k, _):
            pltpu.sync_copy(zbuf_v, agg_sh.at[pl.ds(s * RPT + k * 8, 8)])
            return 0
        lax.fori_loop(0, RPT // 8, zcopy, 0)
        plsc.subcore_barrier()

        nch_l = jnp.where(c == 0, NCH0, NCH1)
        cbase = jnp.where(c == 0, s * NCH0, NS * NCH0 + s * NCH1)

        def fire_idx(k, p):
            pltpu.async_copy(ed_hbm.at[cbase + k], eb[p], se[p])

        def wait_idx(k, p):
            pltpu.make_async_copy(ed_hbm.at[cbase + k], eb[p], se[p]).wait()

        def fire_gather(p):
            pltpu.async_copy(h2_hbm.at[eb[p].at[0]], rows[p], sg[p])

        def wait_gather(p):
            pltpu.make_async_copy(h2_hbm.at[eb[p].at[0]], rows[p],
                                  sg[p]).wait()

        HF = CH // 2

        def fire_scatter(p, h):
            pltpu.async_copy(rows[p].at[pl.ds(h * HF, HF)],
                             agg_sh.at[db[p][h]], ss[p], add=True)

        def wait_scatter_both(p):
            for h in range(2):
                pltpu.make_async_copy(rows[p].at[pl.ds(h * HF, HF)],
                                      agg_sh.at[db[p][h]], ss[p]).wait()

        def compute_half(p, h):
            for j in range(HF // 16):
                db[p][h][pl.ds(j * 16, 16)] = (
                    eb[p][1, pl.ds(h * HF + j * 16, 16)])

            two = jnp.full((16,), 2, jnp.int32)

            def rowm2(i, _):
                wv = plsc.bitcast(
                    plsc.load_gather(eb[p], [two, lax.broadcast(i, (16,))]),
                    jnp.float32)
                for j in range(DIM // 16):
                    sl = pl.ds(j * 16, 16)
                    rows[p][i, sl] = rows[p][i, sl] * wv
                return 0
            lax.fori_loop(h * HF, (h + 1) * HF, rowm2, 0)

        fire_idx(0, 0)
        fire_idx(1, 1)
        wait_idx(0, 0)
        fire_gather(0)

        def pair(pr, _):
            for par in range(2):
                k = 2 * pr + par
                p = par
                q = 1 - par

                def step():
                    wait_gather(p)
                    compute_half(p, 0)
                    fire_scatter(p, 0)
                    compute_half(p, 1)
                    fire_scatter(p, 1)

                    @pl.when(k + 2 < nch_l)
                    def _():
                        fire_idx(k + 2, p)

                    @pl.when(k + 1 < nch_l)
                    def _():
                        wait_idx(k + 1, q)

                        @pl.when(k >= 1)
                        def _():
                            wait_scatter_both(q)
                        fire_gather(q)

                if par == 0:
                    step()
                else:
                    pl.when(k < nch_l)(step)
            return 0
        lax.fori_loop(0, (nch_l + 1) // 2, pair, 0)

        wait_scatter_both(0)
        wait_scatter_both(1)
        plsc.subcore_barrier()
        pltpu.sync_copy(
            agg_sh.at[pl.ds(s * RPT, RPT)],
            out_hbm.at[c, pl.ds(s * RPT, RPT)],
        )

    return body(h2, edata)


def _comb_body(h2_ref, p0_ref, p1_ref, h3_ref, sum_ref, sq_ref):
    i = pl.program_id(0)
    x = h2_ref[...] + p0_ref[...] + p1_ref[...]
    h3_ref[...] = x

    @pl.when(i == 0)
    def _():
        sum_ref[...] = jnp.zeros_like(sum_ref)
        sq_ref[...] = jnp.zeros_like(sq_ref)

    sum_ref[0:1, :] += jnp.sum(x, axis=0, keepdims=True)
    sq_ref[0:1, :] += jnp.sum(x * x, axis=0, keepdims=True)


def _combine(h2, p0, p1):
    return pl.pallas_call(
        _comb_body,
        grid=(N_BLKS,),
        in_specs=[
            pl.BlockSpec((ROW_BLK, DIM), lambda i: (i, 0)),
            pl.BlockSpec((ROW_BLK, DIM), lambda i: (i, 0)),
            pl.BlockSpec((ROW_BLK, DIM), lambda i: (i, 0)),
        ],
        out_specs=[
            pl.BlockSpec((ROW_BLK, DIM), lambda i: (i, 0)),
            pl.BlockSpec((8, DIM), lambda i: (0, 0)),
            pl.BlockSpec((8, DIM), lambda i: (0, 0)),
        ],
        out_shape=[
            jax.ShapeDtypeStruct((N_NODES, DIM), jnp.float32),
            jax.ShapeDtypeStruct((8, DIM), jnp.float32),
            jax.ShapeDtypeStruct((8, DIM), jnp.float32),
        ],
    )(h2, p0, p1)


def _bn_body(h3_ref, sum_ref, sq_ref, g_ref, be_ref, o_ref):
    n = jnp.float32(N_NODES)
    mean = sum_ref[0:1, :] / n
    var = sq_ref[0:1, :] / n - mean * mean
    inv = lax.rsqrt(var + BN_EPS)
    o_ref[...] = g_ref[...] * (h3_ref[...] - mean) * inv + be_ref[...]


def _bn_apply(h3, ssum, ssq, g2, be2):
    return pl.pallas_call(
        _bn_body,
        grid=(N_BLKS,),
        in_specs=[
            pl.BlockSpec((ROW_BLK, DIM), lambda i: (i, 0)),
            pl.BlockSpec((8, DIM), lambda i: (0, 0)),
            pl.BlockSpec((8, DIM), lambda i: (0, 0)),
            pl.BlockSpec((1, DIM), lambda i: (0, 0)),
            pl.BlockSpec((1, DIM), lambda i: (0, 0)),
        ],
        out_specs=pl.BlockSpec((ROW_BLK, DIM), lambda i: (i, 0)),
        out_shape=jax.ShapeDtypeStruct((N_NODES, DIM), jnp.float32),
    )(h3, ssum, ssq, g2, be2)


def kernel(h, edge_index, edge_weight, W, b, gamma, beta):
    src = edge_index[0].astype(jnp.int32)
    dst = edge_index[1].astype(jnp.int32)
    pad = E_PAD - N_EDGES
    src = jnp.concatenate([src, jnp.zeros((pad,), jnp.int32)])
    dst = jnp.concatenate([dst, jnp.zeros((pad,), jnp.int32)])
    ew = jnp.concatenate([edge_weight.astype(jnp.float32),
                          jnp.zeros((pad,), jnp.float32)])
    nch_tot = E_PAD // CH
    edata = jnp.stack(
        [src.reshape(nch_tot, CH), dst.reshape(nch_tot, CH),
         lax.bitcast_convert_type(ew, jnp.int32).reshape(nch_tot, CH)],
        axis=1)

    h2 = _project(h, W, b.reshape(1, DIM))
    parts = _sc_aggregate(h2, edata)
    h3, ssum, ssq = _combine(h2, parts[0, :N_NODES], parts[1, :N_NODES])
    return _bn_apply(h3, ssum, ssq, gamma.reshape(1, DIM),
                     beta.reshape(1, DIM))

# --- scband reference (transcript-rebuilt; emitter-appended) ---
"""Pipeline reference for scband-gcnlayer-29403346109052 (READ-ONLY COPY).

The authoritative reference and input builder live on the scoring server;
editing this copy changes nothing except your own understanding.
"""

import jax, jax.numpy as jnp
import numpy as np

N_NODES = 10000
N_EDGES = 320000
IN_DIM = 128
HIDDEN_DIM = 128
BN_EPS = 1e-5


def setup_inputs(seed: int = 0) -> dict:
    key = jax.random.key(seed)
    k_h, k_ei, k_ew, k_w, k_b = jax.random.split(key, 5)
    h = jax.random.normal(k_h, (N_NODES, IN_DIM), dtype=jnp.float32)
    edge_index = jax.random.randint(k_ei, (2, N_EDGES), 0, N_NODES, dtype=jnp.int64)
    edge_weight = jax.random.uniform(k_ew, (N_EDGES,), dtype=jnp.float32)
    # Linear layer params (PyTorch nn.Linear: y = x @ W.T + b), store W as [in, out]
    limit = 1.0 / np.sqrt(IN_DIM)
    W = jax.random.uniform(k_w, (IN_DIM, HIDDEN_DIM), dtype=jnp.float32, minval=-limit, maxval=limit)
    b = jax.random.uniform(k_b, (HIDDEN_DIM,), dtype=jnp.float32, minval=-limit, maxval=limit)
    # BatchNorm1d affine params
    gamma = jnp.ones((HIDDEN_DIM,), dtype=jnp.float32)
    beta = jnp.zeros((HIDDEN_DIM,), dtype=jnp.float32)
    return {"h": h, "edge_index": edge_index, "edge_weight": edge_weight,
            "W": W, "b": b, "gamma": gamma, "beta": beta}


def reference(h, edge_index, edge_weight, W, b, gamma, beta):
    # feat_drop = 0.0 -> dropout is identity
    # Linear projection
    h = h @ W + b
    # Message passing: msg = w_e * h_src ; reduce: h_dst = h_dst + sum(msg)
    src = edge_index[0]
    dst = edge_index[1]
    msg = edge_weight[:, None] * jnp.take(h, src, axis=0)
    agg = jax.ops.segment_sum(msg, dst, num_segments=N_NODES)
    h = h + agg
    # BatchNorm1d (training-mode batch statistics, biased variance)
    mean = jnp.mean(h, axis=0)
    var = jnp.mean((h - mean) ** 2, axis=0)
    out = gamma * (h - mean) * jax.lax.rsqrt(var + BN_EPS) + beta
    return out

if __name__ == "__main__":
    import jax
    _d = setup_inputs()
    print(jax.jit(kernel)(*tuple(_d.values())))

</pallas_src>

<mosaic_0001>
#map = affine_map<(d0, d1) -> (0, 0)>
#map1 = affine_map<(d0, d1) -> (0, 0, 0)>
module attributes {stable_mosaic.version = 14 : i64} {
  func.func @body(%arg0: i32, %arg1: i32, %arg2: memref<10000x128xf32, #tpu.memory_space<hbm>>, %arg3: memref<2560x3x128xi32, #tpu.memory_space<hbm>>, %arg4: memref<2x10112x128xf32, #tpu.memory_space<hbm>>, %arg5: memref<3x128xi32, #tpu.memory_space<vmem>>, %arg6: memref<3x128xi32, #tpu.memory_space<vmem>>, %arg7: memref<128x128xf32, #tpu.memory_space<vmem>>, %arg8: memref<128x128xf32, #tpu.memory_space<vmem>>, %arg9: memref<64xi32, #tpu.memory_space<vmem>>, %arg10: memref<64xi32, #tpu.memory_space<vmem>>, %arg11: memref<64xi32, #tpu.memory_space<vmem>>, %arg12: memref<64xi32, #tpu.memory_space<vmem>>, %arg13: memref<8x128xf32, #tpu.memory_space<vmem>>, %arg14: memref<10112x128xf32, #tpu.memory_space<vmem_shared>>, %arg15: memref<!tpu.dma_semaphore, #tpu.memory_space<semaphore_mem>>, %arg16: memref<!tpu.dma_semaphore, #tpu.memory_space<semaphore_mem>>, %arg17: memref<!tpu.dma_semaphore, #tpu.memory_space<semaphore_mem>>, %arg18: memref<!tpu.dma_semaphore, #tpu.memory_space<semaphore_mem>>, %arg19: memref<!tpu.dma_semaphore, #tpu.memory_space<semaphore_mem>>, %arg20: memref<!tpu.dma_semaphore, #tpu.memory_space<semaphore_mem>>) attributes {dimension_semantics = [#tpu.dimension_semantics<core_parallel>, #tpu.dimension_semantics<subcore_parallel>], iteration_bounds = array<i64: 2, 16>, scalar_prefetch = 0 : i64, scratch_operands = 16 : i64, tpu.core_type = #tpu.core_type<sc_vector_subcore>, window_params = [{transform_indices = #map}, {transform_indices = #map1}, {transform_indices = #map1}]} {
    %mul3A = arith.constant 2 : i32
    %mul3A_0 = arith.muli %arg1, %mul3A : i32
    %add3A = arith.addi %mul3A_0, %arg0 : i32
    %broadcast_in_dim3A = arith.constant 0.000000e+00 : f32
    %broadcast_in_dim3A_1 = vector.broadcast %broadcast_in_dim3A : f32 to vector<16xf32>
    %swap3A = arith.constant 0 : i32
    %swap3A_2 = arith.index_cast %swap3A : i32 to index
    %swap3A_3 = arith.constant 0 : index
    %swap3A_4 = tpu.vector_load %arg13[%swap3A_2, %swap3A_3] {strides = array<i32>} : memref<8x128xf32, #tpu.memory_space<vmem>>, vector<16xf32>,
    tpu.vector_store %arg13[%swap3A_2, %swap3A_3], %broadcast_in_dim3A_1 {strides = array<i32>} : memref<8x128xf32, #tpu.memory_space<vmem>>, vector<16xf32>,
    %broadcast_in_dim3A_5 = arith.constant 0.000000e+00 : f32
    %broadcast_in_dim3A_6 = vector.broadcast %broadcast_in_dim3A_5 : f32 to vector<16xf32>
    %swap3A_7 = arith.constant 0 : i32
    %swap3A_8 = arith.index_cast %swap3A_7 : i32 to index
    %swap3A_9 = arith.constant 16 : index
    %swap3A_10 = tpu.vector_load %arg13[%swap3A_8, %swap3A_9] {strides = array<i32>} : memref<8x128xf32, #tpu.memory_space<vmem>>, vector<16xf32>,
    tpu.vector_store %arg13[%swap3A_8, %swap3A_9], %broadcast_in_dim3A_6 {strides = array<i32>} : memref<8x128xf32, #tpu.memory_space<vmem>>, vector<16xf32>,
    %broadcast_in_dim3A_11 = arith.constant 0.000000e+00 : f32
    %broadcast_in_dim3A_12 = vector.broadcast %broadcast_in_dim3A_11 : f32 to vector<16xf32>
    %swap3A_13 = arith.constant 0 : i32
    %swap3A_14 = arith.index_cast %swap3A_13 : i32 to index
    %swap3A_15 = arith.constant 32 : index
    %swap3A_16 = tpu.vector_load %arg13[%swap3A_14, %swap3A_15] {strides = array<i32>} : memref<8x128xf32, #tpu.memory_space<vmem>>, vector<16xf32>,
    tpu.vector_store %arg13[%swap3A_14, %swap3A_15], %broadcast_in_dim3A_12 {strides = array<i32>} : memref<8x128xf32, #tpu.memory_space<vmem>>, vector<16xf32>,
    %broadcast_in_dim3A_17 = arith.constant 0.000000e+00 : f32
    %broadcast_in_dim3A_18 = vector.broadcast %broadcast_in_dim3A_17 : f32 to vector<16xf32>
    %swap3A_19 = arith.constant 0 : i32
    %swap3A_20 = arith.index_cast %swap3A_19 : i32 to index
    %swap3A_21 = arith.constant 48 : index
    %swap3A_22 = tpu.vector_load %arg13[%swap3A_20, %swap3A_21] {strides = array<i32>} : memref<8x128xf32, #tpu.memory_space<vmem>>, vector<16xf32>,
    tpu.vector_store %arg13[%swap3A_20, %swap3A_21], %broadcast_in_dim3A_18 {strides = array<i32>} : memref<8x128xf32, #tpu.memory_space<vmem>>, vector<16xf32>,
    %broadcast_in_dim3A_23 = arith.constant 0.000000e+00 : f32
    %broadcast_in_dim3A_24 = vector.broadcast %broadcast_in_dim3A_23 : f32 to vector<16xf32>
    %swap3A_25 = arith.constant 0 : i32
    %swap3A_26 = arith.index_cast %swap3A_25 : i32 to index
    %swap3A_27 = arith.constant 64 : index
    %swap3A_28 = tpu.vector_load %arg13[%swap3A_26, %swap3A_27] {strides = array<i32>} : memref<8x128xf32, #tpu.memory_space<vmem>>, vector<16xf32>,
    tpu.vector_store %arg13[%swap3A_26, %swap3A_27], %broadcast_in_dim3A_24 {strides = array<i32>} : memref<8x128xf32, #tpu.memory_space<vmem>>, vector<16xf32>,
    %broadcast_in_dim3A_29 = arith.constant 0.000000e+00 : f32
    %broadcast_in_dim3A_30 = vector.broadcast %broadcast_in_dim3A_29 : f32 to vector<16xf32>
    %swap3A_31 = arith.constant 0 : i32
    %swap3A_32 = arith.index_cast %swap3A_31 : i32 to index
    %swap3A_33 = arith.constant 80 : index
    %swap3A_34 = tpu.vector_load %arg13[%swap3A_32, %swap3A_33] {strides = array<i32>} : memref<8x128xf32, #tpu.memory_space<vmem>>, vector<16xf32>,
    tpu.vector_store %arg13[%swap3A_32, %swap3A_33], %broadcast_in_dim3A_30 {strides = array<i32>} : memref<8x128xf32, #tpu.memory_space<vmem>>, vector<16xf32>,
    %broadcast_in_dim3A_35 = arith.constant 0.000000e+00 : f32
    %broadcast_in_dim3A_36 = vector.broadcast %broadcast_in_dim3A_35 : f32 to vector<16xf32>
    %swap3A_37 = arith.constant 0 : i32
    %swap3A_38 = arith.index_cast %swap3A_37 : i32 to index
    %swap3A_39 = arith.constant 96 : index
    %swap3A_40 = tpu.vector_load %arg13[%swap3A_38, %swap3A_39] {strides = array<i32>} : memref<8x128xf32, #tpu.memory_space<vmem>>, vector<16xf32>,
    tpu.vector_store %arg13[%swap3A_38, %swap3A_39], %broadcast_in_dim3A_36 {strides = array<i32>} : memref<8x128xf32, #tpu.memory_space<vmem>>, vector<16xf32>,
    %broadcast_in_dim3A_41 = arith.constant 0.000000e+00 : f32
    %broadcast_in_dim3A_42 = vector.broadcast %broadcast_in_dim3A_41 : f32 to vector<16xf32>
    %swap3A_43 = arith.constant 0 : i32
    %swap3A_44 = arith.index_cast %swap3A_43 : i32 to index
    %swap3A_45 = arith.constant 112 : index
    %swap3A_46 = tpu.vector_load %arg13[%swap3A_44, %swap3A_45] {strides = array<i32>} : memref<8x128xf32, #tpu.memory_space<vmem>>, vector<16xf32>,
    tpu.vector_store %arg13[%swap3A_44, %swap3A_45], %broadcast_in_dim3A_42 {strides = array<i32>} : memref<8x128xf32, #tpu.memory_space<vmem>>, vector<16xf32>,
    %broadcast_in_dim3A_47 = arith.constant 0.000000e+00 : f32
    %broadcast_in_dim3A_48 = vector.broadcast %broadcast_in_dim3A_47 : f32 to vector<16xf32>
    %swap3A_49 = arith.constant 1 : i32
    %swap3A_50 = arith.index_cast %swap3A_49 : i32 to index
    %swap3A_51 = arith.constant 0 : index
    %swap3A_52 = tpu.vector_load %arg13[%swap3A_50, %swap3A_51] {strides = array<i32>} : memref<8x128xf32, #tpu.memory_space<vmem>>, vector<16xf32>,
    tpu.vector_store %arg13[%swap3A_50, %swap3A_51], %broadcast_in_dim3A_48 {strides = array<i32>} : memref<8x128xf32, #tpu.memory_space<vmem>>, vector<16xf32>,
    %broadcast_in_dim3A_53 = arith.constant 0.000000e+00 : f32
    %broadcast_in_dim3A_54 = vector.broadcast %broadcast_in_dim3A_53 : f32 to vector<16xf32>
    %swap3A_55 = arith.constant 1 : i32
    %swap3A_56 = arith.index_cast %swap3A_55 : i32 to index
    %swap3A_57 = arith.constant 16 : index
    %swap3A_58 = tpu.vector_load %arg13[%swap3A_56, %swap3A_57] {strides = array<i32>} : memref<8x128xf32, #tpu.memory_space<vmem>>, vector<16xf32>,
    tpu.vector_store %arg13[%swap3A_56, %swap3A_57], %broadcast_in_dim3A_54 {strides = array<i32>} : memref<8x128xf32, #tpu.memory_space<vmem>>, vector<16xf32>,
    %broadcast_in_dim3A_59 = arith.constant 0.000000e+00 : f32
    %broadcast_in_dim3A_60 = vector.broadcast %broadcast_in_dim3A_59 : f32 to vector<16xf32>
    %swap3A_61 = arith.constant 1 : i32
    %swap3A_62 = arith.index_cast %swap3A_61 : i32 to index
    %swap3A_63 = arith.constant 32 : index
    %swap3A_64 = tpu.vector_load %arg13[%swap3A_62, %swap3A_63] {strides = array<i32>} : memref<8x128xf32, #tpu.memory_space<vmem>>, vector<16xf32>,
    tpu.vector_store %arg13[%swap3A_62, %swap3A_63], %broadcast_in_dim3A_60 {strides = array<i32>} : memref<8x128xf32, #tpu.memory_space<vmem>>, vector<16xf32>,
    %broadcast_in_dim3A_65 = arith.constant 0.000000e+00 : f32
    %broadcast_in_dim3A_66 = vector.broadcast %broadcast_in_dim3A_65 : f32 to vector<16xf32>
    %swap3A_67 = arith.constant 1 : i32
    %swap3A_68 = arith.index_cast %swap3A_67 : i32 to index
    %swap3A_69 = arith.constant 48 : index
    %swap3A_70 = tpu.vector_load %arg13[%swap3A_68, %swap3A_69] {strides = array<i32>} : memref<8x128xf32, #tpu.memory_space<vmem>>, vector<16xf32>,
    tpu.vector_store %arg13[%swap3A_68, %swap3A_69], %broadcast_in_dim3A_66 {strides = array<i32>} : memref<8x128xf32, #tpu.memory_space<vmem>>, vector<16xf32>,
    %broadcast_in_dim3A_71 = arith.constant 0.000000e+00 : f32
    %broadcast_in_dim3A_72 = vector.broadcast %broadcast_in_dim3A_71 : f32 to vector<16xf32>
    %swap3A_73 = arith.constant 1 : i32
    %swap3A_74 = arith.index_cast %swap3A_73 : i32 to index
    %swap3A_75 = arith.constant 64 : index
    %swap3A_76 = tpu.vector_load %arg13[%swap3A_74, %swap3A_75] {strides = array<i32>} : memref<8x128xf32, #tpu.memory_space<vmem>>, vector<16xf32>,
    tpu.vector_store %arg13[%swap3A_74, %swap3A_75], %broadcast_in_dim3A_72 {strides = array<i32>} : memref<8x128xf32, #tpu.memory_space<vmem>>, vector<16xf32>,
    %broadcast_in_dim3A_77 = arith.constant 0.000000e+00 : f32
    %broadcast_in_dim3A_78 = vector.broadcast %broadcast_in_dim3A_77 : f32 to vector<16xf32>
    %swap3A_79 = arith.constant 1 : i32
    %swap3A_80 = arith.index_cast %swap3A_79 : i32 to index
    %swap3A_81 = arith.constant 80 : index
    %swap3A_82 = tpu.vector_load %arg13[%swap3A_80, %swap3A_81] {strides = array<i32>} : memref<8x128xf32, #tpu.memory_space<vmem>>, vector<16xf32>,
    tpu.vector_store %arg13[%swap3A_80, %swap3A_81], %broadcast_in_dim3A_78 {strides = array<i32>} : memref<8x128xf32, #tpu.memory_space<vmem>>, vector<16xf32>,
    %broadcast_in_dim3A_83 = arith.constant 0.000000e+00 : f32
    %broadcast_in_dim3A_84 = vector.broadcast %broadcast_in_dim3A_83 : f32 to vector<16xf32>
    %swap3A_85 = arith.constant 1 : i32
    %swap3A_86 = arith.index_cast %swap3A_85 : i32 to index
    %swap3A_87 = arith.constant 96 : index
    %swap3A_88 = tpu.vector_load %arg13[%swap3A_86, %swap3A_87] {strides = array<i32>} : memref<8x128xf32, #tpu.memory_space<vmem>>, vector<16xf32>,
    tpu.vector_store %arg13[%swap3A_86, %swap3A_87], %broadcast_in_dim3A_84 {strides = array<i32>} : memref<8x128xf32, #tpu.memory_space<vmem>>, vector<16xf32>,
    %broadcast_in_dim3A_89 = arith.constant 0.000000e+00 : f32
    %broadcast_in_dim3A_90 = vector.broadcast %broadcast_in_dim3A_89 : f32 to vector<16xf32>
    %swap3A_91 = arith.constant 1 : i32
    %swap3A_92 = arith.index_cast %swap3A_91 : i32 to index
    %swap3A_93 = arith.constant 112 : index
    %swap3A_94 = tpu.vector_load %arg13[%swap3A_92, %swap3A_93] {strides = array<i32>} : memref<8x128xf32, #tpu.memory_space<vmem>>, vector<16xf32>,
    tpu.vector_store %arg13[%swap3A_92, %swap3A_93], %broadcast_in_dim3A_90 {strides = array<i32>} : memref<8x128xf32, #tpu.memory_space<vmem>>, vector<16xf32>,
    %broadcast_in_dim3A_95 = arith.constant 0.000000e+00 : f32
    %broadcast_in_dim3A_96 = vector.broadcast %broadcast_in_dim3A_95 : f32 to vector<16xf32>
    %swap3A_97 = arith.constant 2 : i32
    %swap3A_98 = arith.index_cast %swap3A_97 : i32 to index
    %swap3A_99 = arith.constant 0 : index
    %swap3A_100 = tpu.vector_load %arg13[%swap3A_98, %swap3A_99] {strides = array<i32>} : memref<8x128xf32, #tpu.memory_space<vmem>>, vector<16xf32>,
    tpu.vector_store %arg13[%swap3A_98, %swap3A_99], %broadcast_in_dim3A_96 {strides = array<i32>} : memref<8x128xf32, #tpu.memory_space<vmem>>, vector<16xf32>,
    %broadcast_in_dim3A_101 = arith.constant 0.000000e+00 : f32
    %broadcast_in_dim3A_102 = vector.broadcast %broadcast_in_dim3A_101 : f32 to vector<16xf32>
    %swap3A_103 = arith.constant 2 : i32
    %swap3A_104 = arith.index_cast %swap3A_103 : i32 to index
    %swap3A_105 = arith.constant 16 : index
    %swap3A_106 = tpu.vector_load %arg13[%swap3A_104, %swap3A_105] {strides = array<i32>} : memref<8x128xf32, #tpu.memory_space<vmem>>, vector<16xf32>,
    tpu.vector_store %arg13[%swap3A_104, %swap3A_105], %broadcast_in_dim3A_102 {strides = array<i32>} : memref<8x128xf32, #tpu.memory_space<vmem>>, vector<16xf32>,
    %broadcast_in_dim3A_107 = arith.constant 0.000000e+00 : f32
    %broadcast_in_dim3A_108 = vector.broadcast %broadcast_in_dim3A_107 : f32 to vector<16xf32>
    %swap3A_109 = arith.constant 2 : i32
    %swap3A_110 = arith.index_cast %swap3A_109 : i32 to index
    %swap3A_111 = arith.constant 32 : index
    %swap3A_112 = tpu.vector_load %arg13[%swap3A_110, %swap3A_111] {strides = array<i32>} : memref<8x128xf32, #tpu.memory_space<vmem>>, vector<16xf32>,
    tpu.vector_store %arg13[%swap3A_110, %swap3A_111], %broadcast_in_dim3A_108 {strides = array<i32>} : memref<8x128xf32, #tpu.memory_space<vmem>>, vector<16xf32>,
    %broadcast_in_dim3A_113 = arith.constant 0.000000e+00 : f32
    %broadcast_in_dim3A_114 = vector.broadcast %broadcast_in_dim3A_113 : f32 to vector<16xf32>
    %swap3A_115 = arith.constant 2 : i32
    %swap3A_116 = arith.index_cast %swap3A_115 : i32 to index
    %swap3A_117 = arith.constant 48 : index
    %swap3A_118 = tpu.vector_load %arg13[%swap3A_116, %swap3A_117] {strides = array<i32>} : memref<8x128xf32, #tpu.memory_space<vmem>>, vector<16xf32>,
    tpu.vector_store %arg13[%swap3A_116, %swap3A_117], %broadcast_in_dim3A_114 {strides = array<i32>} : memref<8x128xf32, #tpu.memory_space<vmem>>, vector<16xf32>,
    %broadcast_in_dim3A_119 = arith.constant 0.000000e+00 : f32
    %broadcast_in_dim3A_120 = vector.broadcast %broadcast_in_dim3A_119 : f32 to vector<16xf32>
    %swap3A_121 = arith.constant 2 : i32
    %swap3A_122 = arith.index_cast %swap3A_121 : i32 to index
    %swap3A_123 = arith.constant 64 : index
    %swap3A_124 = tpu.vector_load %arg13[%swap3A_122, %swap3A_123] {strides = array<i32>} : memref<8x128xf32, #tpu.memory_space<vmem>>, vector<16xf32>,
    tpu.vector_store %arg13[%swap3A_122, %swap3A_123], %broadcast_in_dim3A_120 {strides = array<i32>} : memref<8x128xf32, #tpu.memory_space<vmem>>, vector<16xf32>,
    %broadcast_in_dim3A_125 = arith.constant 0.000000e+00 : f32
    %broadcast_in_dim3A_126 = vector.broadcast %broadcast_in_dim3A_125 : f32 to vector<16xf32>
    %swap3A_127 = arith.constant 2 : i32
    %swap3A_128 = arith.index_cast %swap3A_127 : i32 to index
    %swap3A_129 = arith.constant 80 : index
    %swap3A_130 = tpu.vector_load %arg13[%swap3A_128, %swap3A_129] {strides = array<i32>} : memref<8x128xf32, #tpu.memory_space<vmem>>, vector<16xf32>,
    tpu.vector_store %arg13[%swap3A_128, %swap3A_129], %broadcast_in_dim3A_126 {strides = array<i32>} : memref<8x128xf32, #tpu.memory_space<vmem>>, vector<16xf32>,
    %broadcast_in_dim3A_131 = arith.constant 0.000000e+00 : f32
    %broadcast_in_dim3A_132 = vector.broadcast %broadcast_in_dim3A_131 : f32 to vector<16xf32>
    %swap3A_133 = arith.constant 2 : i32
    %swap3A_134 = arith.index_cast %swap3A_133 : i32 to index
    %swap3A_135 = arith.constant 96 : index
    %swap3A_136 = tpu.vector_load %arg13[%swap3A_134, %swap3A_135] {strides = array<i32>} : memref<8x128xf32, #tpu.memory_space<vmem>>, vector<16xf32>,
    tpu.vector_store %arg13[%swap3A_134, %swap3A_135], %broadcast_in_dim3A_132 {strides = array<i32>} : memref<8x128xf32, #tpu.memory_space<vmem>>, vector<16xf32>,
    %broadcast_in_dim3A_137 = arith.constant 0.000000e+00 : f32
    %broadcast_in_dim3A_138 = vector.broadcast %broadcast_in_dim3A_137 : f32 to vector<16xf32>
    %swap3A_139 = arith.constant 2 : i32
    %swap3A_140 = arith.index_cast %swap3A_139 : i32 to index
    %swap3A_141 = arith.constant 112 : index
    %swap3A_142 = tpu.vector_load %arg13[%swap3A_140, %swap3A_141] {strides = array<i32>} : memref<8x128xf32, #tpu.memory_space<vmem>>, vector<16xf32>,
    tpu.vector_store %arg13[%swap3A_140, %swap3A_141], %broadcast_in_dim3A_138 {strides = array<i32>} : memref<8x128xf32, #tpu.memory_space<vmem>>, vector<16xf32>,
    %broadcast_in_dim3A_143 = arith.constant 0.000000e+00 : f32
    %broadcast_in_dim3A_144 = vector.broadcast %broadcast_in_dim3A_143 : f32 to vector<16xf32>
    %swap3A_145 = arith.constant 3 : i32
    %swap3A_146 = arith.index_cast %swap3A_145 : i32 to index
    %swap3A_147 = arith.constant 0 : index
    %swap3A_148 = tpu.vector_load %arg13[%swap3A_146, %swap3A_147] {strides = array<i32>} : memref<8x128xf32, #tpu.memory_space<vmem>>, vector<16xf32>,
    tpu.vector_store %arg13[%swap3A_146, %swap3A_147], %broadcast_in_dim3A_144 {strides = array<i32>} : memref<8x128xf32, #tpu.memory_space<vmem>>, vector<16xf32>,
    %broadcast_in_dim3A_149 = arith.constant 0.000000e+00 : f32
    %broadcast_in_dim3A_150 = vector.broadcast %broadcast_in_dim3A_149 : f32 to vector<16xf32>
    %swap3A_151 = arith.constant 3 : i32
    %swap3A_152 = arith.index_cast %swap3A_151 : i32 to index
    %swap3A_153 = arith.constant 16 : index
    %swap3A_154 = tpu.vector_load %arg13[%swap3A_152, %swap3A_153] {strides = array<i32>} : memref<8x128xf32, #tpu.memory_space<vmem>>, vector<16xf32>,
    tpu.vector_store %arg13[%swap3A_152, %swap3A_153], %broadcast_in_dim3A_150 {strides = array<i32>} : memref<8x128xf32, #tpu.memory_space<vmem>>, vector<16xf32>,
    %broadcast_in_dim3A_155 = arith.constant 0.000000e+00 : f32
    %broadcast_in_dim3A_156 = vector.broadcast %broadcast_in_dim3A_155 : f32 to vector<16xf32>
    %swap3A_157 = arith.constant 3 : i32
    %swap3A_158 = arith.index_cast %swap3A_157 : i32 to index
    %swap3A_159 = arith.constant 32 : index
    %swap3A_160 = tpu.vector_load %arg13[%swap3A_158, %swap3A_159] {strides = array<i32>} : memref<8x128xf32, #tpu.memory_space<vmem>>, vector<16xf32>,
    tpu.vector_store %arg13[%swap3A_158, %swap3A_159], %broadcast_in_dim3A_156 {strides = array<i32>} : memref<8x128xf32, #tpu.memory_space<vmem>>, vector<16xf32>,
    %broadcast_in_dim3A_161 = arith.constant 0.000000e+00 : f32
    %broadcast_in_dim3A_162 = vector.broadcast %broadcast_in_dim3A_161 : f32 to vector<16xf32>
    %swap3A_163 = arith.constant 3 : i32
    %swap3A_164 = arith.index_cast %swap3A_163 : i32 to index
    %swap3A_165 = arith.constant 48 : index
    %swap3A_166 = tpu.vector_load %arg13[%swap3A_164, %swap3A_165] {strides = array<i32>} : memref<8x128xf32, #tpu.memory_space<vmem>>, vector<16xf32>,
    tpu.vector_store %arg13[%swap3A_164, %swap3A_165], %broadcast_in_dim3A_162 {strides = array<i32>} : memref<8x128xf32, #tpu.memory_space<vmem>>, vector<16xf32>,
    %broadcast_in_dim3A_167 = arith.constant 0.000000e+00 : f32
    %broadcast_in_dim3A_168 = vector.broadcast %broadcast_in_dim3A_167 : f32 to vector<16xf32>
    %swap3A_169 = arith.constant 3 : i32
    %swap3A_170 = arith.index_cast %swap3A_169 : i32 to index
    %swap3A_171 = arith.constant 64 : index
    %swap3A_172 = tpu.vector_load %arg13[%swap3A_170, %swap3A_171] {strides = array<i32>} : memref<8x128xf32, #tpu.memory_space<vmem>>, vector<16xf32>,
    tpu.vector_store %arg13[%swap3A_170, %swap3A_171], %broadcast_in_dim3A_168 {strides = array<i32>} : memref<8x128xf32, #tpu.memory_space<vmem>>, vector<16xf32>,
    %broadcast_in_dim3A_173 = arith.constant 0.000000e+00 : f32
    %broadcast_in_dim3A_174 = vector.broadcast %broadcast_in_dim3A_173 : f32 to vector<16xf32>
    %swap3A_175 = arith.constant 3 : i32
    %swap3A_176 = arith.index_cast %swap3A_175 : i32 to index
    %swap3A_177 = arith.constant 80 : index
    %swap3A_178 = tpu.vector_load %arg13[%swap3A_176, %swap3A_177] {strides = array<i32>} : memref<8x128xf32, #tpu.memory_space<vmem>>, vector<16xf32>,
    tpu.vector_store %arg13[%swap3A_176, %swap3A_177], %broadcast_in_dim3A_174 {strides = array<i32>} : memref<8x128xf32, #tpu.memory_space<vmem>>, vector<16xf32>,
    %broadcast_in_dim3A_179 = arith.constant 0.000000e+00 : f32
    %broadcast_in_dim3A_180 = vector.broadcast %broadcast_in_dim3A_179 : f32 to vector<16xf32>
    %swap3A_181 = arith.constant 3 : i32
    %swap3A_182 = arith.index_cast %swap3A_181 : i32 to index
    %swap3A_183 = arith.constant 96 : index
    %swap3A_184 = tpu.vector_load %arg13[%swap3A_182, %swap3A_183] {strides = array<i32>} : memref<8x128xf32, #tpu.memory_space<vmem>>, vector<16xf32>,
    tpu.vector_store %arg13[%swap3A_182, %swap3A_183], %broadcast_in_dim3A_180 {strides = array<i32>} : memref<8x128xf32, #tpu.memory_space<vmem>>, vector<16xf32>,
    %broadcast_in_dim3A_185 = arith.constant 0.000000e+00 : f32
    %broadcast_in_dim3A_186 = vector.broadcast %broadcast_in_dim3A_185 : f32 to vector<16xf32>
    %swap3A_187 = arith.constant 3 : i32
    %swap3A_188 = arith.index_cast %swap3A_187 : i32 to index
    %swap3A_189 = arith.constant 112 : index
    %swap3A_190 = tpu.vector_load %arg13[%swap3A_188, %swap3A_189] {strides = array<i32>} : memref<8x128xf32, #tpu.memory_space<vmem>>, vector<16xf32>,
    tpu.vector_store %arg13[%swap3A_188, %swap3A_189], %broadcast_in_dim3A_186 {strides = array<i32>} : memref<8x128xf32, #tpu.memory_space<vmem>>, vector<16xf32>,
    %broadcast_in_dim3A_191 = arith.constant 0.000000e+00 : f32
    %broadcast_in_dim3A_192 = vector.broadcast %broadcast_in_dim3A_191 : f32 to vector<16xf32>
    %swap3A_193 = arith.constant 4 : i32
    %swap3A_194 = arith.index_cast %swap3A_193 : i32 to index
    %swap3A_195 = arith.constant 0 : index
    %swap3A_196 = tpu.vector_load %arg13[%swap3A_194, %swap3A_195] {strides = array<i32>} : memref<8x128xf32, #tpu.memory_space<vmem>>, vector<16xf32>,
    tpu.vector_store %arg13[%swap3A_194, %swap3A_195], %broadcast_in_dim3A_192 {strides = array<i32>} : memref<8x128xf32, #tpu.memory_space<vmem>>, vector<16xf32>,
    %broadcast_in_dim3A_197 = arith.constant 0.000000e+00 : f32
    %broadcast_in_dim3A_198 = vector.broadcast %broadcast_in_dim3A_197 : f32 to vector<16xf32>
    %swap3A_199 = arith.constant 4 : i32
    %swap3A_200 = arith.index_cast %swap3A_199 : i32 to index
    %swap3A_201 = arith.constant 16 : index
    %swap3A_202 = tpu.vector_load %arg13[%swap3A_200, %swap3A_201] {strides = array<i32>} : memref<8x128xf32, #tpu.memory_space<vmem>>, vector<16xf32>,
    tpu.vector_store %arg13[%swap3A_200, %swap3A_201], %broadcast_in_dim3A_198 {strides = array<i32>} : memref<8x128xf32, #tpu.memory_space<vmem>>, vector<16xf32>,
    %broadcast_in_dim3A_203 = arith.constant 0.000000e+00 : f32
    %broadcast_in_dim3A_204 = vector.broadcast %broadcast_in_dim3A_203 : f32 to vector<16xf32>
    %swap3A_205 = arith.constant 4 : i32
    %swap3A_206 = arith.index_cast %swap3A_205 : i32 to index
    %swap3A_207 = arith.constant 32 : index
    %swap3A_208 = tpu.vector_load %arg13[%swap3A_206, %swap3A_207] {strides = array<i32>} : memref<8x128xf32, #tpu.memory_space<vmem>>, vector<16xf32>,
    tpu.vector_store %arg13[%swap3A_206, %swap3A_207], %broadcast_in_dim3A_204 {strides = array<i32>} : memref<8x128xf32, #tpu.memory_space<vmem>>, vector<16xf32>,
    %broadcast_in_dim3A_209 = arith.constant 0.000000e+00 : f32
    %broadcast_in_dim3A_210 = vector.broadcast %broadcast_in_dim3A_209 : f32 to vector<16xf32>
    %swap3A_211 = arith.constant 4 : i32
    %swap3A_212 = arith.index_cast %swap3A_211 : i32 to index
    %swap3A_213 = arith.constant 48 : index
    %swap3A_214 = tpu.vector_load %arg13[%swap3A_212, %swap3A_213] {strides = array<i32>} : memref<8x128xf32, #tpu.memory_space<vmem>>, vector<16xf32>,
    tpu.vector_store %arg13[%swap3A_212, %swap3A_213], %broadcast_in_dim3A_210 {strides = array<i32>} : memref<8x128xf32, #tpu.memory_space<vmem>>, vector<16xf32>,
    %broadcast_in_dim3A_215 = arith.constant 0.000000e+00 : f32
    %broadcast_in_dim3A_216 = vector.broadcast %broadcast_in_dim3A_215 : f32 to vector<16xf32>
    %swap3A_217 = arith.constant 4 : i32
    %swap3A_218 = arith.index_cast %swap3A_217 : i32 to index
    %swap3A_219 = arith.constant 64 : index
    %swap3A_220 = tpu.vector_load %arg13[%swap3A_218, %swap3A_219] {strides = array<i32>} : memref<8x128xf32, #tpu.memory_space<vmem>>, vector<16xf32>,
    tpu.vector_store %arg13[%swap3A_218, %swap3A_219], %broadcast_in_dim3A_216 {strides = array<i32>} : memref<8x128xf32, #tpu.memory_space<vmem>>, vector<16xf32>,
    %broadcast_in_dim3A_221 = arith.constant 0.000000e+00 : f32
    %broadcast_in_dim3A_222 = vector.broadcast %broadcast_in_dim3A_221 : f32 to vector<16xf32>
    %swap3A_223 = arith.constant 4 : i32
    %swap3A_224 = arith.index_cast %swap3A_223 : i32 to index
    %swap3A_225 = arith.constant 80 : index
    %swap3A_226 = tpu.vector_load %arg13[%swap3A_224, %swap3A_225] {strides = array<i32>} : memref<8x128xf32, #tpu.memory_space<vmem>>, vector<16xf32>,
    tpu.vector_store %arg13[%swap3A_224, %swap3A_225], %broadcast_in_dim3A_222 {strides = array<i32>} : memref<8x128xf32, #tpu.memory_space<vmem>>, vector<16xf32>,
    %broadcast_in_dim3A_227 = arith.constant 0.000000e+00 : f32
    %broadcast_in_dim3A_228 = vector.broadcast %broadcast_in_dim3A_227 : f32 to vector<16xf32>
    %swap3A_229 = arith.constant 4 : i32
    %swap3A_230 = arith.index_cast %swap3A_229 : i32 to index
    %swap3A_231 = arith.constant 96 : index
    %swap3A_232 = tpu.vector_load %arg13[%swap3A_230, %swap3A_231] {strides = array<i32>} : memref<8x128xf32, #tpu.memory_space<vmem>>, vector<16xf32>,
    tpu.vector_store %arg13[%swap3A_230, %swap3A_231], %broadcast_in_dim3A_228 {strides = array<i32>} : memref<8x128xf32, #tpu.memory_space<vmem>>, vector<16xf32>,
    %broadcast_in_dim3A_233 = arith.constant 0.000000e+00 : f32
    %broadcast_in_dim3A_234 = vector.broadcast %broadcast_in_dim3A_233 : f32 to vector<16xf32>
    %swap3A_235 = arith.constant 4 : i32
    %swap3A_236 = arith.index_cast %swap3A_235 : i32 to index
    %swap3A_237 = arith.constant 112 : index
    %swap3A_238 = tpu.vector_load %arg13[%swap3A_236, %swap3A_237] {strides = array<i32>} : memref<8x128xf32, #tpu.memory_space<vmem>>, vector<16xf32>,
    tpu.vector_store %arg13[%swap3A_236, %swap3A_237], %broadcast_in_dim3A_234 {strides = array<i32>} : memref<8x128xf32, #tpu.memory_space<vmem>>, vector<16xf32>,
    %broadcast_in_dim3A_239 = arith.constant 0.000000e+00 : f32
    %broadcast_in_dim3A_240 = vector.broadcast %broadcast_in_dim3A_239 : f32 to vector<16xf32>
    %swap3A_241 = arith.constant 5 : i32
    %swap3A_242 = arith.index_cast %swap3A_241 : i32 to index
    %swap3A_243 = arith.constant 0 : index
    %swap3A_244 = tpu.vector_load %arg13[%swap3A_242, %swap3A_243] {strides = array<i32>} : memref<8x128xf32, #tpu.memory_space<vmem>>, vector<16xf32>,
    tpu.vector_store %arg13[%swap3A_242, %swap3A_243], %broadcast_in_dim3A_240 {strides = array<i32>} : memref<8x128xf32, #tpu.memory_space<vmem>>, vector<16xf32>,
    %broadcast_in_dim3A_245 = arith.constant 0.000000e+00 : f32
    %broadcast_in_dim3A_246 = vector.broadcast %broadcast_in_dim3A_245 : f32 to vector<16xf32>
    %swap3A_247 = arith.constant 5 : i32
    %swap3A_248 = arith.index_cast %swap3A_247 : i32 to index
    %swap3A_249 = arith.constant 16 : index
    %swap3A_250 = tpu.vector_load %arg13[%swap3A_248, %swap3A_249] {strides = array<i32>} : memref<8x128xf32, #tpu.memory_space<vmem>>, vector<16xf32>,
    tpu.vector_store %arg13[%swap3A_248, %swap3A_249], %broadcast_in_dim3A_246 {strides = array<i32>} : memref<8x128xf32, #tpu.memory_space<vmem>>, vector<16xf32>,
    %broadcast_in_dim3A_251 = arith.constant 0.000000e+00 : f32
    %broadcast_in_dim3A_252 = vector.broadcast %broadcast_in_dim3A_251 : f32 to vector<16xf32>
    %swap3A_253 = arith.constant 5 : i32
    %swap3A_254 = arith.index_cast %swap3A_253 : i32 to index
    %swap3A_255 = arith.constant 32 : index
    %swap3A_256 = tpu.vector_load %arg13[%swap3A_254, %swap3A_255] {strides = array<i32>} : memref<8x128xf32, #tpu.memory_space<vmem>>, vector<16xf32>,
    tpu.vector_store %arg13[%swap3A_254, %swap3A_255], %broadcast_in_dim3A_252 {strides = array<i32>} : memref<8x128xf32, #tpu.memory_space<vmem>>, vector<16xf32>,
    %broadcast_in_dim3A_257 = arith.constant 0.000000e+00 : f32
    %broadcast_in_dim3A_258 = vector.broadcast %broadcast_in_dim3A_257 : f32 to vector<16xf32>
    %swap3A_259 = arith.constant 5 : i32
    %swap3A_260 = arith.index_cast %swap3A_259 : i32 to index
    %swap3A_261 = arith.constant 48 : index
    %swap3A_262 = tpu.vector_load %arg13[%swap3A_260, %swap3A_261] {strides = array<i32>} : memref<8x128xf32, #tpu.memory_space<vmem>>, vector<16xf32>,
    tpu.vector_store %arg13[%swap3A_260, %swap3A_261], %broadcast_in_dim3A_258 {strides = array<i32>} : memref<8x128xf32, #tpu.memory_space<vmem>>, vector<16xf32>,
    %broadcast_in_dim3A_263 = arith.constant 0.000000e+00 : f32
    %broadcast_in_dim3A_264 = vector.broadcast %broadcast_in_dim3A_263 : f32 to vector<16xf32>
    %swap3A_265 = arith.constant 5 : i32
    %swap3A_266 = arith.index_cast %swap3A_265 : i32 to index
    %swap3A_267 = arith.constant 64 : index
    %swap3A_268 = tpu.vector_load %arg13[%swap3A_266, %swap3A_267] {strides = array<i32>} : memref<8x128xf32, #tpu.memory_space<vmem>>, vector<16xf32>,
    tpu.vector_store %arg13[%swap3A_266, %swap3A_267], %broadcast_in_dim3A_264 {strides = array<i32>} : memref<8x128xf32, #tpu.memory_space<vmem>>, vector<16xf32>,
    %broadcast_in_dim3A_269 = arith.constant 0.000000e+00 : f32
    %broadcast_in_dim3A_270 = vector.broadcast %broadcast_in_dim3A_269 : f32 to vector<16xf32>
    %swap3A_271 = arith.constant 5 : i32
    %swap3A_272 = arith.index_cast %swap3A_271 : i32 to index
    %swap3A_273 = arith.constant 80 : index
    %swap3A_274 = tpu.vector_load %arg13[%swap3A_272, %swap3A_273] {strides = array<i32>} : memref<8x128xf32, #tpu.memory_space<vmem>>, vector<16xf32>,
    tpu.vector_store %arg13[%swap3A_272, %swap3A_273], %broadcast_in_dim3A_270 {strides = array<i32>} : memref<8x128xf32, #tpu.memory_space<vmem>>, vector<16xf32>,
    %broadcast_in_dim3A_275 = arith.constant 0.000000e+00 : f32
    %broadcast_in_dim3A_276 = vector.broadcast %broadcast_in_dim3A_275 : f32 to vector<16xf32>
    %swap3A_277 = arith.constant 5 : i32
    %swap3A_278 = arith.index_cast %swap3A_277 : i32 to index
    %swap3A_279 = arith.constant 96 : index
    %swap3A_280 = tpu.vector_load %arg13[%swap3A_278, %swap3A_279] {strides = array<i32>} : memref<8x128xf32, #tpu.memory_space<vmem>>, vector<16xf32>,
    tpu.vector_store %arg13[%swap3A_278, %swap3A_279], %broadcast_in_dim3A_276 {strides = array<i32>} : memref<8x128xf32, #tpu.memory_space<vmem>>, vector<16xf32>,
    %broadcast_in_dim3A_281 = arith.constant 0.000000e+00 : f32
    %broadcast_in_dim3A_282 = vector.broadcast %broadcast_in_dim3A_281 : f32 to vector<16xf32>
    %swap3A_283 = arith.constant 5 : i32
    %swap3A_284 = arith.index_cast %swap3A_283 : i32 to index
    %swap3A_285 = arith.constant 112 : index
    %swap3A_286 = tpu.vector_load %arg13[%swap3A_284, %swap3A_285] {strides = array<i32>} : memref<8x128xf32, #tpu.memory_space<vmem>>, vector<16xf32>,
    tpu.vector_store %arg13[%swap3A_284, %swap3A_285], %broadcast_in_dim3A_282 {strides = array<i32>} : memref<8x128xf32, #tpu.memory_space<vmem>>, vector<16xf32>,
    %broadcast_in_dim3A_287 = arith.constant 0.000000e+00 : f32
    %broadcast_in_dim3A_288 = vector.broadcast %broadcast_in_dim3A_287 : f32 to vector<16xf32>
    %swap3A_289 = arith.constant 6 : i32
    %swap3A_290 = arith.index_cast %swap3A_289 : i32 to index
    %swap3A_291 = arith.constant 0 : index
    %swap3A_292 = tpu.vector_load %arg13[%swap3A_290, %swap3A_291] {strides = array<i32>} : memref<8x128xf32, #tpu.memory_space<vmem>>, vector<16xf32>,
    tpu.vector_store %arg13[%swap3A_290, %swap3A_291], %broadcast_in_dim3A_288 {strides = array<i32>} : memref<8x128xf32, #tpu.memory_space<vmem>>, vector<16xf32>,
    %broadcast_in_dim3A_293 = arith.constant 0.000000e+00 : f32
    %broadcast_in_dim3A_294 = vector.broadcast %broadcast_in_dim3A_293 : f32 to vector<16xf32>
    %swap3A_295 = arith.constant 6 : i32
    %swap3A_296 = arith.index_cast %swap3A_295 : i32 to index
    %swap3A_297 = arith.constant 16 : index
    %swap3A_298 = tpu.vector_load %arg13[%swap3A_296, %swap3A_297] {strides = array<i32>} : memref<8x128xf32, #tpu.memory_space<vmem>>, vector<16xf32>,
    tpu.vector_store %arg13[%swap3A_296, %swap3A_297], %broadcast_in_dim3A_294 {strides = array<i32>} : memref<8x128xf32, #tpu.memory_space<vmem>>, vector<16xf32>,
    %broadcast_in_dim3A_299 = arith.constant 0.000000e+00 : f32
    %broadcast_in_dim3A_300 = vector.broadcast %broadcast_in_dim3A_299 : f32 to vector<16xf32>
    %swap3A_301 = arith.constant 6 : i32
    %swap3A_302 = arith.index_cast %swap3A_301 : i32 to index
    %swap3A_303 = arith.constant 32 : index
    %swap3A_304 = tpu.vector_load %arg13[%swap3A_302, %swap3A_303] {strides = array<i32>} : memref<8x128xf32, #tpu.memory_space<vmem>>, vector<16xf32>,
    tpu.vector_store %arg13[%swap3A_302, %swap3A_303], %broadcast_in_dim3A_300 {strides = array<i32>} : memref<8x128xf32, #tpu.memory_space<vmem>>, vector<16xf32>,
    %broadcast_in_dim3A_305 = arith.constant 0.000000e+00 : f32
    %broadcast_in_dim3A_306 = vector.broadcast %broadcast_in_dim3A_305 : f32 to vector<16xf32>
    %swap3A_307 = arith.constant 6 : i32
    %swap3A_308 = arith.index_cast %swap3A_307 : i32 to index
    %swap3A_309 = arith.constant 48 : index
    %swap3A_310 = tpu.vector_load %arg13[%swap3A_308, %swap3A_309] {strides = array<i32>} : memref<8x128xf32, #tpu.memory_space<vmem>>, vector<16xf32>,
    tpu.vector_store %arg13[%swap3A_308, %swap3A_309], %broadcast_in_dim3A_306 {strides = array<i32>} : memref<8x128xf32, #tpu.memory_space<vmem>>, vector<16xf32>,
    %broadcast_in_dim3A_311 = arith.constant 0.000000e+00 : f32
    %broadcast_in_dim3A_312 = vector.broadcast %broadcast_in_dim3A_311 : f32 to vector<16xf32>
    %swap3A_313 = arith.constant 6 : i32
    %swap3A_314 = arith.index_cast %swap3A_313 : i32 to index
    %swap3A_315 = arith.constant 64 : index
    %swap3A_316 = tpu.vector_load %arg13[%swap3A_314, %swap3A_315] {strides = array<i32>} : memref<8x128xf32, #tpu.memory_space<vmem>>, vector<16xf32>,
    tpu.vector_store %arg13[%swap3A_314, %swap3A_315], %broadcast_in_dim3A_312 {strides = array<i32>} : memref<8x128xf32, #tpu.memory_space<vmem>>, vector<16xf32>,
    %broadcast_in_dim3A_317 = arith.constant 0.000000e+00 : f32
    %broadcast_in_dim3A_318 = vector.broadcast %broadcast_in_dim3A_317 : f32 to vector<16xf32>
    %swap3A_319 = arith.constant 6 : i32
    %swap3A_320 = arith.index_cast %swap3A_319 : i32 to index
    %swap3A_321 = arith.constant 80 : index
    %swap3A_322 = tpu.vector_load %arg13[%swap3A_320, %swap3A_321] {strides = array<i32>} : memref<8x128xf32, #tpu.memory_space<vmem>>, vector<16xf32>,
    tpu.vector_store %arg13[%swap3A_320, %swap3A_321], %broadcast_in_dim3A_318 {strides = array<i32>} : memref<8x128xf32, #tpu.memory_space<vmem>>, vector<16xf32>,
    %broadcast_in_dim3A_323 = arith.constant 0.000000e+00 : f32
    %broadcast_in_dim3A_324 = vector.broadcast %broadcast_in_dim3A_323 : f32 to vector<16xf32>
    %swap3A_325 = arith.constant 6 : i32
    %swap3A_326 = arith.index_cast %swap3A_325 : i32 to index
    %swap3A_327 = arith.constant 96 : index
    %swap3A_328 = tpu.vector_load %arg13[%swap3A_326, %swap3A_327] {strides = array<i32>} : memref<8x128xf32, #tpu.memory_space<vmem>>, vector<16xf32>,
    tpu.vector_store %arg13[%swap3A_326, %swap3A_327], %broadcast_in_dim3A_324 {strides = array<i32>} : memref<8x128xf32, #tpu.memory_space<vmem>>, vector<16xf32>,
    %broadcast_in_dim3A_329 = arith.constant 0.000000e+00 : f32
    %broadcast_in_dim3A_330 = vector.broadcast %broadcast_in_dim3A_329 : f32 to vector<16xf32>
    %swap3A_331 = arith.constant 6 : i32
    %swap3A_332 = arith.index_cast %swap3A_331 : i32 to index
    %swap3A_333 = arith.constant 112 : index
    %swap3A_334 = tpu.vector_load %arg13[%swap3A_332, %swap3A_333] {strides = array<i32>} : memref<8x128xf32, #tpu.memory_space<vmem>>, vector<16xf32>,
    tpu.vector_store %arg13[%swap3A_332, %swap3A_333], %broadcast_in_dim3A_330 {strides = array<i32>} : memref<8x128xf32, #tpu.memory_space<vmem>>, vector<16xf32>,
    %broadcast_in_dim3A_335 = arith.constant 0.000000e+00 : f32
    %broadcast_in_dim3A_336 = vector.broadcast %broadcast_in_dim3A_335 : f32 to vector<16xf32>
    %swap3A_337 = arith.constant 7 : i32
    %swap3A_338 = arith.index_cast %swap3A_337 : i32 to index
    %swap3A_339 = arith.constant 0 : index
    %swap3A_340 = tpu.vector_load %arg13[%swap3A_338, %swap3A_339] {strides = array<i32>} : memref<8x128xf32, #tpu.memory_space<vmem>>, vector<16xf32>,
    tpu.vector_store %arg13[%swap3A_338, %swap3A_339], %broadcast_in_dim3A_336 {strides = array<i32>} : memref<8x128xf32, #tpu.memory_space<vmem>>, vector<16xf32>,
    %broadcast_in_dim3A_341 = arith.constant 0.000000e+00 : f32
    %broadcast_in_dim3A_342 = vector.broadcast %broadcast_in_dim3A_341 : f32 to vector<16xf32>
    %swap3A_343 = arith.constant 7 : i32
    %swap3A_344 = arith.index_cast %swap3A_343 : i32 to index
    %swap3A_345 = arith.constant 16 : index
    %swap3A_346 = tpu.vector_load %arg13[%swap3A_344, %swap3A_345] {strides = array<i32>} : memref<8x128xf32, #tpu.memory_space<vmem>>, vector<16xf32>,
    tpu.vector_store %arg13[%swap3A_344, %swap3A_345], %broadcast_in_dim3A_342 {strides = array<i32>} : memref<8x128xf32, #tpu.memory_space<vmem>>, vector<16xf32>,
    %broadcast_in_dim3A_347 = arith.constant 0.000000e+00 : f32
    %broadcast_in_dim3A_348 = vector.broadcast %broadcast_in_dim3A_347 : f32 to vector<16xf32>
    %swap3A_349 = arith.constant 7 : i32
    %swap3A_350 = arith.index_cast %swap3A_349 : i32 to index
    %swap3A_351 = arith.constant 32 : index
    %swap3A_352 = tpu.vector_load %arg13[%swap3A_350, %swap3A_351] {strides = array<i32>} : memref<8x128xf32, #tpu.memory_space<vmem>>, vector<16xf32>,
    tpu.vector_store %arg13[%swap3A_350, %swap3A_351], %broadcast_in_dim3A_348 {strides = array<i32>} : memref<8x128xf32, #tpu.memory_space<vmem>>, vector<16xf32>,
    %broadcast_in_dim3A_353 = arith.constant 0.000000e+00 : f32
    %broadcast_in_dim3A_354 = vector.broadcast %broadcast_in_dim3A_353 : f32 to vector<16xf32>
    %swap3A_355 = arith.constant 7 : i32
    %swap3A_356 = arith.index_cast %swap3A_355 : i32 to index
    %swap3A_357 = arith.constant 48 : index
    %swap3A_358 = tpu.vector_load %arg13[%swap3A_356, %swap3A_357] {strides = array<i32>} : memref<8x128xf32, #tpu.memory_space<vmem>>, vector<16xf32>,
    tpu.vector_store %arg13[%swap3A_356, %swap3A_357], %broadcast_in_dim3A_354 {strides = array<i32>} : memref<8x128xf32, #tpu.memory_space<vmem>>, vector<16xf32>,
    %broadcast_in_dim3A_359 = arith.constant 0.000000e+00 : f32
    %broadcast_in_dim3A_360 = vector.broadcast %broadcast_in_dim3A_359 : f32 to vector<16xf32>
    %swap3A_361 = arith.constant 7 : i32
    %swap3A_362 = arith.index_cast %swap3A_361 : i32 to index
    %swap3A_363 = arith.constant 64 : index
    %swap3A_364 = tpu.vector_load %arg13[%swap3A_362, %swap3A_363] {strides = array<i32>} : memref<8x128xf32, #tpu.memory_space<vmem>>, vector<16xf32>,
    tpu.vector_store %arg13[%swap3A_362, %swap3A_363], %broadcast_in_dim3A_360 {strides = array<i32>} : memref<8x128xf32, #tpu.memory_space<vmem>>, vector<16xf32>,
    %broadcast_in_dim3A_365 = arith.constant 0.000000e+00 : f32
    %broadcast_in_dim3A_366 = vector.broadcast %broadcast_in_dim3A_365 : f32 to vector<16xf32>
    %swap3A_367 = arith.constant 7 : i32
    %swap3A_368 = arith.index_cast %swap3A_367 : i32 to index
    %swap3A_369 = arith.constant 80 : index
    %swap3A_370 = tpu.vector_load %arg13[%swap3A_368, %swap3A_369] {strides = array<i32>} : memref<8x128xf32, #tpu.memory_space<vmem>>, vector<16xf32>,
    tpu.vector_store %arg13[%swap3A_368, %swap3A_369], %broadcast_in_dim3A_366 {strides = array<i32>} : memref<8x128xf32, #tpu.memory_space<vmem>>, vector<16xf32>,
    %broadcast_in_dim3A_371 = arith.constant 0.000000e+00 : f32
    %broadcast_in_dim3A_372 = vector.broadcast %broadcast_in_dim3A_371 : f32 to vector<16xf32>
    %swap3A_373 = arith.constant 7 : i32
    %swap3A_374 = arith.index_cast %swap3A_373 : i32 to index
    %swap3A_375 = arith.constant 96 : index
    %swap3A_376 = tpu.vector_load %arg13[%swap3A_374, %swap3A_375] {strides = array<i32>} : memref<8x128xf32, #tpu.memory_space<vmem>>, vector<16xf32>,
    tpu.vector_store %arg13[%swap3A_374, %swap3A_375], %broadcast_in_dim3A_372 {strides = array<i32>} : memref<8x128xf32, #tpu.memory_space<vmem>>, vector<16xf32>,
    %broadcast_in_dim3A_377 = arith.constant 0.000000e+00 : f32
    %broadcast_in_dim3A_378 = vector.broadcast %broadcast_in_dim3A_377 : f32 to vector<16xf32>
    %swap3A_379 = arith.constant 7 : i32
    %swap3A_380 = arith.index_cast %swap3A_379 : i32 to index
    %swap3A_381 = arith.constant 112 : index
    %swap3A_382 = tpu.vector_load %arg13[%swap3A_380, %swap3A_381] {strides = array<i32>} : memref<8x128xf32, #tpu.memory_space<vmem>>, vector<16xf32>,
    tpu.vector_store %arg13[%swap3A_380, %swap3A_381], %broadcast_in_dim3A_378 {strides = array<i32>} : memref<8x128xf32, #tpu.memory_space<vmem>>, vector<16xf32>,
    %scan3A = arith.constant 0 : i32
    %scan3A_383 = arith.constant 0 : i32
    %scan3A_384 = arith.constant 79 : i32
    %scan3A_385 = arith.addi %scan3A_383, %scan3A_384 : i32
    %scan3A_386 = arith.constant 1 : i32
    %scan3A_387 = scf.for %scan3A_495 = %scan3A_383 to %scan3A_385 step %scan3A_386 iter_args(%scan3A_496 = %scan3A) -> (i32)  : i32 {
      %mul3A_497 = arith.constant 632 : i32
      %mul3A_498 = arith.muli %arg1, %mul3A_497 : i32
      %mul3A_499 = arith.constant 8 : i32
      %mul3A_500 = arith.muli %scan3A_495, %mul3A_499 : i32
      %add3A_501 = arith.addi %mul3A_498, %mul3A_500 : i32
      "tpu.region"() ({
        %run_scoped3A = tpu.sem_alloc : memref<!tpu.dma_semaphore, #tpu.memory_space<semaphore_mem>>
        %dma_start3A_503 = arith.constant 0 : i32
        %dma_start3A_504 = tpu.memref_slice %arg14[%add3A_501, %dma_start3A_503] : memref<10112x128xf32, #tpu.memory_space<vmem_shared>> -> memref<8x128xf32, #tpu.memory_space<vmem_shared>>
        %dma_start3A_505 = arith.constant 0 : i32
        %dma_start3A_506 = tpu.memref_slice %arg14[%add3A_501, %dma_start3A_505] : memref<10112x128xf32, #tpu.memory_space<vmem_shared>> -> memref<8x128xf32, #tpu.memory_space<vmem_shared>>
        tpu.enqueue_dma source(%arg13 : memref<8x128xf32, #tpu.memory_space<vmem>>) target(%dma_start3A_506 : memref<8x128xf32, #tpu.memory_space<vmem_shared>>) target_semaphore(%run_scoped3A : memref<!tpu.dma_semaphore, #tpu.memory_space<semaphore_mem>>)
        %dma_wait3A_507 = arith.constant 0 : i32
        %dma_wait3A_508 = tpu.memref_slice %arg14[%add3A_501, %dma_wait3A_507] : memref<10112x128xf32, #tpu.memory_space<vmem_shared>> -> memref<8x128xf32, #tpu.memory_space<vmem_shared>>
        %dma_wait3A_509 = arith.constant 0 : i32
        %dma_wait3A_510 = tpu.memref_slice %arg14[%add3A_501, %dma_wait3A_509] : memref<10112x128xf32, #tpu.memory_space<vmem_shared>> -> memref<8x128xf32, #tpu.memory_space<vmem_shared>>
        tpu.wait_dma2 semaphore(%run_scoped3A : memref<!tpu.dma_semaphore, #tpu.memory_space<semaphore_mem>>) src(%arg13 : memref<8x128xf32, #tpu.memory_space<vmem>>) dst(%dma_wait3A_510 : memref<8x128xf32, #tpu.memory_space<vmem_shared>>)
        tpu.yield
      }) : () -> ()
      %scan3A_502 = arith.constant 0 : i32
      scf.yield %scan3A_502 : i32
    }
    %scan3A_388 = arith.constant 79 : i32
    %barrier3A = arith.constant 0 : index
    tpu.barrier barrier_id(%barrier3A)
    %eq3A = arith.constant 0 : i32
    %eq3A_389 = arith.cmpi eq, %arg0, %eq3A : i32
    %jit3A = arith.constant 80 : i32
    %jit3A_390 = arith.constant 80 : i32
    %select_n3A = arith.select %eq3A_389, %jit3A, %jit3A_390 : i32
    %eq3A_391 = arith.constant 0 : i32
    %eq3A_392 = arith.cmpi eq, %arg0, %eq3A_391 : i32
    %mul3A_393 = arith.constant 80 : i32
    %mul3A_394 = arith.muli %arg1, %mul3A_393 : i32
    %mul3A_395 = arith.constant 80 : i32
    %mul3A_396 = arith.muli %arg1, %mul3A_395 : i32
    %add3A_397 = arith.constant 1280 : i32
    %add3A_398 = arith.addi %add3A_397, %mul3A_396 : i32
    %select_n3A_399 = arith.select %eq3A_392, %mul3A_394, %add3A_398 : i32
    %add3A_400 = arith.constant 0 : i32
    %add3A_401 = arith.addi %select_n3A_399, %add3A_400 : i32
    %dma_start3A = arith.constant 0 : i32
    %dma_start3A_402 = arith.constant 0 : i32
    %dma_start3A_403 = tpu.memref_slice %arg3[%add3A_401, %dma_start3A, %dma_start3A_402] : memref<2560x3x128xi32, #tpu.memory_space<hbm>> -> memref<1x3x128xi32, #tpu.memory_space<hbm>>
    %dma_start3A_404 = tpu.memref_squeeze %dma_start3A_403 : memref<1x3x128xi32, #tpu.memory_space<hbm>> -> memref<3x128xi32, #tpu.memory_space<hbm>>
    %dma_start3A_405 = arith.constant 0 : i32
    %dma_start3A_406 = arith.constant 0 : i32
    %dma_start3A_407 = tpu.memref_slice %arg3[%add3A_401, %dma_start3A_405, %dma_start3A_406] : memref<2560x3x128xi32, #tpu.memory_space<hbm>> -> memref<1x3x128xi32, #tpu.memory_space<hbm>>
    %dma_start3A_408 = tpu.memref_squeeze %dma_start3A_407 : memref<1x3x128xi32, #tpu.memory_space<hbm>> -> memref<3x128xi32, #tpu.memory_space<hbm>>
    tpu.enqueue_dma source(%dma_start3A_408 : memref<3x128xi32, #tpu.memory_space<hbm>>) target(%arg5 : memref<3x128xi32, #tpu.memory_space<vmem>>) target_semaphore(%arg15 : memref<!tpu.dma_semaphore, #tpu.memory_space<semaphore_mem>>)
    %add3A_409 = arith.constant 1 : i32
    %add3A_410 = arith.addi %select_n3A_399, %add3A_409 : i32
    %dma_start3A_411 = arith.constant 0 : i32
    %dma_start3A_412 = arith.constant 0 : i32
    %dma_start3A_413 = tpu.memref_slice %arg3[%add3A_410, %dma_start3A_411, %dma_start3A_412] : memref<2560x3x128xi32, #tpu.memory_space<hbm>> -> memref<1x3x128xi32, #tpu.memory_space<hbm>>
    %dma_start3A_414 = tpu.memref_squeeze %dma_start3A_413 : memref<1x3x128xi32, #tpu.memory_space<hbm>> -> memref<3x128xi32, #tpu.memory_space<hbm>>
    %dma_start3A_415 = arith.constant 0 : i32
    %dma_start3A_416 = arith.constant 0 : i32
    %dma_start3A_417 = tpu.memref_slice %arg3[%add3A_410, %dma_start3A_415, %dma_start3A_416] : memref<2560x3x128xi32, #tpu.memory_space<hbm>> -> memref<1x3x128xi32, #tpu.memory_space<hbm>>
    %dma_start3A_418 = tpu.memref_squeeze %dma_start3A_417 : memref<1x3x128xi32, #tpu.memory_space<hbm>> -> memref<3x128xi32, #tpu.memory_space<hbm>>
    tpu.enqueue_dma source(%dma_start3A_418 : memref<3x128xi32, #tpu.memory_space<hbm>>) target(%arg6 : memref<3x128xi32, #tpu.memory_space<vmem>>) target_semaphore(%arg16 : memref<!tpu.dma_semaphore, #tpu.memory_space<semaphore_mem>>)
    %add3A_419 = arith.constant 0 : i32
    %add3A_420 = arith.addi %select_n3A_399, %add3A_419 : i32
    %dma_wait3A = arith.constant 0 : i32
    %dma_wait3A_421 = arith.constant 0 : i32
    %dma_wait3A_422 = tpu.memref_slice %arg3[%add3A_420, %dma_wait3A, %dma_wait3A_421] : memref<2560x3x128xi32, #tpu.memory_space<hbm>> -> memref<1x3x128xi32, #tpu.memory_space<hbm>>
    %dma_wait3A_423 = tpu.memref_squeeze %dma_wait3A_422 : memref<1x3x128xi32, #tpu.memory_space<hbm>> -> memref<3x128xi32, #tpu.memory_space<hbm>>
    %dma_wait3A_424 = arith.constant 0 : i32
    %dma_wait3A_425 = arith.constant 0 : i32
    %dma_wait3A_426 = tpu.memref_slice %arg3[%add3A_420, %dma_wait3A_424, %dma_wait3A_425] : memref<2560x3x128xi32, #tpu.memory_space<hbm>> -> memref<1x3x128xi32, #tpu.memory_space<hbm>>
    %dma_wait3A_427 = tpu.memref_squeeze %dma_wait3A_426 : memref<1x3x128xi32, #tpu.memory_space<hbm>> -> memref<3x128xi32, #tpu.memory_space<hbm>>
    tpu.wait_dma2 semaphore(%arg15 : memref<!tpu.dma_semaphore, #tpu.memory_space<semaphore_mem>>) src(%dma_wait3A_427 : memref<3x128xi32, #tpu.memory_space<hbm>>) dst(%arg5 : memref<3x128xi32, #tpu.memory_space<vmem>>)
    %dma_start3A_428 = arith.constant 0 : i32
    %dma_start3A_429 = arith.constant 0 : i32
    %dma_start3A_430 = tpu.memref_slice %arg5[%dma_start3A_428, %dma_start3A_429] : memref<3x128xi32, #tpu.memory_space<vmem>> -> memref<1x128xi32, #tpu.memory_space<vmem>>
    %dma_start3A_431 = tpu.memref_squeeze %dma_start3A_430 : memref<1x128xi32, #tpu.memory_space<vmem>> -> memref<128xi32, #tpu.memory_space<vmem>>
    %dma_start3A_432 = arith.constant 0 : i32
    %dma_start3A_433 = arith.constant 0 : i32
    %dma_start3A_434 = tpu.memref_slice %arg2[%dma_start3A_432, %dma_start3A_433] : memref<10000x128xf32, #tpu.memory_space<hbm>> -> memref<10000x128xf32, #tpu.memory_space<hbm>>
    tpu.enqueue_indirect_dma source(%dma_start3A_434 : memref<10000x128xf32, #tpu.memory_space<hbm>>) target(%arg7 : memref<128x128xf32, #tpu.memory_space<vmem>>) offsets(%dma_start3A_431 : memref<128xi32, #tpu.memory_space<vmem>>) semaphore(%arg17 : memref<!tpu.dma_semaphore, #tpu.memory_space<semaphore_mem>>)
    %add3A_435 = arith.constant 1 : i32
    %add3A_436 = arith.addi %select_n3A, %add3A_435 : i32
    %jit3A_437 = arith.constant 2 : i32
    %div3A = arith.divsi %add3A_436, %jit3A_437 : i32
    %sign3A = arith.constant 0 : i32
    %sign3A_438 = arith.cmpi sgt, %add3A_436, %sign3A : i32
    %sign3A_439 = arith.extui %sign3A_438 : i1 to i32
    %sign3A_440 = arith.constant 0 : i32
    %sign3A_441 = arith.cmpi slt, %add3A_436, %sign3A_440 : i32
    %sign3A_442 = arith.extui %sign3A_441 : i1 to i32
    %sign3A_443 = arith.subi %sign3A_439, %sign3A_442 : i32
    %sign3A_444 = arith.constant 0 : i32
    %sign3A_445 = arith.cmpi sgt, %jit3A_437, %sign3A_444 : i32
    %sign3A_446 = arith.extui %sign3A_445 : i1 to i32
    %sign3A_447 = arith.constant 0 : i32
    %sign3A_448 = arith.cmpi slt, %jit3A_437, %sign3A_447 : i32
    %sign3A_449 = arith.extui %sign3A_448 : i1 to i32
    %sign3A_450 = arith.subi %sign3A_446, %sign3A_449 : i32
    %ne3A = arith.cmpi ne, %sign3A_443, %sign3A_450 : i32
    %rem3A = arith.remsi %add3A_436, %jit3A_437 : i32
    %ne3A_451 = arith.constant 0 : i32
    %ne3A_452 = arith.cmpi ne, %rem3A, %ne3A_451 : i32
    %and3A = arith.andi %ne3A, %ne3A_452 : i1
    %sub3A = arith.constant 1 : i32
    %sub3A_453 = arith.subi %div3A, %sub3A : i32
    %select_n3A_454 = arith.select %and3A, %sub3A_453, %div3A : i32
    %while3A = arith.constant 0 : i32
    %while3A_455 = arith.constant 0 : i32
    %while3A_456 = arith.subi %select_n3A_454, %while3A : i32
    %while3A_457 = arith.addi %while3A, %while3A_456 : i32
    %while3A_458 = arith.constant 1 : i32
    %while3A_459 = arith.divsi %while3A_456, %while3A_458 : i32
    %while3A_460 = arith.muli %while3A_459, %while3A_458 : i32
    %while3A_461 = arith.addi %while3A, %while3A_460 : i32
    %while3A_462 = arith.constant 1 : i32
    %while3A_463 = scf.for %while3A_495 = %while3A to %while3A_461 step %while3A_462 iter_args(%while3A_496 = %while3A_455) -> (i32)  : i32 {
      %mul3A_497 = arith.constant 2 : i32
      %mul3A_498 = arith.muli %mul3A_497, %while3A_495 : i32
      %add3A_499 = arith.constant 0 : i32
      %add3A_500 = arith.addi %mul3A_498, %add3A_499 : i32
      %dma_wait3A_501 = arith.constant 0 : i32
      %dma_wait3A_502 = arith.constant 0 : i32
      %dma_wait3A_503 = tpu.memref_slice %arg5[%dma_wait3A_501, %dma_wait3A_502] : memref<3x128xi32, #tpu.memory_space<vmem>> -> memref<1x128xi32, #tpu.memory_space<vmem>>
      %dma_wait3A_504 = tpu.memref_squeeze %dma_wait3A_503 : memref<1x128xi32, #tpu.memory_space<vmem>> -> memref<128xi32, #tpu.memory_space<vmem>>
      %dma_wait3A_505 = arith.constant 0 : i32
      %dma_wait3A_506 = arith.constant 0 : i32
      %dma_wait3A_507 = tpu.memref_slice %arg2[%dma_wait3A_505, %dma_wait3A_506] : memref<10000x128xf32, #tpu.memory_space<hbm>> -> memref<10000x128xf32, #tpu.memory_space<hbm>>
      tpu.wait_indirect_dma semaphore(%arg17 : memref<!tpu.dma_semaphore, #tpu.memory_space<semaphore_mem>>) src(%dma_wait3A_507 : memref<10000x128xf32, #tpu.memory_space<hbm>>) dst(%arg7 : memref<128x128xf32, #tpu.memory_space<vmem>>)
      %get3A = arith.constant 1 : i32
      %get3A_508 = arith.index_cast %get3A : i32 to index
      %get3A_509 = arith.constant 0 : index
      %get3A_510 = tpu.vector_load %arg5[%get3A_508, %get3A_509] {strides = array<i32>} : memref<3x128xi32, #tpu.memory_space<vmem>>, vector<16xi32>,
      %swap3A_511 = arith.constant 0 : index
      %swap3A_512 = tpu.vector_load %arg9[%swap3A_511] {strides = array<i32>} : memref<64xi32, #tpu.memory_space<vmem>>, vector<16xi32>,
      tpu.vector_store %arg9[%swap3A_511], %get3A_510 {strides = array<i32>} : memref<64xi32, #tpu.memory_space<vmem>>, vector<16xi32>,
      %get3A_513 = arith.constant 1 : i32
      %get3A_514 = arith.index_cast %get3A_513 : i32 to index
      %get3A_515 = arith.constant 16 : index
      %get3A_516 = tpu.vector_load %arg5[%get3A_514, %get3A_515] {strides = array<i32>} : memref<3x128xi32, #tpu.memory_space<vmem>>, vector<16xi32>,
      %swap3A_517 = arith.constant 16 : index
      %swap3A_518 = tpu.vector_load %arg9[%swap3A_517] {strides = array<i32>} : memref<64xi32, #tpu.memory_space<vmem>>, vector<16xi32>,
      tpu.vector_store %arg9[%swap3A_517], %get3A_516 {strides = array<i32>} : memref<64xi32, #tpu.memory_space<vmem>>, vector<16xi32>,
      %get3A_519 = arith.constant 1 : i32
      %get3A_520 = arith.index_cast %get3A_519 : i32 to index
      %get3A_521 = arith.constant 32 : index
      %get3A_522 = tpu.vector_load %arg5[%get3A_520, %get3A_521] {strides = array<i32>} : memref<3x128xi32, #tpu.memory_space<vmem>>, vector<16xi32>,
      %swap3A_523 = arith.constant 32 : index
      %swap3A_524 = tpu.vector_load %arg9[%swap3A_523] {strides = array<i32>} : memref<64xi32, #tpu.memory_space<vmem>>, vector<16xi32>,
      tpu.vector_store %arg9[%swap3A_523], %get3A_522 {strides = array<i32>} : memref<64xi32, #tpu.memory_space<vmem>>, vector<16xi32>,
      %get3A_525 = arith.constant 1 : i32
      %get3A_526 = arith.index_cast %get3A_525 : i32 to index
      %get3A_527 = arith.constant 48 : index
      %get3A_528 = tpu.vector_load %arg5[%get3A_526, %get3A_527] {strides = array<i32>} : memref<3x128xi32, #tpu.memory_space<vmem>>, vector<16xi32>,
      %swap3A_529 = arith.constant 48 : index
      %swap3A_530 = tpu.vector_load %arg9[%swap3A_529] {strides = array<i32>} : memref<64xi32, #tpu.memory_space<vmem>>, vector<16xi32>,
      tpu.vector_store %arg9[%swap3A_529], %get3A_528 {strides = array<i32>} : memref<64xi32, #tpu.memory_space<vmem>>, vector<16xi32>,
      %broadcast_in_dim3A_531 = arith.constant 2 : i32
      %broadcast_in_dim3A_532 = vector.broadcast %broadcast_in_dim3A_531 : i32 to vector<16xi32>
      %scan3A_533 = arith.constant 0 : i32
      %scan3A_534 = arith.constant 0 : i32
      %scan3A_535 = arith.constant 64 : i32
      %scan3A_536 = arith.addi %scan3A_534, %scan3A_535 : i32
      %scan3A_537 = arith.constant 1 : i32
      %scan3A_538 = scf.for %scan3A_603 = %scan3A_534 to %scan3A_536 step %scan3A_537 iter_args(%scan3A_604 = %scan3A_533) -> (i32)  : i32 {
        %broadcast_in_dim3A_605 = vector.broadcast %scan3A_603 : i32 to vector<16xi32>
        %gather3A = tpu.vector_load_idx %arg5[%broadcast_in_dim3A_532, %broadcast_in_dim3A_605] : memref<3x128xi32, #tpu.memory_space<vmem>>[vector<16xi32>, vector<16xi32>], vector<16xi32>,
        %bitcast3A = vector.bitcast %gather3A : vector<16xi32> to vector<16xf32>
        %get3A_606 = arith.index_cast %scan3A_603 : i32 to index
        %get3A_607 = arith.constant 0 : index
        %get3A_608 = tpu.vector_load %arg7[%get3A_606, %get3A_607] {strides = array<i32>} : memref<128x128xf32, #tpu.memory_space<vmem>>, vector<16xf32>,
        %mul3A_609 = arith.mulf %get3A_608, %bitcast3A : vector<16xf32>
        %swap3A_610 = arith.index_cast %scan3A_603 : i32 to index
        %swap3A_611 = arith.constant 0 : index
        %swap3A_612 = tpu.vector_load %arg7[%swap3A_610, %swap3A_611] {strides = array<i32>} : memref<128x128xf32, #tpu.memory_space<vmem>>, vector<16xf32>,
        tpu.vector_store %arg7[%swap3A_610, %swap3A_611], %mul3A_609 {strides = array<i32>} : memref<128x128xf32, #tpu.memory_space<vmem>>, vector<16xf32>,
        %get3A_613 = arith.index_cast %scan3A_603 : i32 to index
        %get3A_614 = arith.constant 16 : index
        %get3A_615 = tpu.vector_load %arg7[%get3A_613, %get3A_614] {strides = array<i32>} : memref<128x128xf32, #tpu.memory_space<vmem>>, vector<16xf32>,
        %mul3A_616 = arith.mulf %get3A_615, %bitcast3A : vector<16xf32>
        %swap3A_617 = arith.index_cast %scan3A_603 : i32 to index
        %swap3A_618 = arith.constant 16 : index
        %swap3A_619 = tpu.vector_load %arg7[%swap3A_617, %swap3A_618] {strides = array<i32>} : memref<128x128xf32, #tpu.memory_space<vmem>>, vector<16xf32>,
        tpu.vector_store %arg7[%swap3A_617, %swap3A_618], %mul3A_616 {strides = array<i32>} : memref<128x128xf32, #tpu.memory_space<vmem>>, vector<16xf32>,
        %get3A_620 = arith.index_cast %scan3A_603 : i32 to index
        %get3A_621 = arith.constant 32 : index
        %get3A_622 = tpu.vector_load %arg7[%get3A_620, %get3A_621] {strides = array<i32>} : memref<128x128xf32, #tpu.memory_space<vmem>>, vector<16xf32>,
        %mul3A_623 = arith.mulf %get3A_622, %bitcast3A : vector<16xf32>
        %swap3A_624 = arith.index_cast %scan3A_603 : i32 to index
        %swap3A_625 = arith.constant 32 : index
        %swap3A_626 = tpu.vector_load %arg7[%swap3A_624, %swap3A_625] {strides = array<i32>} : memref<128x128xf32, #tpu.memory_space<vmem>>, vector<16xf32>,
        tpu.vector_store %arg7[%swap3A_624, %swap3A_625], %mul3A_623 {strides = array<i32>} : memref<128x128xf32, #tpu.memory_space<vmem>>, vector<16xf32>,
        %get3A_627 = arith.index_cast %scan3A_603 : i32 to index
        %get3A_628 = arith.constant 48 : index
        %get3A_629 = tpu.vector_load %arg7[%get3A_627, %get3A_628] {strides = array<i32>} : memref<128x128xf32, #tpu.memory_space<vmem>>, vector<16xf32>,
        %mul3A_630 = arith.mulf %get3A_629, %bitcast3A : vector<16xf32>
        %swap3A_631 = arith.index_cast %scan3A_603 : i32 to index
        %swap3A_632 = arith.constant 48 : index
        %swap3A_633 = tpu.vector_load %arg7[%swap3A_631, %swap3A_632] {strides = array<i32>} : memref<128x128xf32, #tpu.memory_space<vmem>>, vector<16xf32>,
        tpu.vector_store %arg7[%swap3A_631, %swap3A_632], %mul3A_630 {strides = array<i32>} : memref<128x128xf32, #tpu.memory_space<vmem>>, vector<16xf32>,
        %get3A_634 = arith.index_cast %scan3A_603 : i32 to index
        %get3A_635 = arith.constant 64 : index
        %get3A_636 = tpu.vector_load %arg7[%get3A_634, %get3A_635] {strides = array<i32>} : memref<128x128xf32, #tpu.memory_space<vmem>>, vector<16xf32>,
        %mul3A_637 = arith.mulf %get3A_636, %bitcast3A : vector<16xf32>
        %swap3A_638 = arith.index_cast %scan3A_603 : i32 to index
        %swap3A_639 = arith.constant 64 : index
        %swap3A_640 = tpu.vector_load %arg7[%swap3A_638, %swap3A_639] {strides = array<i32>} : memref<128x128xf32, #tpu.memory_space<vmem>>, vector<16xf32>,
        tpu.vector_store %arg7[%swap3A_638, %swap3A_639], %mul3A_637 {strides = array<i32>} : memref<128x128xf32, #tpu.memory_space<vmem>>, vector<16xf32>,
        %get3A_641 = arith.index_cast %scan3A_603 : i32 to index
        %get3A_642 = arith.constant 80 : index
        %get3A_643 = tpu.vector_load %arg7[%get3A_641, %get3A_642] {strides = array<i32>} : memref<128x128xf32, #tpu.memory_space<vmem>>, vector<16xf32>,
        %mul3A_644 = arith.mulf %get3A_643, %bitcast3A : vector<16xf32>
        %swap3A_645 = arith.index_cast %scan3A_603 : i32 to index
        %swap3A_646 = arith.constant 80 : index
        %swap3A_647 = tpu.vector_load %arg7[%swap3A_645, %swap3A_646] {strides = array<i32>} : memref<128x128xf32, #tpu.memory_space<vmem>>, vector<16xf32>,
        tpu.vector_store %arg7[%swap3A_645, %swap3A_646], %mul3A_644 {strides = array<i32>} : memref<128x128xf32, #tpu.memory_space<vmem>>, vector<16xf32>,
        %get3A_648 = arith.index_cast %scan3A_603 : i32 to index
        %get3A_649 = arith.constant 96 : index
        %get3A_650 = tpu.vector_load %arg7[%get3A_648, %get3A_649] {strides = array<i32>} : memref<128x128xf32, #tpu.memory_space<vmem>>, vector<16xf32>,
        %mul3A_651 = arith.mulf %get3A_650, %bitcast3A : vector<16xf32>
        %swap3A_652 = arith.index_cast %scan3A_603 : i32 to index
        %swap3A_653 = arith.constant 96 : index
        %swap3A_654 = tpu.vector_load %arg7[%swap3A_652, %swap3A_653] {strides = array<i32>} : memref<128x128xf32, #tpu.memory_space<vmem>>, vector<16xf32>,
        tpu.vector_store %arg7[%swap3A_652, %swap3A_653], %mul3A_651 {strides = array<i32>} : memref<128x128xf32, #tpu.memory_space<vmem>>, vector<16xf32>,
        %get3A_655 = arith.index_cast %scan3A_603 : i32 to index
        %get3A_656 = arith.constant 112 : index
        %get3A_657 = tpu.vector_load %arg7[%get3A_655, %get3A_656] {strides = array<i32>} : memref<128x128xf32, #tpu.memory_space<vmem>>, vector<16xf32>,
        %mul3A_658 = arith.mulf %get3A_657, %bitcast3A : vector<16xf32>
        %swap3A_659 = arith.index_cast %scan3A_603 : i32 to index
        %swap3A_660 = arith.constant 112 : index
        %swap3A_661 = tpu.vector_load %arg7[%swap3A_659, %swap3A_660] {strides = array<i32>} : memref<128x128xf32, #tpu.memory_space<vmem>>, vector<16xf32>,
        tpu.vector_store %arg7[%swap3A_659, %swap3A_660], %mul3A_658 {strides = array<i32>} : memref<128x128xf32, #tpu.memory_space<vmem>>, vector<16xf32>,
        %scan3A_662 = arith.constant 0 : i32
        scf.yield %scan3A_662 : i32
      }
      %scan3A_539 = arith.constant 64 : i32
      %dma_start3A_540 = arith.constant 0 : i32
      %dma_start3A_541 = arith.constant 0 : i32
      %dma_start3A_542 = tpu.memref_slice %arg7[%dma_start3A_540, %dma_start3A_541] : memref<128x128xf32, #tpu.memory_space<vmem>> -> memref<64x128xf32, #tpu.memory_space<vmem>>
      %dma_start3A_543 = arith.constant 0 : i32
      %dma_start3A_544 = arith.constant 0 : i32
      %dma_start3A_545 = tpu.memref_slice %arg14[%dma_start3A_543, %dma_start3A_544] : memref<10112x128xf32, #tpu.memory_space<vmem_shared>> -> memref<10112x128xf32, #tpu.memory_space<vmem_shared>>
      tpu.enqueue_indirect_dma source(%dma_start3A_542 : memref<64x128xf32, #tpu.memory_space<vmem>>) target(%dma_start3A_545 : memref<10112x128xf32, #tpu.memory_space<vmem_shared>>) offsets(%arg9 : memref<64xi32, #tpu.memory_space<vmem>>) semaphore(%arg19 : memref<!tpu.dma_semaphore, #tpu.memory_space<semaphore_mem>>) {add = true}
      %get3A_546 = arith.constant 1 : i32
      %get3A_547 = arith.index_cast %get3A_546 : i32 to index
      %get3A_548 = arith.constant 64 : index
      %get3A_549 = tpu.vector_load %arg5[%get3A_547, %get3A_548] {strides = array<i32>} : memref<3x128xi32, #tpu.memory_space<vmem>>, vector<16xi32>,
      %swap3A_550 = arith.constant 0 : index
      %swap3A_551 = tpu.vector_load %arg10[%swap3A_550] {strides = array<i32>} : memref<64xi32, #tpu.memory_space<vmem>>, vector<16xi32>,
      tpu.vector_store %arg10[%swap3A_550], %get3A_549 {strides = array<i32>} : memref<64xi32, #tpu.memory_space<vmem>>, vector<16xi32>,
      %get3A_552 = arith.constant 1 : i32
      %get3A_553 = arith.index_cast %get3A_552 : i32 to index
      %get3A_554 = arith.constant 80 : index
      %get3A_555 = tpu.vector_load %arg5[%get3A_553, %get3A_554] {strides = array<i32>} : memref<3x128xi32, #tpu.memory_space<vmem>>, vector<16xi32>,
      %swap3A_556 = arith.constant 16 : index
      %swap3A_557 = tpu.vector_load %arg10[%swap3A_556] {strides = array<i32>} : memref<64xi32, #tpu.memory_space<vmem>>, vector<16xi32>,
      tpu.vector_store %arg10[%swap3A_556], %get3A_555 {strides = array<i32>} : memref<64xi32, #tpu.memory_space<vmem>>, vector<16xi32>,
      %get3A_558 = arith.constant 1 : i32
      %get3A_559 = arith.index_cast %get3A_558 : i32 to index
      %get3A_560 = arith.constant 96 : index
      %get3A_561 = tpu.vector_load %arg5[%get3A_559, %get3A_560] {strides = array<i32>} : memref<3x128xi32, #tpu.memory_space<vmem>>, vector<16xi32>,
      %swap3A_562 = arith.constant 32 : index
      %swap3A_563 = tpu.vector_load %arg10[%swap3A_562] {strides = array<i32>} : memref<64xi32, #tpu.memory_space<vmem>>, vector<16xi32>,
      tpu.vector_store %arg10[%swap3A_562], %get3A_561 {strides = array<i32>} : memref<64xi32, #tpu.memory_space<vmem>>, vector<16xi32>,
      %get3A_564 = arith.constant 1 : i32
      %get3A_565 = arith.index_cast %get3A_564 : i32 to index
      %get3A_566 = arith.constant 112 : index
      %get3A_567 = tpu.vector_load %arg5[%get3A_565, %get3A_566] {strides = array<i32>} : memref<3x128xi32, #tpu.memory_space<vmem>>, vector<16xi32>,
      %swap3A_568 = arith.constant 48 : index
      %swap3A_569 = tpu.vector_load %arg10[%swap3A_568] {strides = array<i32>} : memref<64xi32, #tpu.memory_space<vmem>>, vector<16xi32>,
      tpu.vector_store %arg10[%swap3A_568], %get3A_567 {strides = array<i32>} : memref<64xi32, #tpu.memory_space<vmem>>, vector<16xi32>,
      %broadcast_in_dim3A_570 = arith.constant 2 : i32
      %broadcast_in_dim3A_571 = vector.broadcast %broadcast_in_dim3A_570 : i32 to vector<16xi32>
      %scan3A_572 = arith.constant 0 : i32
      %scan3A_573 = arith.constant 64 : i32
      %scan3A_574 = arith.constant 64 : i32
      %scan3A_575 = arith.addi %scan3A_573, %scan3A_574 : i32
      %scan3A_576 = arith.constant 1 : i32
      %scan3A_577 = scf.for %scan3A_603 = %scan3A_573 to %scan3A_575 step %scan3A_576 iter_args(%scan3A_604 = %scan3A_572) -> (i32)  : i32 {
        %broadcast_in_dim3A_605 = vector.broadcast %scan3A_603 : i32 to vector<16xi32>
        %gather3A = tpu.vector_load_idx %arg5[%broadcast_in_dim3A_571, %broadcast_in_dim3A_605] : memref<3x128xi32, #tpu.memory_space<vmem>>[vector<16xi32>, vector<16xi32>], vector<16xi32>,
        %bitcast3A = vector.bitcast %gather3A : vector<16xi32> to vector<16xf32>
        %get3A_606 = arith.index_cast %scan3A_603 : i32 to index
        %get3A_607 = arith.constant 0 : index
        %get3A_608 = tpu.vector_load %arg7[%get3A_606, %get3A_607] {strides = array<i32>} : memref<128x128xf32, #tpu.memory_space<vmem>>, vector<16xf32>,
        %mul3A_609 = arith.mulf %get3A_608, %bitcast3A : vector<16xf32>
        %swap3A_610 = arith.index_cast %scan3A_603 : i32 to index
        %swap3A_611 = arith.constant 0 : index
        %swap3A_612 = tpu.vector_load %arg7[%swap3A_610, %swap3A_611] {strides = array<i32>} : memref<128x128xf32, #tpu.memory_space<vmem>>, vector<16xf32>,
        tpu.vector_store %arg7[%swap3A_610, %swap3A_611], %mul3A_609 {strides = array<i32>} : memref<128x128xf32, #tpu.memory_space<vmem>>, vector<16xf32>,
        %get3A_613 = arith.index_cast %scan3A_603 : i32 to index
        %get3A_614 = arith.constant 16 : index
        %get3A_615 = tpu.vector_load %arg7[%get3A_613, %get3A_614] {strides = array<i32>} : memref<128x128xf32, #tpu.memory_space<vmem>>, vector<16xf32>,
        %mul3A_616 = arith.mulf %get3A_615, %bitcast3A : vector<16xf32>
        %swap3A_617 = arith.index_cast %scan3A_603 : i32 to index
        %swap3A_618 = arith.constant 16 : index
        %swap3A_619 = tpu.vector_load %arg7[%swap3A_617, %swap3A_618] {strides = array<i32>} : memref<128x128xf32, #tpu.memory_space<vmem>>, vector<16xf32>,
        tpu.vector_store %arg7[%swap3A_617, %swap3A_618], %mul3A_616 {strides = array<i32>} : memref<128x128xf32, #tpu.memory_space<vmem>>, vector<16xf32>,
        %get3A_620 = arith.index_cast %scan3A_603 : i32 to index
        %get3A_621 = arith.constant 32 : index
        %get3A_622 = tpu.vector_load %arg7[%get3A_620, %get3A_621] {strides = array<i32>} : memref<128x128xf32, #tpu.memory_space<vmem>>, vector<16xf32>,
        %mul3A_623 = arith.mulf %get3A_622, %bitcast3A : vector<16xf32>
        %swap3A_624 = arith.index_cast %scan3A_603 : i32 to index
        %swap3A_625 = arith.constant 32 : index
        %swap3A_626 = tpu.vector_load %arg7[%swap3A_624, %swap3A_625] {strides = array<i32>} : memref<128x128xf32, #tpu.memory_space<vmem>>, vector<16xf32>,
        tpu.vector_store %arg7[%swap3A_624, %swap3A_625], %mul3A_623 {strides = array<i32>} : memref<128x128xf32, #tpu.memory_space<vmem>>, vector<16xf32>,
        %get3A_627 = arith.index_cast %scan3A_603 : i32 to index
        %get3A_628 = arith.constant 48 : index
        %get3A_629 = tpu.vector_load %arg7[%get3A_627, %get3A_628] {strides = array<i32>} : memref<128x128xf32, #tpu.memory_space<vmem>>, vector<16xf32>,
        %mul3A_630 = arith.mulf %get3A_629, %bitcast3A : vector<16xf32>
        %swap3A_631 = arith.index_cast %scan3A_603 : i32 to index
        %swap3A_632 = arith.constant 48 : index
        %swap3A_633 = tpu.vector_load %arg7[%swap3A_631, %swap3A_632] {strides = array<i32>} : memref<128x128xf32, #tpu.memory_space<vmem>>, vector<16xf32>,
        tpu.vector_store %arg7[%swap3A_631, %swap3A_632], %mul3A_630 {strides = array<i32>} : memref<128x128xf32, #tpu.memory_space<vmem>>, vector<16xf32>,
        %get3A_634 = arith.index_cast %scan3A_603 : i32 to index
        %get3A_635 = arith.constant 64 : index
        %get3A_636 = tpu.vector_load %arg7[%get3A_634, %get3A_635] {strides = array<i32>} : memref<128x128xf32, #tpu.memory_space<vmem>>, vector<16xf32>,
        %mul3A_637 = arith.mulf %get3A_636, %bitcast3A : vector<16xf32>
        %swap3A_638 = arith.index_cast %scan3A_603 : i32 to index
        %swap3A_639 = arith.constant 64 : index
        %swap3A_640 = tpu.vector_load %arg7[%swap3A_638, %swap3A_639] {strides = array<i32>} : memref<128x128xf32, #tpu.memory_space<vmem>>, vector<16xf32>,
        tpu.vector_store %arg7[%swap3A_638, %swap3A_639], %mul3A_637 {strides = array<i32>} : memref<128x128xf32, #tpu.memory_space<vmem>>, vector<16xf32>,
        %get3A_641 = arith.index_cast %scan3A_603 : i32 to index
        %get3A_642 = arith.constant 80 : index
        %get3A_643 = tpu.vector_load %arg7[%get3A_641, %get3A_642] {strides = array<i32>} : memref<128x128xf32, #tpu.memory_space<vmem>>, vector<16xf32>,
        %mul3A_644 = arith.mulf %get3A_643, %bitcast3A : vector<16xf32>
        %swap3A_645 = arith.index_cast %scan3A_603 : i32 to index
        %swap3A_646 = arith.constant 80 : index
        %swap3A_647 = tpu.vector_load %arg7[%swap3A_645, %swap3A_646] {strides = array<i32>} : memref<128x128xf32, #tpu.memory_space<vmem>>, vector<16xf32>,
        tpu.vector_store %arg7[%swap3A_645, %swap3A_646], %mul3A_644 {strides = array<i32>} : memref<128x128xf32, #tpu.memory_space<vmem>>, vector<16xf32>,
        %get3A_648 = arith.index_cast %scan3A_603 : i32 to index
        %get3A_649 = arith.constant 96 : index
        %get3A_650 = tpu.vector_load %arg7[%get3A_648, %get3A_649] {strides = array<i32>} : memref<128x128xf32, #tpu.memory_space<vmem>>, vector<16xf32>,
        %mul3A_651 = arith.mulf %get3A_650, %bitcast3A : vector<16xf32>
        %swap3A_652 = arith.index_cast %scan3A_603 : i32 to index
        %swap3A_653 = arith.constant 96 : index
        %swap3A_654 = tpu.vector_load %arg7[%swap3A_652, %swap3A_653] {strides = array<i32>} : memref<128x128xf32, #tpu.memory_space<vmem>>, vector<16xf32>,
        tpu.vector_store %arg7[%swap3A_652, %swap3A_653], %mul3A_651 {strides = array<i32>} : memref<128x128xf32, #tpu.memory_space<vmem>>, vector<16xf32>,
        %get3A_655 = arith.index_cast %scan3A_603 : i32 to index
        %get3A_656 = arith.constant 112 : index
        %get3A_657 = tpu.vector_load %arg7[%get3A_655, %get3A_656] {strides = array<i32>} : memref<128x128xf32, #tpu.memory_space<vmem>>, vector<16xf32>,
        %mul3A_658 = arith.mulf %get3A_657, %bitcast3A : vector<16xf32>
        %swap3A_659 = arith.index_cast %scan3A_603 : i32 to index
        %swap3A_660 = arith.constant 112 : index
        %swap3A_661 = tpu.vector_load %arg7[%swap3A_659, %swap3A_660] {strides = array<i32>} : memref<128x128xf32, #tpu.memory_space<vmem>>, vector<16xf32>,
        tpu.vector_store %arg7[%swap3A_659, %swap3A_660], %mul3A_658 {strides = array<i32>} : memref<128x128xf32, #tpu.memory_space<vmem>>, vector<16xf32>,
        %scan3A_662 = arith.constant 0 : i32
        scf.yield %scan3A_662 : i32
      }
      %scan3A_578 = arith.constant 64 : i32
      %dma_start3A_579 = arith.constant 64 : i32
      %dma_start3A_580 = arith.constant 0 : i32
      %dma_start3A_581 = tpu.memref_slice %arg7[%dma_start3A_579, %dma_start3A_580] : memref<128x128xf32, #tpu.memory_space<vmem>> -> memref<64x128xf32, #tpu.memory_space<vmem>>
      %dma_start3A_582 = arith.constant 0 : i32
      %dma_start3A_583 = arith.constant 0 : i32
      %dma_start3A_584 = tpu.memref_slice %arg14[%dma_start3A_582, %dma_start3A_583] : memref<10112x128xf32, #tpu.memory_space<vmem_shared>> -> memref<10112x128xf32, #tpu.memory_space<vmem_shared>>
      tpu.enqueue_indirect_dma source(%dma_start3A_581 : memref<64x128xf32, #tpu.memory_space<vmem>>) target(%dma_start3A_584 : memref<10112x128xf32, #tpu.memory_space<vmem_shared>>) offsets(%arg10 : memref<64xi32, #tpu.memory_space<vmem>>) semaphore(%arg19 : memref<!tpu.dma_semaphore, #tpu.memory_space<semaphore_mem>>) {add = true}
      %add3A_585 = arith.constant 2 : i32
      %add3A_586 = arith.addi %add3A_500, %add3A_585 : i32
      %lt3A = arith.cmpi slt, %add3A_586, %select_n3A : i32
      %convert_element_type3A = arith.extui %lt3A : i1 to i32
      %cond3A = arith.constant 0 : i32
      %cond3A_587 = arith.cmpi ne, %convert_element_type3A, %cond3A : i32
      scf.if %cond3A_587 {
        %add3A_603 = arith.constant 2 : i32
        %add3A_604 = arith.addi %add3A_500, %add3A_603 : i32
        %add3A_605 = arith.addi %select_n3A_399, %add3A_604 : i32
        %dma_start3A_606 = arith.constant 0 : i32
        %dma_start3A_607 = arith.constant 0 : i32
        %dma_start3A_608 = tpu.memref_slice %arg3[%add3A_605, %dma_start3A_606, %dma_start3A_607] : memref<2560x3x128xi32, #tpu.memory_space<hbm>> -> memref<1x3x128xi32, #tpu.memory_space<hbm>>
        %dma_start3A_609 = tpu.memref_squeeze %dma_start3A_608 : memref<1x3x128xi32, #tpu.memory_space<hbm>> -> memref<3x128xi32, #tpu.memory_space<hbm>>
        %dma_start3A_610 = arith.constant 0 : i32
        %dma_start3A_611 = arith.constant 0 : i32
        %dma_start3A_612 = tpu.memref_slice %arg3[%add3A_605, %dma_start3A_610, %dma_start3A_611] : memref<2560x3x128xi32, #tpu.memory_space<hbm>> -> memref<1x3x128xi32, #tpu.memory_space<hbm>>
        %dma_start3A_613 = tpu.memref_squeeze %dma_start3A_612 : memref<1x3x128xi32, #tpu.memory_space<hbm>> -> memref<3x128xi32, #tpu.memory_space<hbm>>
        tpu.enqueue_dma source(%dma_start3A_613 : memref<3x128xi32, #tpu.memory_space<hbm>>) target(%arg5 : memref<3x128xi32, #tpu.memory_space<vmem>>) target_semaphore(%arg15 : memref<!tpu.dma_semaphore, #tpu.memory_space<semaphore_mem>>)
      } else {
      }
      %add3A_588 = arith.constant 1 : i32
      %add3A_589 = arith.addi %add3A_500, %add3A_588 : i32
      %lt3A_590 = arith.cmpi slt, %add3A_589, %select_n3A : i32
      %convert_element_type3A_591 = arith.extui %lt3A_590 : i1 to i32
      %cond3A_592 = arith.constant 0 : i32
      %cond3A_593 = arith.cmpi ne, %convert_element_type3A_591, %cond3A_592 : i32
      scf.if %cond3A_593 {
        %add3A_603 = arith.constant 1 : i32
        %add3A_604 = arith.addi %add3A_500, %add3A_603 : i32
        %add3A_605 = arith.addi %select_n3A_399, %add3A_604 : i32
        %dma_wait3A_606 = arith.constant 0 : i32
        %dma_wait3A_607 = arith.constant 0 : i32
        %dma_wait3A_608 = tpu.memref_slice %arg3[%add3A_605, %dma_wait3A_606, %dma_wait3A_607] : memref<2560x3x128xi32, #tpu.memory_space<hbm>> -> memref<1x3x128xi32, #tpu.memory_space<hbm>>
        %dma_wait3A_609 = tpu.memref_squeeze %dma_wait3A_608 : memref<1x3x128xi32, #tpu.memory_space<hbm>> -> memref<3x128xi32, #tpu.memory_space<hbm>>
        %dma_wait3A_610 = arith.constant 0 : i32
        %dma_wait3A_611 = arith.constant 0 : i32
        %dma_wait3A_612 = tpu.memref_slice %arg3[%add3A_605, %dma_wait3A_610, %dma_wait3A_611] : memref<2560x3x128xi32, #tpu.memory_space<hbm>> -> memref<1x3x128xi32, #tpu.memory_space<hbm>>
        %dma_wait3A_613 = tpu.memref_squeeze %dma_wait3A_612 : memref<1x3x128xi32, #tpu.memory_space<hbm>> -> memref<3x128xi32, #tpu.memory_space<hbm>>
        tpu.wait_dma2 semaphore(%arg16 : memref<!tpu.dma_semaphore, #tpu.memory_space<semaphore_mem>>) src(%dma_wait3A_613 : memref<3x128xi32, #tpu.memory_space<hbm>>) dst(%arg6 : memref<3x128xi32, #tpu.memory_space<vmem>>)
        %ge3A = arith.constant 1 : i32
        %ge3A_614 = arith.cmpi sge, %add3A_500, %ge3A : i32
        %convert_element_type3A_615 = arith.extui %ge3A_614 : i1 to i32
        %cond3A_616 = arith.constant 0 : i32
        %cond3A_617 = arith.cmpi ne, %convert_element_type3A_615, %cond3A_616 : i32
        scf.if %cond3A_617 {
          %dma_wait3A_625 = arith.constant 0 : i32
          %dma_wait3A_626 = arith.constant 0 : i32
          %dma_wait3A_627 = tpu.memref_slice %arg8[%dma_wait3A_625, %dma_wait3A_626] : memref<128x128xf32, #tpu.memory_space<vmem>> -> memref<64x128xf32, #tpu.memory_space<vmem>>
          %dma_wait3A_628 = arith.constant 0 : i32
          %dma_wait3A_629 = arith.constant 0 : i32
          %dma_wait3A_630 = tpu.memref_slice %arg14[%dma_wait3A_628, %dma_wait3A_629] : memref<10112x128xf32, #tpu.memory_space<vmem_shared>> -> memref<10112x128xf32, #tpu.memory_space<vmem_shared>>
          tpu.wait_indirect_dma semaphore(%arg20 : memref<!tpu.dma_semaphore, #tpu.memory_space<semaphore_mem>>) src(%dma_wait3A_627 : memref<64x128xf32, #tpu.memory_space<vmem>>) dst(%dma_wait3A_630 : memref<10112x128xf32, #tpu.memory_space<vmem_shared>>)
          %dma_wait3A_631 = arith.constant 64 : i32
          %dma_wait3A_632 = arith.constant 0 : i32
          %dma_wait3A_633 = tpu.memref_slice %arg8[%dma_wait3A_631, %dma_wait3A_632] : memref<128x128xf32, #tpu.memory_space<vmem>> -> memref<64x128xf32, #tpu.memory_space<vmem>>
          %dma_wait3A_634 = arith.constant 0 : i32
          %dma_wait3A_635 = arith.constant 0 : i32
          %dma_wait3A_636 = tpu.memref_slice %arg14[%dma_wait3A_634, %dma_wait3A_635] : memref<10112x128xf32, #tpu.memory_space<vmem_shared>> -> memref<10112x128xf32, #tpu.memory_space<vmem_shared>>
          tpu.wait_indirect_dma semaphore(%arg20 : memref<!tpu.dma_semaphore, #tpu.memory_space<semaphore_mem>>) src(%dma_wait3A_633 : memref<64x128xf32, #tpu.memory_space<vmem>>) dst(%dma_wait3A_636 : memref<10112x128xf32, #tpu.memory_space<vmem_shared>>)
        } else {
        }
        %dma_start3A_618 = arith.constant 0 : i32
        %dma_start3A_619 = arith.constant 0 : i32
        %dma_start3A_620 = tpu.memref_slice %arg6[%dma_start3A_618, %dma_start3A_619] : memref<3x128xi32, #tpu.memory_space<vmem>> -> memref<1x128xi32, #tpu.memory_space<vmem>>
        %dma_start3A_621 = tpu.memref_squeeze %dma_start3A_620 : memref<1x128xi32, #tpu.memory_space<vmem>> -> memref<128xi32, #tpu.memory_space<vmem>>
        %dma_start3A_622 = arith.constant 0 : i32
        %dma_start3A_623 = arith.constant 0 : i32
        %dma_start3A_624 = tpu.memref_slice %arg2[%dma_start3A_622, %dma_start3A_623] : memref<10000x128xf32, #tpu.memory_space<hbm>> -> memref<10000x128xf32, #tpu.memory_space<hbm>>
        tpu.enqueue_indirect_dma source(%dma_start3A_624 : memref<10000x128xf32, #tpu.memory_space<hbm>>) target(%arg8 : memref<128x128xf32, #tpu.memory_space<vmem>>) offsets(%dma_start3A_621 : memref<128xi32, #tpu.memory_space<vmem>>) semaphore(%arg18 : memref<!tpu.dma_semaphore, #tpu.memory_space<semaphore_mem>>)
      } else {
      }
      %mul3A_594 = arith.constant 2 : i32
      %mul3A_595 = arith.muli %mul3A_594, %while3A_495 : i32
      %add3A_596 = arith.constant 1 : i32
      %add3A_597 = arith.addi %mul3A_595, %add3A_596 : i32
      %lt3A_598 = arith.cmpi slt, %add3A_597, %select_n3A : i32
      %convert_element_type3A_599 = arith.extui %lt3A_598 : i1 to i32
      %cond3A_600 = arith.constant 0 : i32
      %cond3A_601 = arith.cmpi ne, %convert_element_type3A_599, %cond3A_600 : i32
      scf.if %cond3A_601 {
        %dma_wait3A_603 = arith.constant 0 : i32
        %dma_wait3A_604 = arith.constant 0 : i32
        %dma_wait3A_605 = tpu.memref_slice %arg6[%dma_wait3A_603, %dma_wait3A_604] : memref<3x128xi32, #tpu.memory_space<vmem>> -> memref<1x128xi32, #tpu.memory_space<vmem>>
        %dma_wait3A_606 = tpu.memref_squeeze %dma_wait3A_605 : memref<1x128xi32, #tpu.memory_space<vmem>> -> memref<128xi32, #tpu.memory_space<vmem>>
        %dma_wait3A_607 = arith.constant 0 : i32
        %dma_wait3A_608 = arith.constant 0 : i32
        %dma_wait3A_609 = tpu.memref_slice %arg2[%dma_wait3A_607, %dma_wait3A_608] : memref<10000x128xf32, #tpu.memory_space<hbm>> -> memref<10000x128xf32, #tpu.memory_space<hbm>>
        tpu.wait_indirect_dma semaphore(%arg18 : memref<!tpu.dma_semaphore, #tpu.memory_space<semaphore_mem>>) src(%dma_wait3A_609 : memref<10000x128xf32, #tpu.memory_space<hbm>>) dst(%arg8 : memref<128x128xf32, #tpu.memory_space<vmem>>)
        %get3A_610 = arith.constant 1 : i32
        %get3A_611 = arith.index_cast %get3A_610 : i32 to index
        %get3A_612 = arith.constant 0 : index
        %get3A_613 = tpu.vector_load %arg6[%get3A_611, %get3A_612] {strides = array<i32>} : memref<3x128xi32, #tpu.memory_space<vmem>>, vector<16xi32>,
        %swap3A_614 = arith.constant 0 : index
        %swap3A_615 = tpu.vector_load %arg11[%swap3A_614] {strides = array<i32>} : memref<64xi32, #tpu.memory_space<vmem>>, vector<16xi32>,
        tpu.vector_store %arg11[%swap3A_614], %get3A_613 {strides = array<i32>} : memref<64xi32, #tpu.memory_space<vmem>>, vector<16xi32>,
        %get3A_616 = arith.constant 1 : i32
        %get3A_617 = arith.index_cast %get3A_616 : i32 to index
        %get3A_618 = arith.constant 16 : index
        %get3A_619 = tpu.vector_load %arg6[%get3A_617, %get3A_618] {strides = array<i32>} : memref<3x128xi32, #tpu.memory_space<vmem>>, vector<16xi32>,
        %swap3A_620 = arith.constant 16 : index
        %swap3A_621 = tpu.vector_load %arg11[%swap3A_620] {strides = array<i32>} : memref<64xi32, #tpu.memory_space<vmem>>, vector<16xi32>,
        tpu.vector_store %arg11[%swap3A_620], %get3A_619 {strides = array<i32>} : memref<64xi32, #tpu.memory_space<vmem>>, vector<16xi32>,
        %get3A_622 = arith.constant 1 : i32
        %get3A_623 = arith.index_cast %get3A_622 : i32 to index
        %get3A_624 = arith.constant 32 : index
        %get3A_625 = tpu.vector_load %arg6[%get3A_623, %get3A_624] {strides = array<i32>} : memref<3x128xi32, #tpu.memory_space<vmem>>, vector<16xi32>,
        %swap3A_626 = arith.constant 32 : index
        %swap3A_627 = tpu.vector_load %arg11[%swap3A_626] {strides = array<i32>} : memref<64xi32, #tpu.memory_space<vmem>>, vector<16xi32>,
        tpu.vector_store %arg11[%swap3A_626], %get3A_625 {strides = array<i32>} : memref<64xi32, #tpu.memory_space<vmem>>, vector<16xi32>,
        %get3A_628 = arith.constant 1 : i32
        %get3A_629 = arith.index_cast %get3A_628 : i32 to index
        %get3A_630 = arith.constant 48 : index
        %get3A_631 = tpu.vector_load %arg6[%get3A_629, %get3A_630] {strides = array<i32>} : memref<3x128xi32, #tpu.memory_space<vmem>>, vector<16xi32>,
        %swap3A_632 = arith.constant 48 : index
        %swap3A_633 = tpu.vector_load %arg11[%swap3A_632] {strides = array<i32>} : memref<64xi32, #tpu.memory_space<vmem>>, vector<16xi32>,
        tpu.vector_store %arg11[%swap3A_632], %get3A_631 {strides = array<i32>} : memref<64xi32, #tpu.memory_space<vmem>>, vector<16xi32>,
        %broadcast_in_dim3A_634 = arith.constant 2 : i32
        %broadcast_in_dim3A_635 = vector.broadcast %broadcast_in_dim3A_634 : i32 to vector<16xi32>
        %scan3A_636 = arith.constant 0 : i32
        %scan3A_637 = arith.constant 0 : i32
        %scan3A_638 = arith.constant 64 : i32
        %scan3A_639 = arith.addi %scan3A_637, %scan3A_638 : i32
        %scan3A_640 = arith.constant 1 : i32
        %scan3A_641 = scf.for %scan3A_700 = %scan3A_637 to %scan3A_639 step %scan3A_640 iter_args(%scan3A_701 = %scan3A_636) -> (i32)  : i32 {
          %broadcast_in_dim3A_702 = vector.broadcast %scan3A_700 : i32 to vector<16xi32>
          %gather3A = tpu.vector_load_idx %arg6[%broadcast_in_dim3A_635, %broadcast_in_dim3A_702] : memref<3x128xi32, #tpu.memory_space<vmem>>[vector<16xi32>, vector<16xi32>], vector<16xi32>,
          %bitcast3A = vector.bitcast %gather3A : vector<16xi32> to vector<16xf32>
          %get3A_703 = arith.index_cast %scan3A_700 : i32 to index
          %get3A_704 = arith.constant 0 : index
          %get3A_705 = tpu.vector_load %arg8[%get3A_703, %get3A_704] {strides = array<i32>} : memref<128x128xf32, #tpu.memory_space<vmem>>, vector<16xf32>,
          %mul3A_706 = arith.mulf %get3A_705, %bitcast3A : vector<16xf32>
          %swap3A_707 = arith.index_cast %scan3A_700 : i32 to index
          %swap3A_708 = arith.constant 0 : index
          %swap3A_709 = tpu.vector_load %arg8[%swap3A_707, %swap3A_708] {strides = array<i32>} : memref<128x128xf32, #tpu.memory_space<vmem>>, vector<16xf32>,
          tpu.vector_store %arg8[%swap3A_707, %swap3A_708], %mul3A_706 {strides = array<i32>} : memref<128x128xf32, #tpu.memory_space<vmem>>, vector<16xf32>,
          %get3A_710 = arith.index_cast %scan3A_700 : i32 to index
          %get3A_711 = arith.constant 16 : index
          %get3A_712 = tpu.vector_load %arg8[%get3A_710, %get3A_711] {strides = array<i32>} : memref<128x128xf32, #tpu.memory_space<vmem>>, vector<16xf32>,
          %mul3A_713 = arith.mulf %get3A_712, %bitcast3A : vector<16xf32>
          %swap3A_714 = arith.index_cast %scan3A_700 : i32 to index
          %swap3A_715 = arith.constant 16 : index
          %swap3A_716 = tpu.vector_load %arg8[%swap3A_714, %swap3A_715] {strides = array<i32>} : memref<128x128xf32, #tpu.memory_space<vmem>>, vector<16xf32>,
          tpu.vector_store %arg8[%swap3A_714, %swap3A_715], %mul3A_713 {strides = array<i32>} : memref<128x128xf32, #tpu.memory_space<vmem>>, vector<16xf32>,
          %get3A_717 = arith.index_cast %scan3A_700 : i32 to index
          %get3A_718 = arith.constant 32 : index
          %get3A_719 = tpu.vector_load %arg8[%get3A_717, %get3A_718] {strides = array<i32>} : memref<128x128xf32, #tpu.memory_space<vmem>>, vector<16xf32>,
          %mul3A_720 = arith.mulf %get3A_719, %bitcast3A : vector<16xf32>
          %swap3A_721 = arith.index_cast %scan3A_700 : i32 to index
          %swap3A_722 = arith.constant 32 : index
          %swap3A_723 = tpu.vector_load %arg8[%swap3A_721, %swap3A_722] {strides = array<i32>} : memref<128x128xf32, #tpu.memory_space<vmem>>, vector<16xf32>,
          tpu.vector_store %arg8[%swap3A_721, %swap3A_722], %mul3A_720 {strides = array<i32>} : memref<128x128xf32, #tpu.memory_space<vmem>>, vector<16xf32>,
          %get3A_724 = arith.index_cast %scan3A_700 : i32 to index
          %get3A_725 = arith.constant 48 : index
          %get3A_726 = tpu.vector_load %arg8[%get3A_724, %get3A_725] {strides = array<i32>} : memref<128x128xf32, #tpu.memory_space<vmem>>, vector<16xf32>,
          %mul3A_727 = arith.mulf %get3A_726, %bitcast3A : vector<16xf32>
          %swap3A_728 = arith.index_cast %scan3A_700 : i32 to index
          %swap3A_729 = arith.constant 48 : index
          %swap3A_730 = tpu.vector_load %arg8[%swap3A_728, %swap3A_729] {strides = array<i32>} : memref<128x128xf32, #tpu.memory_space<vmem>>, vector<16xf32>,
          tpu.vector_store %arg8[%swap3A_728, %swap3A_729], %mul3A_727 {strides = array<i32>} : memref<128x128xf32, #tpu.memory_space<vmem>>, vector<16xf32>,
          %get3A_731 = arith.index_cast %scan3A_700 : i32 to index
          %get3A_732 = arith.constant 64 : index
          %get3A_733 = tpu.vector_load %arg8[%get3A_731, %get3A_732] {strides = array<i32>} : memref<128x128xf32, #tpu.memory_space<vmem>>, vector<16xf32>,
          %mul3A_734 = arith.mulf %get3A_733, %bitcast3A : vector<16xf32>
          %swap3A_735 = arith.index_cast %scan3A_700 : i32 to index
          %swap3A_736 = arith.constant 64 : index
          %swap3A_737 = tpu.vector_load %arg8[%swap3A_735, %swap3A_736] {strides = array<i32>} : memref<128x128xf32, #tpu.memory_space<vmem>>, vector<16xf32>,
          tpu.vector_store %arg8[%swap3A_735, %swap3A_736], %mul3A_734 {strides = array<i32>} : memref<128x128xf32, #tpu.memory_space<vmem>>, vector<16xf32>,
          %get3A_738 = arith.index_cast %scan3A_700 : i32 to index
          %get3A_739 = arith.constant 80 : index
          %get3A_740 = tpu.vector_load %arg8[%get3A_738, %get3A_739] {strides = array<i32>} : memref<128x128xf32, #tpu.memory_space<vmem>>, vector<16xf32>,
          %mul3A_741 = arith.mulf %get3A_740, %bitcast3A : vector<16xf32>
          %swap3A_742 = arith.index_cast %scan3A_700 : i32 to index
          %swap3A_743 = arith.constant 80 : index
          %swap3A_744 = tpu.vector_load %arg8[%swap3A_742, %swap3A_743] {strides = array<i32>} : memref<128x128xf32, #tpu.memory_space<vmem>>, vector<16xf32>,
          tpu.vector_store %arg8[%swap3A_742, %swap3A_743], %mul3A_741 {strides = array<i32>} : memref<128x128xf32, #tpu.memory_space<vmem>>, vector<16xf32>,
          %get3A_745 = arith.index_cast %scan3A_700 : i32 to index
          %get3A_746 = arith.constant 96 : index
          %get3A_747 = tpu.vector_load %arg8[%get3A_745, %get3A_746] {strides = array<i32>} : memref<128x128xf32, #tpu.memory_space<vmem>>, vector<16xf32>,
          %mul3A_748 = arith.mulf %get3A_747, %bitcast3A : vector<16xf32>
          %swap3A_749 = arith.index_cast %scan3A_700 : i32 to index
          %swap3A_750 = arith.constant 96 : index
          %swap3A_751 = tpu.vector_load %arg8[%swap3A_749, %swap3A_750] {strides = array<i32>} : memref<128x128xf32, #tpu.memory_space<vmem>>, vector<16xf32>,
          tpu.vector_store %arg8[%swap3A_749, %swap3A_750], %mul3A_748 {strides = array<i32>} : memref<128x128xf32, #tpu.memory_space<vmem>>, vector<16xf32>,
          %get3A_752 = arith.index_cast %scan3A_700 : i32 to index
          %get3A_753 = arith.constant 112 : index
          %get3A_754 = tpu.vector_load %arg8[%get3A_752, %get3A_753] {strides = array<i32>} : memref<128x128xf32, #tpu.memory_space<vmem>>, vector<16xf32>,
          %mul3A_755 = arith.mulf %get3A_754, %bitcast3A : vector<16xf32>
          %swap3A_756 = arith.index_cast %scan3A_700 : i32 to index
          %swap3A_757 = arith.constant 112 : index
          %swap3A_758 = tpu.vector_load %arg8[%swap3A_756, %swap3A_757] {strides = array<i32>} : memref<128x128xf32, #tpu.memory_space<vmem>>, vector<16xf32>,
          tpu.vector_store %arg8[%swap3A_756, %swap3A_757], %mul3A_755 {strides = array<i32>} : memref<128x128xf32, #tpu.memory_space<vmem>>, vector<16xf32>,
          %scan3A_759 = arith.constant 0 : i32
          scf.yield %scan3A_759 : i32
        }
        %scan3A_642 = arith.constant 64 : i32
        %dma_start3A_643 = arith.constant 0 : i32
        %dma_start3A_644 = arith.constant 0 : i32
        %dma_start3A_645 = tpu.memref_slice %arg8[%dma_start3A_643, %dma_start3A_644] : memref<128x128xf32, #tpu.memory_space<vmem>> -> memref<64x128xf32, #tpu.memory_space<vmem>>
        %dma_start3A_646 = arith.constant 0 : i32
        %dma_start3A_647 = arith.constant 0 : i32
        %dma_start3A_648 = tpu.memref_slice %arg14[%dma_start3A_646, %dma_start3A_647] : memref<10112x128xf32, #tpu.memory_space<vmem_shared>> -> memref<10112x128xf32, #tpu.memory_space<vmem_shared>>
        tpu.enqueue_indirect_dma source(%dma_start3A_645 : memref<64x128xf32, #tpu.memory_space<vmem>>) target(%dma_start3A_648 : memref<10112x128xf32, #tpu.memory_space<vmem_shared>>) offsets(%arg11 : memref<64xi32, #tpu.memory_space<vmem>>) semaphore(%arg20 : memref<!tpu.dma_semaphore, #tpu.memory_space<semaphore_mem>>) {add = true}
        %get3A_649 = arith.constant 1 : i32
        %get3A_650 = arith.index_cast %get3A_649 : i32 to index
        %get3A_651 = arith.constant 64 : index
        %get3A_652 = tpu.vector_load %arg6[%get3A_650, %get3A_651] {strides = array<i32>} : memref<3x128xi32, #tpu.memory_space<vmem>>, vector<16xi32>,
        %swap3A_653 = arith.constant 0 : index
        %swap3A_654 = tpu.vector_load %arg12[%swap3A_653] {strides = array<i32>} : memref<64xi32, #tpu.memory_space<vmem>>, vector<16xi32>,
        tpu.vector_store %arg12[%swap3A_653], %get3A_652 {strides = array<i32>} : memref<64xi32, #tpu.memory_space<vmem>>, vector<16xi32>,
        %get3A_655 = arith.constant 1 : i32
        %get3A_656 = arith.index_cast %get3A_655 : i32 to index
        %get3A_657 = arith.constant 80 : index
        %get3A_658 = tpu.vector_load %arg6[%get3A_656, %get3A_657] {strides = array<i32>} : memref<3x128xi32, #tpu.memory_space<vmem>>, vector<16xi32>,
        %swap3A_659 = arith.constant 16 : index
        %swap3A_660 = tpu.vector_load %arg12[%swap3A_659] {strides = array<i32>} : memref<64xi32, #tpu.memory_space<vmem>>, vector<16xi32>,
        tpu.vector_store %arg12[%swap3A_659], %get3A_658 {strides = array<i32>} : memref<64xi32, #tpu.memory_space<vmem>>, vector<16xi32>,
        %get3A_661 = arith.constant 1 : i32
        %get3A_662 = arith.index_cast %get3A_661 : i32 to index
        %get3A_663 = arith.constant 96 : index
        %get3A_664 = tpu.vector_load %arg6[%get3A_662, %get3A_663] {strides = array<i32>} : memref<3x128xi32, #tpu.memory_space<vmem>>, vector<16xi32>,
        %swap3A_665 = arith.constant 32 : index
        %swap3A_666 = tpu.vector_load %arg12[%swap3A_665] {strides = array<i32>} : memref<64xi32, #tpu.memory_space<vmem>>, vector<16xi32>,
        tpu.vector_store %arg12[%swap3A_665], %get3A_664 {strides = array<i32>} : memref<64xi32, #tpu.memory_space<vmem>>, vector<16xi32>,
        %get3A_667 = arith.constant 1 : i32
        %get3A_668 = arith.index_cast %get3A_667 : i32 to index
        %get3A_669 = arith.constant 112 : index
        %get3A_670 = tpu.vector_load %arg6[%get3A_668, %get3A_669] {strides = array<i32>} : memref<3x128xi32, #tpu.memory_space<vmem>>, vector<16xi32>,
        %swap3A_671 = arith.constant 48 : index
        %swap3A_672 = tpu.vector_load %arg12[%swap3A_671] {strides = array<i32>} : memref<64xi32, #tpu.memory_space<vmem>>, vector<16xi32>,
        tpu.vector_store %arg12[%swap3A_671], %get3A_670 {strides = array<i32>} : memref<64xi32, #tpu.memory_space<vmem>>, vector<16xi32>,
        %broadcast_in_dim3A_673 = arith.constant 2 : i32
        %broadcast_in_dim3A_674 = vector.broadcast %broadcast_in_dim3A_673 : i32 to vector<16xi32>
        %scan3A_675 = arith.constant 0 : i32
        %scan3A_676 = arith.constant 64 : i32
        %scan3A_677 = arith.constant 64 : i32
        %scan3A_678 = arith.addi %scan3A_676, %scan3A_677 : i32
        %scan3A_679 = arith.constant 1 : i32
        %scan3A_680 = scf.for %scan3A_700 = %scan3A_676 to %scan3A_678 step %scan3A_679 iter_args(%scan3A_701 = %scan3A_675) -> (i32)  : i32 {
          %broadcast_in_dim3A_702 = vector.broadcast %scan3A_700 : i32 to vector<16xi32>
          %gather3A = tpu.vector_load_idx %arg6[%broadcast_in_dim3A_674, %broadcast_in_dim3A_702] : memref<3x128xi32, #tpu.memory_space<vmem>>[vector<16xi32>, vector<16xi32>], vector<16xi32>,
          %bitcast3A = vector.bitcast %gather3A : vector<16xi32> to vector<16xf32>
          %get3A_703 = arith.index_cast %scan3A_700 : i32 to index
          %get3A_704 = arith.constant 0 : index
          %get3A_705 = tpu.vector_load %arg8[%get3A_703, %get3A_704] {strides = array<i32>} : memref<128x128xf32, #tpu.memory_space<vmem>>, vector<16xf32>,
          %mul3A_706 = arith.mulf %get3A_705, %bitcast3A : vector<16xf32>
          %swap3A_707 = arith.index_cast %scan3A_700 : i32 to index
          %swap3A_708 = arith.constant 0 : index
          %swap3A_709 = tpu.vector_load %arg8[%swap3A_707, %swap3A_708] {strides = array<i32>} : memref<128x128xf32, #tpu.memory_space<vmem>>, vector<16xf32>,
          tpu.vector_store %arg8[%swap3A_707, %swap3A_708], %mul3A_706 {strides = array<i32>} : memref<128x128xf32, #tpu.memory_space<vmem>>, vector<16xf32>,
          %get3A_710 = arith.index_cast %scan3A_700 : i32 to index
          %get3A_711 = arith.constant 16 : index
          %get3A_712 = tpu.vector_load %arg8[%get3A_710, %get3A_711] {strides = array<i32>} : memref<128x128xf32, #tpu.memory_space<vmem>>, vector<16xf32>,
          %mul3A_713 = arith.mulf %get3A_712, %bitcast3A : vector<16xf32>
          %swap3A_714 = arith.index_cast %scan3A_700 : i32 to index
          %swap3A_715 = arith.constant 16 : index
          %swap3A_716 = tpu.vector_load %arg8[%swap3A_714, %swap3A_715] {strides = array<i32>} : memref<128x128xf32, #tpu.memory_space<vmem>>, vector<16xf32>,
          tpu.vector_store %arg8[%swap3A_714, %swap3A_715], %mul3A_713 {strides = array<i32>} : memref<128x128xf32, #tpu.memory_space<vmem>>, vector<16xf32>,
          %get3A_717 = arith.index_cast %scan3A_700 : i32 to index
          %get3A_718 = arith.constant 32 : index
          %get3A_719 = tpu.vector_load %arg8[%get3A_717, %get3A_718] {strides = array<i32>} : memref<128x128xf32, #tpu.memory_space<vmem>>, vector<16xf32>,
          %mul3A_720 = arith.mulf %get3A_719, %bitcast3A : vector<16xf32>
          %swap3A_721 = arith.index_cast %scan3A_700 : i32 to index
          %swap3A_722 = arith.constant 32 : index
          %swap3A_723 = tpu.vector_load %arg8[%swap3A_721, %swap3A_722] {strides = array<i32>} : memref<128x128xf32, #tpu.memory_space<vmem>>, vector<16xf32>,
          tpu.vector_store %arg8[%swap3A_721, %swap3A_722], %mul3A_720 {strides = array<i32>} : memref<128x128xf32, #tpu.memory_space<vmem>>, vector<16xf32>,
          %get3A_724 = arith.index_cast %scan3A_700 : i32 to index
          %get3A_725 = arith.constant 48 : index
          %get3A_726 = tpu.vector_load %arg8[%get3A_724, %get3A_725] {strides = array<i32>} : memref<128x128xf32, #tpu.memory_space<vmem>>, vector<16xf32>,
          %mul3A_727 = arith.mulf %get3A_726, %bitcast3A : vector<16xf32>
          %swap3A_728 = arith.index_cast %scan3A_700 : i32 to index
          %swap3A_729 = arith.constant 48 : index
          %swap3A_730 = tpu.vector_load %arg8[%swap3A_728, %swap3A_729] {strides = array<i32>} : memref<128x128xf32, #tpu.memory_space<vmem>>, vector<16xf32>,
          tpu.vector_store %arg8[%swap3A_728, %swap3A_729], %mul3A_727 {strides = array<i32>} : memref<128x128xf32, #tpu.memory_space<vmem>>, vector<16xf32>,
          %get3A_731 = arith.index_cast %scan3A_700 : i32 to index
          %get3A_732 = arith.constant 64 : index
          %get3A_733 = tpu.vector_load %arg8[%get3A_731, %get3A_732] {strides = array<i32>} : memref<128x128xf32, #tpu.memory_space<vmem>>, vector<16xf32>,
          %mul3A_734 = arith.mulf %get3A_733, %bitcast3A : vector<16xf32>
          %swap3A_735 = arith.index_cast %scan3A_700 : i32 to index
          %swap3A_736 = arith.constant 64 : index
          %swap3A_737 = tpu.vector_load %arg8[%swap3A_735, %swap3A_736] {strides = array<i32>} : memref<128x128xf32, #tpu.memory_space<vmem>>, vector<16xf32>,
          tpu.vector_store %arg8[%swap3A_735, %swap3A_736], %mul3A_734 {strides = array<i32>} : memref<128x128xf32, #tpu.memory_space<vmem>>, vector<16xf32>,
          %get3A_738 = arith.index_cast %scan3A_700 : i32 to index
          %get3A_739 = arith.constant 80 : index
          %get3A_740 = tpu.vector_load %arg8[%get3A_738, %get3A_739] {strides = array<i32>} : memref<128x128xf32, #tpu.memory_space<vmem>>, vector<16xf32>,
          %mul3A_741 = arith.mulf %get3A_740, %bitcast3A : vector<16xf32>
          %swap3A_742 = arith.index_cast %scan3A_700 : i32 to index
          %swap3A_743 = arith.constant 80 : index
          %swap3A_744 = tpu.vector_load %arg8[%swap3A_742, %swap3A_743] {strides = array<i32>} : memref<128x128xf32, #tpu.memory_space<vmem>>, vector<16xf32>,
          tpu.vector_store %arg8[%swap3A_742, %swap3A_743], %mul3A_741 {strides = array<i32>} : memref<128x128xf32, #tpu.memory_space<vmem>>, vector<16xf32>,
          %get3A_745 = arith.index_cast %scan3A_700 : i32 to index
          %get3A_746 = arith.constant 96 : index
          %get3A_747 = tpu.vector_load %arg8[%get3A_745, %get3A_746] {strides = array<i32>} : memref<128x128xf32, #tpu.memory_space<vmem>>, vector<16xf32>,
          %mul3A_748 = arith.mulf %get3A_747, %bitcast3A : vector<16xf32>
          %swap3A_749 = arith.index_cast %scan3A_700 : i32 to index
          %swap3A_750 = arith.constant 96 : index
          %swap3A_751 = tpu.vector_load %arg8[%swap3A_749, %swap3A_750] {strides = array<i32>} : memref<128x128xf32, #tpu.memory_space<vmem>>, vector<16xf32>,
          tpu.vector_store %arg8[%swap3A_749, %swap3A_750], %mul3A_748 {strides = array<i32>} : memref<128x128xf32, #tpu.memory_space<vmem>>, vector<16xf32>,
          %get3A_752 = arith.index_cast %scan3A_700 : i32 to index
          %get3A_753 = arith.constant 112 : index
          %get3A_754 = tpu.vector_load %arg8[%get3A_752, %get3A_753] {strides = array<i32>} : memref<128x128xf32, #tpu.memory_space<vmem>>, vector<16xf32>,
          %mul3A_755 = arith.mulf %get3A_754, %bitcast3A : vector<16xf32>
          %swap3A_756 = arith.index_cast %scan3A_700 : i32 to index
          %swap3A_757 = arith.constant 112 : index
          %swap3A_758 = tpu.vector_load %arg8[%swap3A_756, %swap3A_757] {strides = array<i32>} : memref<128x128xf32, #tpu.memory_space<vmem>>, vector<16xf32>,
          tpu.vector_store %arg8[%swap3A_756, %swap3A_757], %mul3A_755 {strides = array<i32>} : memref<128x128xf32, #tpu.memory_space<vmem>>, vector<16xf32>,
          %scan3A_759 = arith.constant 0 : i32
          scf.yield %scan3A_759 : i32
        }
        %scan3A_681 = arith.constant 64 : i32
        %dma_start3A_682 = arith.constant 64 : i32
        %dma_start3A_683 = arith.constant 0 : i32
        %dma_start3A_684 = tpu.memref_slice %arg8[%dma_start3A_682, %dma_start3A_683] : memref<128x128xf32, #tpu.memory_space<vmem>> -> memref<64x128xf32, #tpu.memory_space<vmem>>
        %dma_start3A_685 = arith.constant 0 : i32
        %dma_start3A_686 = arith.constant 0 : i32
        %dma_start3A_687 = tpu.memref_slice %arg14[%dma_start3A_685, %dma_start3A_686] : memref<10112x128xf32, #tpu.memory_space<vmem_shared>> -> memref<10112x128xf32, #tpu.memory_space<vmem_shared>>
        tpu.enqueue_indirect_dma source(%dma_start3A_684 : memref<64x128xf32, #tpu.memory_space<vmem>>) target(%dma_start3A_687 : memref<10112x128xf32, #tpu.memory_space<vmem_shared>>) offsets(%arg12 : memref<64xi32, #tpu.memory_space<vmem>>) semaphore(%arg20 : memref<!tpu.dma_semaphore, #tpu.memory_space<semaphore_mem>>) {add = true}
        %add3A_688 = arith.constant 2 : i32
        %add3A_689 = arith.addi %add3A_597, %add3A_688 : i32
        %lt3A_690 = arith.cmpi slt, %add3A_689, %select_n3A : i32
        %convert_element_type3A_691 = arith.extui %lt3A_690 : i1 to i32
        %cond3A_692 = arith.constant 0 : i32
        %cond3A_693 = arith.cmpi ne, %convert_element_type3A_691, %cond3A_692 : i32
        scf.if %cond3A_693 {
          %add3A_700 = arith.constant 2 : i32
          %add3A_701 = arith.addi %add3A_597, %add3A_700 : i32
          %add3A_702 = arith.addi %select_n3A_399, %add3A_701 : i32
          %dma_start3A_703 = arith.constant 0 : i32
          %dma_start3A_704 = arith.constant 0 : i32
          %dma_start3A_705 = tpu.memref_slice %arg3[%add3A_702, %dma_start3A_703, %dma_start3A_704] : memref<2560x3x128xi32, #tpu.memory_space<hbm>> -> memref<1x3x128xi32, #tpu.memory_space<hbm>>
          %dma_start3A_706 = tpu.memref_squeeze %dma_start3A_705 : memref<1x3x128xi32, #tpu.memory_space<hbm>> -> memref<3x128xi32, #tpu.memory_space<hbm>>
          %dma_start3A_707 = arith.constant 0 : i32
          %dma_start3A_708 = arith.constant 0 : i32
          %dma_start3A_709 = tpu.memref_slice %arg3[%add3A_702, %dma_start3A_707, %dma_start3A_708] : memref<2560x3x128xi32, #tpu.memory_space<hbm>> -> memref<1x3x128xi32, #tpu.memory_space<hbm>>
          %dma_start3A_710 = tpu.memref_squeeze %dma_start3A_709 : memref<1x3x128xi32, #tpu.memory_space<hbm>> -> memref<3x128xi32, #tpu.memory_space<hbm>>
          tpu.enqueue_dma source(%dma_start3A_710 : memref<3x128xi32, #tpu.memory_space<hbm>>) target(%arg6 : memref<3x128xi32, #tpu.memory_space<vmem>>) target_semaphore(%arg16 : memref<!tpu.dma_semaphore, #tpu.memory_space<semaphore_mem>>)
        } else {
        }
        %add3A_694 = arith.constant 1 : i32
        %add3A_695 = arith.addi %add3A_597, %add3A_694 : i32
        %lt3A_696 = arith.cmpi slt, %add3A_695, %select_n3A : i32
        %convert_element_type3A_697 = arith.extui %lt3A_696 : i1 to i32
        %cond3A_698 = arith.constant 0 : i32
        %cond3A_699 = arith.cmpi ne, %convert_element_type3A_697, %cond3A_698 : i32
        scf.if %cond3A_699 {
          %add3A_700 = arith.constant 1 : i32
          %add3A_701 = arith.addi %add3A_597, %add3A_700 : i32
          %add3A_702 = arith.addi %select_n3A_399, %add3A_701 : i32
          %dma_wait3A_703 = arith.constant 0 : i32
          %dma_wait3A_704 = arith.constant 0 : i32
          %dma_wait3A_705 = tpu.memref_slice %arg3[%add3A_702, %dma_wait3A_703, %dma_wait3A_704] : memref<2560x3x128xi32, #tpu.memory_space<hbm>> -> memref<1x3x128xi32, #tpu.memory_space<hbm>>
          %dma_wait3A_706 = tpu.memref_squeeze %dma_wait3A_705 : memref<1x3x128xi32, #tpu.memory_space<hbm>> -> memref<3x128xi32, #tpu.memory_space<hbm>>
          %dma_wait3A_707 = arith.constant 0 : i32
          %dma_wait3A_708 = arith.constant 0 : i32
          %dma_wait3A_709 = tpu.memref_slice %arg3[%add3A_702, %dma_wait3A_707, %dma_wait3A_708] : memref<2560x3x128xi32, #tpu.memory_space<hbm>> -> memref<1x3x128xi32, #tpu.memory_space<hbm>>
          %dma_wait3A_710 = tpu.memref_squeeze %dma_wait3A_709 : memref<1x3x128xi32, #tpu.memory_space<hbm>> -> memref<3x128xi32, #tpu.memory_space<hbm>>
          tpu.wait_dma2 semaphore(%arg15 : memref<!tpu.dma_semaphore, #tpu.memory_space<semaphore_mem>>) src(%dma_wait3A_710 : memref<3x128xi32, #tpu.memory_space<hbm>>) dst(%arg5 : memref<3x128xi32, #tpu.memory_space<vmem>>)
          %ge3A = arith.constant 1 : i32
          %ge3A_711 = arith.cmpi sge, %add3A_597, %ge3A : i32
          %convert_element_type3A_712 = arith.extui %ge3A_711 : i1 to i32
          %cond3A_713 = arith.constant 0 : i32
          %cond3A_714 = arith.cmpi ne, %convert_element_type3A_712, %cond3A_713 : i32
          scf.if %cond3A_714 {
            %dma_wait3A_722 = arith.constant 0 : i32
            %dma_wait3A_723 = arith.constant 0 : i32
            %dma_wait3A_724 = tpu.memref_slice %arg7[%dma_wait3A_722, %dma_wait3A_723] : memref<128x128xf32, #tpu.memory_space<vmem>> -> memref<64x128xf32, #tpu.memory_space<vmem>>
            %dma_wait3A_725 = arith.constant 0 : i32
            %dma_wait3A_726 = arith.constant 0 : i32
            %dma_wait3A_727 = tpu.memref_slice %arg14[%dma_wait3A_725, %dma_wait3A_726] : memref<10112x128xf32, #tpu.memory_space<vmem_shared>> -> memref<10112x128xf32, #tpu.memory_space<vmem_shared>>
            tpu.wait_indirect_dma semaphore(%arg19 : memref<!tpu.dma_semaphore, #tpu.memory_space<semaphore_mem>>) src(%dma_wait3A_724 : memref<64x128xf32, #tpu.memory_space<vmem>>) dst(%dma_wait3A_727 : memref<10112x128xf32, #tpu.memory_space<vmem_shared>>)
            %dma_wait3A_728 = arith.constant 64 : i32
            %dma_wait3A_729 = arith.constant 0 : i32
            %dma_wait3A_730 = tpu.memref_slice %arg7[%dma_wait3A_728, %dma_wait3A_729] : memref<128x128xf32, #tpu.memory_space<vmem>> -> memref<64x128xf32, #tpu.memory_space<vmem>>
            %dma_wait3A_731 = arith.constant 0 : i32
            %dma_wait3A_732 = arith.constant 0 : i32
            %dma_wait3A_733 = tpu.memref_slice %arg14[%dma_wait3A_731, %dma_wait3A_732] : memref<10112x128xf32, #tpu.memory_space<vmem_shared>> -> memref<10112x128xf32, #tpu.memory_space<vmem_shared>>
            tpu.wait_indirect_dma semaphore(%arg19 : memref<!tpu.dma_semaphore, #tpu.memory_space<semaphore_mem>>) src(%dma_wait3A_730 : memref<64x128xf32, #tpu.memory_space<vmem>>) dst(%dma_wait3A_733 : memref<10112x128xf32, #tpu.memory_space<vmem_shared>>)
          } else {
          }
          %dma_start3A_715 = arith.constant 0 : i32
          %dma_start3A_716 = arith.constant 0 : i32
          %dma_start3A_717 = tpu.memref_slice %arg5[%dma_start3A_715, %dma_start3A_716] : memref<3x128xi32, #tpu.memory_space<vmem>> -> memref<1x128xi32, #tpu.memory_space<vmem>>
          %dma_start3A_718 = tpu.memref_squeeze %dma_start3A_717 : memref<1x128xi32, #tpu.memory_space<vmem>> -> memref<128xi32, #tpu.memory_space<vmem>>
          %dma_start3A_719 = arith.constant 0 : i32
          %dma_start3A_720 = arith.constant 0 : i32
          %dma_start3A_721 = tpu.memref_slice %arg2[%dma_start3A_719, %dma_start3A_720] : memref<10000x128xf32, #tpu.memory_space<hbm>> -> memref<10000x128xf32, #tpu.memory_space<hbm>>
          tpu.enqueue_indirect_dma source(%dma_start3A_721 : memref<10000x128xf32, #tpu.memory_space<hbm>>) target(%arg7 : memref<128x128xf32, #tpu.memory_space<vmem>>) offsets(%dma_start3A_718 : memref<128xi32, #tpu.memory_space<vmem>>) semaphore(%arg17 : memref<!tpu.dma_semaphore, #tpu.memory_space<semaphore_mem>>)
        } else {
        }
      } else {
      }
      %while3A_602 = arith.constant 0 : i32
      scf.yield %while3A_602 : i32
    }
    %while3A_464 = arith.constant 1 : i32
    %while3A_465 = scf.for %while3A_495 = %while3A_461 to %while3A_457 step %while3A_464 iter_args(%while3A_496 = %while3A_463) -> (i32)  : i32 {
      %mul3A_497 = arith.constant 2 : i32
      %mul3A_498 = arith.muli %mul3A_497, %while3A_495 : i32
      %add3A_499 = arith.constant 0 : i32
      %add3A_500 = arith.addi %mul3A_498, %add3A_499 : i32
      %dma_wait3A_501 = arith.constant 0 : i32
      %dma_wait3A_502 = arith.constant 0 : i32
      %dma_wait3A_503 = tpu.memref_slice %arg5[%dma_wait3A_501, %dma_wait3A_502] : memref<3x128xi32, #tpu.memory_space<vmem>> -> memref<1x128xi32, #tpu.memory_space<vmem>>
      %dma_wait3A_504 = tpu.memref_squeeze %dma_wait3A_503 : memref<1x128xi32, #tpu.memory_space<vmem>> -> memref<128xi32, #tpu.memory_space<vmem>>
      %dma_wait3A_505 = arith.constant 0 : i32
      %dma_wait3A_506 = arith.constant 0 : i32
      %dma_wait3A_507 = tpu.memref_slice %arg2[%dma_wait3A_505, %dma_wait3A_506] : memref<10000x128xf32, #tpu.memory_space<hbm>> -> memref<10000x128xf32, #tpu.memory_space<hbm>>
      tpu.wait_indirect_dma semaphore(%arg17 : memref<!tpu.dma_semaphore, #tpu.memory_space<semaphore_mem>>) src(%dma_wait3A_507 : memref<10000x128xf32, #tpu.memory_space<hbm>>) dst(%arg7 : memref<128x128xf32, #tpu.memory_space<vmem>>)
      %get3A = arith.constant 1 : i32
      %get3A_508 = arith.index_cast %get3A : i32 to index
      %get3A_509 = arith.constant 0 : index
      %get3A_510 = tpu.vector_load %arg5[%get3A_508, %get3A_509] {strides = array<i32>} : memref<3x128xi32, #tpu.memory_space<vmem>>, vector<16xi32>,
      %swap3A_511 = arith.constant 0 : index
      %swap3A_512 = tpu.vector_load %arg9[%swap3A_511] {strides = array<i32>} : memref<64xi32, #tpu.memory_space<vmem>>, vector<16xi32>,
      tpu.vector_store %arg9[%swap3A_511], %get3A_510 {strides = array<i32>} : memref<64xi32, #tpu.memory_space<vmem>>, vector<16xi32>,
      %get3A_513 = arith.constant 1 : i32
      %get3A_514 = arith.index_cast %get3A_513 : i32 to index
      %get3A_515 = arith.constant 16 : index
      %get3A_516 = tpu.vector_load %arg5[%get3A_514, %get3A_515] {strides = array<i32>} : memref<3x128xi32, #tpu.memory_space<vmem>>, vector<16xi32>,
      %swap3A_517 = arith.constant 16 : index
      %swap3A_518 = tpu.vector_load %arg9[%swap3A_517] {strides = array<i32>} : memref<64xi32, #tpu.memory_space<vmem>>, vector<16xi32>,
      tpu.vector_store %arg9[%swap3A_517], %get3A_516 {strides = array<i32>} : memref<64xi32, #tpu.memory_space<vmem>>, vector<16xi32>,
      %get3A_519 = arith.constant 1 : i32
      %get3A_520 = arith.index_cast %get3A_519 : i32 to index
      %get3A_521 = arith.constant 32 : index
      %get3A_522 = tpu.vector_load %arg5[%get3A_520, %get3A_521] {strides = array<i32>} : memref<3x128xi32, #tpu.memory_space<vmem>>, vector<16xi32>,
      %swap3A_523 = arith.constant 32 : index
      %swap3A_524 = tpu.vector_load %arg9[%swap3A_523] {strides = array<i32>} : memref<64xi32, #tpu.memory_space<vmem>>, vector<16xi32>,
      tpu.vector_store %arg9[%swap3A_523], %get3A_522 {strides = array<i32>} : memref<64xi32, #tpu.memory_space<vmem>>, vector<16xi32>,
      %get3A_525 = arith.constant 1 : i32
      %get3A_526 = arith.index_cast %get3A_525 : i32 to index
      %get3A_527 = arith.constant 48 : index
      %get3A_528 = tpu.vector_load %arg5[%get3A_526, %get3A_527] {strides = array<i32>} : memref<3x128xi32, #tpu.memory_space<vmem>>, vector<16xi32>,
      %swap3A_529 = arith.constant 48 : index
      %swap3A_530 = tpu.vector_load %arg9[%swap3A_529] {strides = array<i32>} : memref<64xi32, #tpu.memory_space<vmem>>, vector<16xi32>,
      tpu.vector_store %arg9[%swap3A_529], %get3A_528 {strides = array<i32>} : memref<64xi32, #tpu.memory_space<vmem>>, vector<16xi32>,
      %broadcast_in_dim3A_531 = arith.constant 2 : i32
      %broadcast_in_dim3A_532 = vector.broadcast %broadcast_in_dim3A_531 : i32 to vector<16xi32>
      %scan3A_533 = arith.constant 0 : i32
      %scan3A_534 = arith.constant 0 : i32
      %scan3A_535 = arith.constant 64 : i32
      %scan3A_536 = arith.addi %scan3A_534, %scan3A_535 : i32
      %scan3A_537 = arith.constant 1 : i32
      %scan3A_538 = scf.for %scan3A_603 = %scan3A_534 to %scan3A_536 step %scan3A_537 iter_args(%scan3A_604 = %scan3A_533) -> (i32)  : i32 {
        %broadcast_in_dim3A_605 = vector.broadcast %scan3A_603 : i32 to vector<16xi32>
        %gather3A = tpu.vector_load_idx %arg5[%broadcast_in_dim3A_532, %broadcast_in_dim3A_605] : memref<3x128xi32, #tpu.memory_space<vmem>>[vector<16xi32>, vector<16xi32>], vector<16xi32>,
        %bitcast3A = vector.bitcast %gather3A : vector<16xi32> to vector<16xf32>
        %get3A_606 = arith.index_cast %scan3A_603 : i32 to index
        %get3A_607 = arith.constant 0 : index
        %get3A_608 = tpu.vector_load %arg7[%get3A_606, %get3A_607] {strides = array<i32>} : memref<128x128xf32, #tpu.memory_space<vmem>>, vector<16xf32>,
        %mul3A_609 = arith.mulf %get3A_608, %bitcast3A : vector<16xf32>
        %swap3A_610 = arith.index_cast %scan3A_603 : i32 to index
        %swap3A_611 = arith.constant 0 : index
        %swap3A_612 = tpu.vector_load %arg7[%swap3A_610, %swap3A_611] {strides = array<i32>} : memref<128x128xf32, #tpu.memory_space<vmem>>, vector<16xf32>,
        tpu.vector_store %arg7[%swap3A_610, %swap3A_611], %mul3A_609 {strides = array<i32>} : memref<128x128xf32, #tpu.memory_space<vmem>>, vector<16xf32>,
        %get3A_613 = arith.index_cast %scan3A_603 : i32 to index
        %get3A_614 = arith.constant 16 : index
        %get3A_615 = tpu.vector_load %arg7[%get3A_613, %get3A_614] {strides = array<i32>} : memref<128x128xf32, #tpu.memory_space<vmem>>, vector<16xf32>,
        %mul3A_616 = arith.mulf %get3A_615, %bitcast3A : vector<16xf32>
        %swap3A_617 = arith.index_cast %scan3A_603 : i32 to index
        %swap3A_618 = arith.constant 16 : index
        %swap3A_619 = tpu.vector_load %arg7[%swap3A_617, %swap3A_618] {strides = array<i32>} : memref<128x128xf32, #tpu.memory_space<vmem>>, vector<16xf32>,
        tpu.vector_store %arg7[%swap3A_617, %swap3A_618], %mul3A_616 {strides = array<i32>} : memref<128x128xf32, #tpu.memory_space<vmem>>, vector<16xf32>,
        %get3A_620 = arith.index_cast %scan3A_603 : i32 to index
        %get3A_621 = arith.constant 32 : index
        %get3A_622 = tpu.vector_load %arg7[%get3A_620, %get3A_621] {strides = array<i32>} : memref<128x128xf32, #tpu.memory_space<vmem>>, vector<16xf32>,
        %mul3A_623 = arith.mulf %get3A_622, %bitcast3A : vector<16xf32>
        %swap3A_624 = arith.index_cast %scan3A_603 : i32 to index
        %swap3A_625 = arith.constant 32 : index
        %swap3A_626 = tpu.vector_load %arg7[%swap3A_624, %swap3A_625] {strides = array<i32>} : memref<128x128xf32, #tpu.memory_space<vmem>>, vector<16xf32>,
        tpu.vector_store %arg7[%swap3A_624, %swap3A_625], %mul3A_623 {strides = array<i32>} : memref<128x128xf32, #tpu.memory_space<vmem>>, vector<16xf32>,
        %get3A_627 = arith.index_cast %scan3A_603 : i32 to index
        %get3A_628 = arith.constant 48 : index
        %get3A_629 = tpu.vector_load %arg7[%get3A_627, %get3A_628] {strides = array<i32>} : memref<128x128xf32, #tpu.memory_space<vmem>>, vector<16xf32>,
        %mul3A_630 = arith.mulf %get3A_629, %bitcast3A : vector<16xf32>
        %swap3A_631 = arith.index_cast %scan3A_603 : i32 to index
        %swap3A_632 = arith.constant 48 : index
        %swap3A_633 = tpu.vector_load %arg7[%swap3A_631, %swap3A_632] {strides = array<i32>} : memref<128x128xf32, #tpu.memory_space<vmem>>, vector<16xf32>,
        tpu.vector_store %arg7[%swap3A_631, %swap3A_632], %mul3A_630 {strides = array<i32>} : memref<128x128xf32, #tpu.memory_space<vmem>>, vector<16xf32>,
        %get3A_634 = arith.index_cast %scan3A_603 : i32 to index
        %get3A_635 = arith.constant 64 : index
        %get3A_636 = tpu.vector_load %arg7[%get3A_634, %get3A_635] {strides = array<i32>} : memref<128x128xf32, #tpu.memory_space<vmem>>, vector<16xf32>,
        %mul3A_637 = arith.mulf %get3A_636, %bitcast3A : vector<16xf32>
        %swap3A_638 = arith.index_cast %scan3A_603 : i32 to index
        %swap3A_639 = arith.constant 64 : index
        %swap3A_640 = tpu.vector_load %arg7[%swap3A_638, %swap3A_639] {strides = array<i32>} : memref<128x128xf32, #tpu.memory_space<vmem>>, vector<16xf32>,
        tpu.vector_store %arg7[%swap3A_638, %swap3A_639], %mul3A_637 {strides = array<i32>} : memref<128x128xf32, #tpu.memory_space<vmem>>, vector<16xf32>,
        %get3A_641 = arith.index_cast %scan3A_603 : i32 to index
        %get3A_642 = arith.constant 80 : index
        %get3A_643 = tpu.vector_load %arg7[%get3A_641, %get3A_642] {strides = array<i32>} : memref<128x128xf32, #tpu.memory_space<vmem>>, vector<16xf32>,
        %mul3A_644 = arith.mulf %get3A_643, %bitcast3A : vector<16xf32>
        %swap3A_645 = arith.index_cast %scan3A_603 : i32 to index
        %swap3A_646 = arith.constant 80 : index
        %swap3A_647 = tpu.vector_load %arg7[%swap3A_645, %swap3A_646] {strides = array<i32>} : memref<128x128xf32, #tpu.memory_space<vmem>>, vector<16xf32>,
        tpu.vector_store %arg7[%swap3A_645, %swap3A_646], %mul3A_644 {strides = array<i32>} : memref<128x128xf32, #tpu.memory_space<vmem>>, vector<16xf32>,
        %get3A_648 = arith.index_cast %scan3A_603 : i32 to index
        %get3A_649 = arith.constant 96 : index
        %get3A_650 = tpu.vector_load %arg7[%get3A_648, %get3A_649] {strides = array<i32>} : memref<128x128xf32, #tpu.memory_space<vmem>>, vector<16xf32>,
        %mul3A_651 = arith.mulf %get3A_650, %bitcast3A : vector<16xf32>
        %swap3A_652 = arith.index_cast %scan3A_603 : i32 to index
        %swap3A_653 = arith.constant 96 : index
        %swap3A_654 = tpu.vector_load %arg7[%swap3A_652, %swap3A_653] {strides = array<i32>} : memref<128x128xf32, #tpu.memory_space<vmem>>, vector<16xf32>,
        tpu.vector_store %arg7[%swap3A_652, %swap3A_653], %mul3A_651 {strides = array<i32>} : memref<128x128xf32, #tpu.memory_space<vmem>>, vector<16xf32>,
        %get3A_655 = arith.index_cast %scan3A_603 : i32 to index
        %get3A_656 = arith.constant 112 : index
        %get3A_657 = tpu.vector_load %arg7[%get3A_655, %get3A_656] {strides = array<i32>} : memref<128x128xf32, #tpu.memory_space<vmem>>, vector<16xf32>,
        %mul3A_658 = arith.mulf %get3A_657, %bitcast3A : vector<16xf32>
        %swap3A_659 = arith.index_cast %scan3A_603 : i32 to index
        %swap3A_660 = arith.constant 112 : index
        %swap3A_661 = tpu.vector_load %arg7[%swap3A_659, %swap3A_660] {strides = array<i32>} : memref<128x128xf32, #tpu.memory_space<vmem>>, vector<16xf32>,
        tpu.vector_store %arg7[%swap3A_659, %swap3A_660], %mul3A_658 {strides = array<i32>} : memref<128x128xf32, #tpu.memory_space<vmem>>, vector<16xf32>,
        %scan3A_662 = arith.constant 0 : i32
        scf.yield %scan3A_662 : i32
      }
      %scan3A_539 = arith.constant 64 : i32
      %dma_start3A_540 = arith.constant 0 : i32
      %dma_start3A_541 = arith.constant 0 : i32
      %dma_start3A_542 = tpu.memref_slice %arg7[%dma_start3A_540, %dma_start3A_541] : memref<128x128xf32, #tpu.memory_space<vmem>> -> memref<64x128xf32, #tpu.memory_space<vmem>>
      %dma_start3A_543 = arith.constant 0 : i32
      %dma_start3A_544 = arith.constant 0 : i32
      %dma_start3A_545 = tpu.memref_slice %arg14[%dma_start3A_543, %dma_start3A_544] : memref<10112x128xf32, #tpu.memory_space<vmem_shared>> -> memref<10112x128xf32, #tpu.memory_space<vmem_shared>>
      tpu.enqueue_indirect_dma source(%dma_start3A_542 : memref<64x128xf32, #tpu.memory_space<vmem>>) target(%dma_start3A_545 : memref<10112x128xf32, #tpu.memory_space<vmem_shared>>) offsets(%arg9 : memref<64xi32, #tpu.memory_space<vmem>>) semaphore(%arg19 : memref<!tpu.dma_semaphore, #tpu.memory_space<semaphore_mem>>) {add = true}
      %get3A_546 = arith.constant 1 : i32
      %get3A_547 = arith.index_cast %get3A_546 : i32 to index
      %get3A_548 = arith.constant 64 : index
      %get3A_549 = tpu.vector_load %arg5[%get3A_547, %get3A_548] {strides = array<i32>} : memref<3x128xi32, #tpu.memory_space<vmem>>, vector<16xi32>,
      %swap3A_550 = arith.constant 0 : index
      %swap3A_551 = tpu.vector_load %arg10[%swap3A_550] {strides = array<i32>} : memref<64xi32, #tpu.memory_space<vmem>>, vector<16xi32>,
      tpu.vector_store %arg10[%swap3A_550], %get3A_549 {strides = array<i32>} : memref<64xi32, #tpu.memory_space<vmem>>, vector<16xi32>,
      %get3A_552 = arith.constant 1 : i32
      %get3A_553 = arith.index_cast %get3A_552 : i32 to index
      %get3A_554 = arith.constant 80 : index
      %get3A_555 = tpu.vector_load %arg5[%get3A_553, %get3A_554] {strides = array<i32>} : memref<3x128xi32, #tpu.memory_space<vmem>>, vector<16xi32>,
      %swap3A_556 = arith.constant 16 : index
      %swap3A_557 = tpu.vector_load %arg10[%swap3A_556] {strides = array<i32>} : memref<64xi32, #tpu.memory_space<vmem>>, vector<16xi32>,
      tpu.vector_store %arg10[%swap3A_556], %get3A_555 {strides = array<i32>} : memref<64xi32, #tpu.memory_space<vmem>>, vector<16xi32>,
      %get3A_558 = arith.constant 1 : i32
      %get3A_559 = arith.index_cast %get3A_558 : i32 to index
      %get3A_560 = arith.constant 96 : index
      %get3A_561 = tpu.vector_load %arg5[%get3A_559, %get3A_560] {strides = array<i32>} : memref<3x128xi32, #tpu.memory_space<vmem>>, vector<16xi32>,
      %swap3A_562 = arith.constant 32 : index
      %swap3A_563 = tpu.vector_load %arg10[%swap3A_562] {strides = array<i32>} : memref<64xi32, #tpu.memory_space<vmem>>, vector<16xi32>,
      tpu.vector_store %arg10[%swap3A_562], %get3A_561 {strides = array<i32>} : memref<64xi32, #tpu.memory_space<vmem>>, vector<16xi32>,
      %get3A_564 = arith.constant 1 : i32
      %get3A_565 = arith.index_cast %get3A_564 : i32 to index
      %get3A_566 = arith.constant 112 : index
      %get3A_567 = tpu.vector_load %arg5[%get3A_565, %get3A_566] {strides = array<i32>} : memref<3x128xi32, #tpu.memory_space<vmem>>, vector<16xi32>,
      %swap3A_568 = arith.constant 48 : index
      %swap3A_569 = tpu.vector_load %arg10[%swap3A_568] {strides = array<i32>} : memref<64xi32, #tpu.memory_space<vmem>>, vector<16xi32>,
      tpu.vector_store %arg10[%swap3A_568], %get3A_567 {strides = array<i32>} : memref<64xi32, #tpu.memory_space<vmem>>, vector<16xi32>,
      %broadcast_in_dim3A_570 = arith.constant 2 : i32
      %broadcast_in_dim3A_571 = vector.broadcast %broadcast_in_dim3A_570 : i32 to vector<16xi32>
      %scan3A_572 = arith.constant 0 : i32
      %scan3A_573 = arith.constant 64 : i32
      %scan3A_574 = arith.constant 64 : i32
      %scan3A_575 = arith.addi %scan3A_573, %scan3A_574 : i32
      %scan3A_576 = arith.constant 1 : i32
      %scan3A_577 = scf.for %scan3A_603 = %scan3A_573 to %scan3A_575 step %scan3A_576 iter_args(%scan3A_604 = %scan3A_572) -> (i32)  : i32 {
        %broadcast_in_dim3A_605 = vector.broadcast %scan3A_603 : i32 to vector<16xi32>
        %gather3A = tpu.vector_load_idx %arg5[%broadcast_in_dim3A_571, %broadcast_in_dim3A_605] : memref<3x128xi32, #tpu.memory_space<vmem>>[vector<16xi32>, vector<16xi32>], vector<16xi32>,
        %bitcast3A = vector.bitcast %gather3A : vector<16xi32> to vector<16xf32>
        %get3A_606 = arith.index_cast %scan3A_603 : i32 to index
        %get3A_607 = arith.constant 0 : index
        %get3A_608 = tpu.vector_load %arg7[%get3A_606, %get3A_607] {strides = array<i32>} : memref<128x128xf32, #tpu.memory_space<vmem>>, vector<16xf32>,
        %mul3A_609 = arith.mulf %get3A_608, %bitcast3A : vector<16xf32>
        %swap3A_610 = arith.index_cast %scan3A_603 : i32 to index
        %swap3A_611 = arith.constant 0 : index
        %swap3A_612 = tpu.vector_load %arg7[%swap3A_610, %swap3A_611] {strides = array<i32>} : memref<128x128xf32, #tpu.memory_space<vmem>>, vector<16xf32>,
        tpu.vector_store %arg7[%swap3A_610, %swap3A_611], %mul3A_609 {strides = array<i32>} : memref<128x128xf32, #tpu.memory_space<vmem>>, vector<16xf32>,
        %get3A_613 = arith.index_cast %scan3A_603 : i32 to index
        %get3A_614 = arith.constant 16 : index
        %get3A_615 = tpu.vector_load %arg7[%get3A_613, %get3A_614] {strides = array<i32>} : memref<128x128xf32, #tpu.memory_space<vmem>>, vector<16xf32>,
        %mul3A_616 = arith.mulf %get3A_615, %bitcast3A : vector<16xf32>
        %swap3A_617 = arith.index_cast %scan3A_603 : i32 to index
        %swap3A_618 = arith.constant 16 : index
        %swap3A_619 = tpu.vector_load %arg7[%swap3A_617, %swap3A_618] {strides = array<i32>} : memref<128x128xf32, #tpu.memory_space<vmem>>, vector<16xf32>,
        tpu.vector_store %arg7[%swap3A_617, %swap3A_618], %mul3A_616 {strides = array<i32>} : memref<128x128xf32, #tpu.memory_space<vmem>>, vector<16xf32>,
        %get3A_620 = arith.index_cast %scan3A_603 : i32 to index
        %get3A_621 = arith.constant 32 : index
        %get3A_622 = tpu.vector_load %arg7[%get3A_620, %get3A_621] {strides = array<i32>} : memref<128x128xf32, #tpu.memory_space<vmem>>, vector<16xf32>,
        %mul3A_623 = arith.mulf %get3A_622, %bitcast3A : vector<16xf32>
        %swap3A_624 = arith.index_cast %scan3A_603 : i32 to index
        %swap3A_625 = arith.constant 32 : index
        %swap3A_626 = tpu.vector_load %arg7[%swap3A_624, %swap3A_625] {strides = array<i32>} : memref<128x128xf32, #tpu.memory_space<vmem>>, vector<16xf32>,
        tpu.vector_store %arg7[%swap3A_624, %swap3A_625], %mul3A_623 {strides = array<i32>} : memref<128x128xf32, #tpu.memory_space<vmem>>, vector<16xf32>,
        %get3A_627 = arith.index_cast %scan3A_603 : i32 to index
        %get3A_628 = arith.constant 48 : index
        %get3A_629 = tpu.vector_load %arg7[%get3A_627, %get3A_628] {strides = array<i32>} : memref<128x128xf32, #tpu.memory_space<vmem>>, vector<16xf32>,
        %mul3A_630 = arith.mulf %get3A_629, %bitcast3A : vector<16xf32>
        %swap3A_631 = arith.index_cast %scan3A_603 : i32 to index
        %swap3A_632 = arith.constant 48 : index
        %swap3A_633 = tpu.vector_load %arg7[%swap3A_631, %swap3A_632] {strides = array<i32>} : memref<128x128xf32, #tpu.memory_space<vmem>>, vector<16xf32>,
        tpu.vector_store %arg7[%swap3A_631, %swap3A_632], %mul3A_630 {strides = array<i32>} : memref<128x128xf32, #tpu.memory_space<vmem>>, vector<16xf32>,
        %get3A_634 = arith.index_cast %scan3A_603 : i32 to index
        %get3A_635 = arith.constant 64 : index
        %get3A_636 = tpu.vector_load %arg7[%get3A_634, %get3A_635] {strides = array<i32>} : memref<128x128xf32, #tpu.memory_space<vmem>>, vector<16xf32>,
        %mul3A_637 = arith.mulf %get3A_636, %bitcast3A : vector<16xf32>
        %swap3A_638 = arith.index_cast %scan3A_603 : i32 to index
        %swap3A_639 = arith.constant 64 : index
        %swap3A_640 = tpu.vector_load %arg7[%swap3A_638, %swap3A_639] {strides = array<i32>} : memref<128x128xf32, #tpu.memory_space<vmem>>, vector<16xf32>,
        tpu.vector_store %arg7[%swap3A_638, %swap3A_639], %mul3A_637 {strides = array<i32>} : memref<128x128xf32, #tpu.memory_space<vmem>>, vector<16xf32>,
        %get3A_641 = arith.index_cast %scan3A_603 : i32 to index
        %get3A_642 = arith.constant 80 : index
        %get3A_643 = tpu.vector_load %arg7[%get3A_641, %get3A_642] {strides = array<i32>} : memref<128x128xf32, #tpu.memory_space<vmem>>, vector<16xf32>,
        %mul3A_644 = arith.mulf %get3A_643, %bitcast3A : vector<16xf32>
        %swap3A_645 = arith.index_cast %scan3A_603 : i32 to index
        %swap3A_646 = arith.constant 80 : index
        %swap3A_647 = tpu.vector_load %arg7[%swap3A_645, %swap3A_646] {strides = array<i32>} : memref<128x128xf32, #tpu.memory_space<vmem>>, vector<16xf32>,
        tpu.vector_store %arg7[%swap3A_645, %swap3A_646], %mul3A_644 {strides = array<i32>} : memref<128x128xf32, #tpu.memory_space<vmem>>, vector<16xf32>,
        %get3A_648 = arith.index_cast %scan3A_603 : i32 to index
        %get3A_649 = arith.constant 96 : index
        %get3A_650 = tpu.vector_load %arg7[%get3A_648, %get3A_649] {strides = array<i32>} : memref<128x128xf32, #tpu.memory_space<vmem>>, vector<16xf32>,
        %mul3A_651 = arith.mulf %get3A_650, %bitcast3A : vector<16xf32>
        %swap3A_652 = arith.index_cast %scan3A_603 : i32 to index
        %swap3A_653 = arith.constant 96 : index
        %swap3A_654 = tpu.vector_load %arg7[%swap3A_652, %swap3A_653] {strides = array<i32>} : memref<128x128xf32, #tpu.memory_space<vmem>>, vector<16xf32>,
        tpu.vector_store %arg7[%swap3A_652, %swap3A_653], %mul3A_651 {strides = array<i32>} : memref<128x128xf32, #tpu.memory_space<vmem>>, vector<16xf32>,
        %get3A_655 = arith.index_cast %scan3A_603 : i32 to index
        %get3A_656 = arith.constant 112 : index
        %get3A_657 = tpu.vector_load %arg7[%get3A_655, %get3A_656] {strides = array<i32>} : memref<128x128xf32, #tpu.memory_space<vmem>>, vector<16xf32>,
        %mul3A_658 = arith.mulf %get3A_657, %bitcast3A : vector<16xf32>
        %swap3A_659 = arith.index_cast %scan3A_603 : i32 to index
        %swap3A_660 = arith.constant 112 : index
        %swap3A_661 = tpu.vector_load %arg7[%swap3A_659, %swap3A_660] {strides = array<i32>} : memref<128x128xf32, #tpu.memory_space<vmem>>, vector<16xf32>,
        tpu.vector_store %arg7[%swap3A_659, %swap3A_660], %mul3A_658 {strides = array<i32>} : memref<128x128xf32, #tpu.memory_space<vmem>>, vector<16xf32>,
        %scan3A_662 = arith.constant 0 : i32
        scf.yield %scan3A_662 : i32
      }
      %scan3A_578 = arith.constant 64 : i32
      %dma_start3A_579 = arith.constant 64 : i32
      %dma_start3A_580 = arith.constant 0 : i32
      %dma_start3A_581 = tpu.memref_slice %arg7[%dma_start3A_579, %dma_start3A_580] : memref<128x128xf32, #tpu.memory_space<vmem>> -> memref<64x128xf32, #tpu.memory_space<vmem>>
      %dma_start3A_582 = arith.constant 0 : i32
      %dma_start3A_583 = arith.constant 0 : i32
      %dma_start3A_584 = tpu.memref_slice %arg14[%dma_start3A_582, %dma_start3A_583] : memref<10112x128xf32, #tpu.memory_space<vmem_shared>> -> memref<10112x128xf32, #tpu.memory_space<vmem_shared>>
      tpu.enqueue_indirect_dma source(%dma_start3A_581 : memref<64x128xf32, #tpu.memory_space<vmem>>) target(%dma_start3A_584 : memref<10112x128xf32, #tpu.memory_space<vmem_shared>>) offsets(%arg10 : memref<64xi32, #tpu.memory_space<vmem>>) semaphore(%arg19 : memref<!tpu.dma_semaphore, #tpu.memory_space<semaphore_mem>>) {add = true}
      %add3A_585 = arith.constant 2 : i32
      %add3A_586 = arith.addi %add3A_500, %add3A_585 : i32
      %lt3A = arith.cmpi slt, %add3A_586, %select_n3A : i32
      %convert_element_type3A = arith.extui %lt3A : i1 to i32
      %cond3A = arith.constant 0 : i32
      %cond3A_587 = arith.cmpi ne, %convert_element_type3A, %cond3A : i32
      scf.if %cond3A_587 {
        %add3A_603 = arith.constant 2 : i32
        %add3A_604 = arith.addi %add3A_500, %add3A_603 : i32
        %add3A_605 = arith.addi %select_n3A_399, %add3A_604 : i32
        %dma_start3A_606 = arith.constant 0 : i32
        %dma_start3A_607 = arith.constant 0 : i32
        %dma_start3A_608 = tpu.memref_slice %arg3[%add3A_605, %dma_start3A_606, %dma_start3A_607] : memref<2560x3x128xi32, #tpu.memory_space<hbm>> -> memref<1x3x128xi32, #tpu.memory_space<hbm>>
        %dma_start3A_609 = tpu.memref_squeeze %dma_start3A_608 : memref<1x3x128xi32, #tpu.memory_space<hbm>> -> memref<3x128xi32, #tpu.memory_space<hbm>>
        %dma_start3A_610 = arith.constant 0 : i32
        %dma_start3A_611 = arith.constant 0 : i32
        %dma_start3A_612 = tpu.memref_slice %arg3[%add3A_605, %dma_start3A_610, %dma_start3A_611] : memref<2560x3x128xi32, #tpu.memory_space<hbm>> -> memref<1x3x128xi32, #tpu.memory_space<hbm>>
        %dma_start3A_613 = tpu.memref_squeeze %dma_start3A_612 : memref<1x3x128xi32, #tpu.memory_space<hbm>> -> memref<3x128xi32, #tpu.memory_space<hbm>>
        tpu.enqueue_dma source(%dma_start3A_613 : memref<3x128xi32, #tpu.memory_space<hbm>>) target(%arg5 : memref<3x128xi32, #tpu.memory_space<vmem>>) target_semaphore(%arg15 : memref<!tpu.dma_semaphore, #tpu.memory_space<semaphore_mem>>)
      } else {
      }
      %add3A_588 = arith.constant 1 : i32
      %add3A_589 = arith.addi %add3A_500, %add3A_588 : i32
      %lt3A_590 = arith.cmpi slt, %add3A_589, %select_n3A : i32
      %convert_element_type3A_591 = arith.extui %lt3A_590 : i1 to i32
      %cond3A_592 = arith.constant 0 : i32
      %cond3A_593 = arith.cmpi ne, %convert_element_type3A_591, %cond3A_592 : i32
      scf.if %cond3A_593 {
        %add3A_603 = arith.constant 1 : i32
        %add3A_604 = arith.addi %add3A_500, %add3A_603 : i32
        %add3A_605 = arith.addi %select_n3A_399, %add3A_604 : i32
        %dma_wait3A_606 = arith.constant 0 : i32
        %dma_wait3A_607 = arith.constant 0 : i32
        %dma_wait3A_608 = tpu.memref_slice %arg3[%add3A_605, %dma_wait3A_606, %dma_wait3A_607] : memref<2560x3x128xi32, #tpu.memory_space<hbm>> -> memref<1x3x128xi32, #tpu.memory_space<hbm>>
        %dma_wait3A_609 = tpu.memref_squeeze %dma_wait3A_608 : memref<1x3x128xi32, #tpu.memory_space<hbm>> -> memref<3x128xi32, #tpu.memory_space<hbm>>
        %dma_wait3A_610 = arith.constant 0 : i32
        %dma_wait3A_611 = arith.constant 0 : i32
        %dma_wait3A_612 = tpu.memref_slice %arg3[%add3A_605, %dma_wait3A_610, %dma_wait3A_611] : memref<2560x3x128xi32, #tpu.memory_space<hbm>> -> memref<1x3x128xi32, #tpu.memory_space<hbm>>
        %dma_wait3A_613 = tpu.memref_squeeze %dma_wait3A_612 : memref<1x3x128xi32, #tpu.memory_space<hbm>> -> memref<3x128xi32, #tpu.memory_space<hbm>>
        tpu.wait_dma2 semaphore(%arg16 : memref<!tpu.dma_semaphore, #tpu.memory_space<semaphore_mem>>) src(%dma_wait3A_613 : memref<3x128xi32, #tpu.memory_space<hbm>>) dst(%arg6 : memref<3x128xi32, #tpu.memory_space<vmem>>)
        %ge3A = arith.constant 1 : i32
        %ge3A_614 = arith.cmpi sge, %add3A_500, %ge3A : i32
        %convert_element_type3A_615 = arith.extui %ge3A_614 : i1 to i32
        %cond3A_616 = arith.constant 0 : i32
        %cond3A_617 = arith.cmpi ne, %convert_element_type3A_615, %cond3A_616 : i32
        scf.if %cond3A_617 {
          %dma_wait3A_625 = arith.constant 0 : i32
          %dma_wait3A_626 = arith.constant 0 : i32
          %dma_wait3A_627 = tpu.memref_slice %arg8[%dma_wait3A_625, %dma_wait3A_626] : memref<128x128xf32, #tpu.memory_space<vmem>> -> memref<64x128xf32, #tpu.memory_space<vmem>>
          %dma_wait3A_628 = arith.constant 0 : i32
          %dma_wait3A_629 = arith.constant 0 : i32
          %dma_wait3A_630 = tpu.memref_slice %arg14[%dma_wait3A_628, %dma_wait3A_629] : memref<10112x128xf32, #tpu.memory_space<vmem_shared>> -> memref<10112x128xf32, #tpu.memory_space<vmem_shared>>
          tpu.wait_indirect_dma semaphore(%arg20 : memref<!tpu.dma_semaphore, #tpu.memory_space<semaphore_mem>>) src(%dma_wait3A_627 : memref<64x128xf32, #tpu.memory_space<vmem>>) dst(%dma_wait3A_630 : memref<10112x128xf32, #tpu.memory_space<vmem_shared>>)
          %dma_wait3A_631 = arith.constant 64 : i32
          %dma_wait3A_632 = arith.constant 0 : i32
          %dma_wait3A_633 = tpu.memref_slice %arg8[%dma_wait3A_631, %dma_wait3A_632] : memref<128x128xf32, #tpu.memory_space<vmem>> -> memref<64x128xf32, #tpu.memory_space<vmem>>
          %dma_wait3A_634 = arith.constant 0 : i32
          %dma_wait3A_635 = arith.constant 0 : i32
          %dma_wait3A_636 = tpu.memref_slice %arg14[%dma_wait3A_634, %dma_wait3A_635] : memref<10112x128xf32, #tpu.memory_space<vmem_shared>> -> memref<10112x128xf32, #tpu.memory_space<vmem_shared>>
          tpu.wait_indirect_dma semaphore(%arg20 : memref<!tpu.dma_semaphore, #tpu.memory_space<semaphore_mem>>) src(%dma_wait3A_633 : memref<64x128xf32, #tpu.memory_space<vmem>>) dst(%dma_wait3A_636 : memref<10112x128xf32, #tpu.memory_space<vmem_shared>>)
        } else {
        }
        %dma_start3A_618 = arith.constant 0 : i32
        %dma_start3A_619 = arith.constant 0 : i32
        %dma_start3A_620 = tpu.memref_slice %arg6[%dma_start3A_618, %dma_start3A_619] : memref<3x128xi32, #tpu.memory_space<vmem>> -> memref<1x128xi32, #tpu.memory_space<vmem>>
        %dma_start3A_621 = tpu.memref_squeeze %dma_start3A_620 : memref<1x128xi32, #tpu.memory_space<vmem>> -> memref<128xi32, #tpu.memory_space<vmem>>
        %dma_start3A_622 = arith.constant 0 : i32
        %dma_start3A_623 = arith.constant 0 : i32
        %dma_start3A_624 = tpu.memref_slice %arg2[%dma_start3A_622, %dma_start3A_623] : memref<10000x128xf32, #tpu.memory_space<hbm>> -> memref<10000x128xf32, #tpu.memory_space<hbm>>
        tpu.enqueue_indirect_dma source(%dma_start3A_624 : memref<10000x128xf32, #tpu.memory_space<hbm>>) target(%arg8 : memref<128x128xf32, #tpu.memory_space<vmem>>) offsets(%dma_start3A_621 : memref<128xi32, #tpu.memory_space<vmem>>) semaphore(%arg18 : memref<!tpu.dma_semaphore, #tpu.memory_space<semaphore_mem>>)
      } else {
      }
      %mul3A_594 = arith.constant 2 : i32
      %mul3A_595 = arith.muli %mul3A_594, %while3A_495 : i32
      %add3A_596 = arith.constant 1 : i32
      %add3A_597 = arith.addi %mul3A_595, %add3A_596 : i32
      %lt3A_598 = arith.cmpi slt, %add3A_597, %select_n3A : i32
      %convert_element_type3A_599 = arith.extui %lt3A_598 : i1 to i32
      %cond3A_600 = arith.constant 0 : i32
      %cond3A_601 = arith.cmpi ne, %convert_element_type3A_599, %cond3A_600 : i32
      scf.if %cond3A_601 {
        %dma_wait3A_603 = arith.constant 0 : i32
        %dma_wait3A_604 = arith.constant 0 : i32
        %dma_wait3A_605 = tpu.memref_slice %arg6[%dma_wait3A_603, %dma_wait3A_604] : memref<3x128xi32, #tpu.memory_space<vmem>> -> memref<1x128xi32, #tpu.memory_space<vmem>>
        %dma_wait3A_606 = tpu.memref_squeeze %dma_wait3A_605 : memref<1x128xi32, #tpu.memory_space<vmem>> -> memref<128xi32, #tpu.memory_space<vmem>>
        %dma_wait3A_607 = arith.constant 0 : i32
        %dma_wait3A_608 = arith.constant 0 : i32
        %dma_wait3A_609 = tpu.memref_slice %arg2[%dma_wait3A_607, %dma_wait3A_608] : memref<10000x128xf32, #tpu.memory_space<hbm>> -> memref<10000x128xf32, #tpu.memory_space<hbm>>
        tpu.wait_indirect_dma semaphore(%arg18 : memref<!tpu.dma_semaphore, #tpu.memory_space<semaphore_mem>>) src(%dma_wait3A_609 : memref<10000x128xf32, #tpu.memory_space<hbm>>) dst(%arg8 : memref<128x128xf32, #tpu.memory_space<vmem>>)
        %get3A_610 = arith.constant 1 : i32
        %get3A_611 = arith.index_cast %get3A_610 : i32 to index
        %get3A_612 = arith.constant 0 : index
        %get3A_613 = tpu.vector_load %arg6[%get3A_611, %get3A_612] {strides = array<i32>} : memref<3x128xi32, #tpu.memory_space<vmem>>, vector<16xi32>,
        %swap3A_614 = arith.constant 0 : index
        %swap3A_615 = tpu.vector_load %arg11[%swap3A_614] {strides = array<i32>} : memref<64xi32, #tpu.memory_space<vmem>>, vector<16xi32>,
        tpu.vector_store %arg11[%swap3A_614], %get3A_613 {strides = array<i32>} : memref<64xi32, #tpu.memory_space<vmem>>, vector<16xi32>,
        %get3A_616 = arith.constant 1 : i32
        %get3A_617 = arith.index_cast %get3A_616 : i32 to index
        %get3A_618 = arith.constant 16 : index
        %get3A_619 = tpu.vector_load %arg6[%get3A_617, %get3A_618] {strides = array<i32>} : memref<3x128xi32, #tpu.memory_space<vmem>>, vector<16xi32>,
        %swap3A_620 = arith.constant 16 : index
        %swap3A_621 = tpu.vector_load %arg11[%swap3A_620] {strides = array<i32>} : memref<64xi32, #tpu.memory_space<vmem>>, vector<16xi32>,
        tpu.vector_store %arg11[%swap3A_620], %get3A_619 {strides = array<i32>} : memref<64xi32, #tpu.memory_space<vmem>>, vector<16xi32>,
        %get3A_622 = arith.constant 1 : i32
        %get3A_623 = arith.index_cast %get3A_622 : i32 to index
        %get3A_624 = arith.constant 32 : index
        %get3A_625 = tpu.vector_load %arg6[%get3A_623, %get3A_624] {strides = array<i32>} : memref<3x128xi32, #tpu.memory_space<vmem>>, vector<16xi32>,
        %swap3A_626 = arith.constant 32 : index
        %swap3A_627 = tpu.vector_load %arg11[%swap3A_626] {strides = array<i32>} : memref<64xi32, #tpu.memory_space<vmem>>, vector<16xi32>,
        tpu.vector_store %arg11[%swap3A_626], %get3A_625 {strides = array<i32>} : memref<64xi32, #tpu.memory_space<vmem>>, vector<16xi32>,
        %get3A_628 = arith.constant 1 : i32
        %get3A_629 = arith.index_cast %get3A_628 : i32 to index
        %get3A_630 = arith.constant 48 : index
        %get3A_631 = tpu.vector_load %arg6[%get3A_629, %get3A_630] {strides = array<i32>} : memref<3x128xi32, #tpu.memory_space<vmem>>, vector<16xi32>,
        %swap3A_632 = arith.constant 48 : index
        %swap3A_633 = tpu.vector_load %arg11[%swap3A_632] {strides = array<i32>} : memref<64xi32, #tpu.memory_space<vmem>>, vector<16xi32>,
        tpu.vector_store %arg11[%swap3A_632], %get3A_631 {strides = array<i32>} : memref<64xi32, #tpu.memory_space<vmem>>, vector<16xi32>,
        %broadcast_in_dim3A_634 = arith.constant 2 : i32
        %broadcast_in_dim3A_635 = vector.broadcast %broadcast_in_dim3A_634 : i32 to vector<16xi32>
        %scan3A_636 = arith.constant 0 : i32
        %scan3A_637 = arith.constant 0 : i32
        %scan3A_638 = arith.constant 64 : i32
        %scan3A_639 = arith.addi %scan3A_637, %scan3A_638 : i32
        %scan3A_640 = arith.constant 1 : i32
        %scan3A_641 = scf.for %scan3A_700 = %scan3A_637 to %scan3A_639 step %scan3A_640 iter_args(%scan3A_701 = %scan3A_636) -> (i32)  : i32 {
          %broadcast_in_dim3A_702 = vector.broadcast %scan3A_700 : i32 to vector<16xi32>
          %gather3A = tpu.vector_load_idx %arg6[%broadcast_in_dim3A_635, %broadcast_in_dim3A_702] : memref<3x128xi32, #tpu.memory_space<vmem>>[vector<16xi32>, vector<16xi32>], vector<16xi32>,
          %bitcast3A = vector.bitcast %gather3A : vector<16xi32> to vector<16xf32>
          %get3A_703 = arith.index_cast %scan3A_700 : i32 to index
          %get3A_704 = arith.constant 0 : index
          %get3A_705 = tpu.vector_load %arg8[%get3A_703, %get3A_704] {strides = array<i32>} : memref<128x128xf32, #tpu.memory_space<vmem>>, vector<16xf32>,
          %mul3A_706 = arith.mulf %get3A_705, %bitcast3A : vector<16xf32>
          %swap3A_707 = arith.index_cast %scan3A_700 : i32 to index
          %swap3A_708 = arith.constant 0 : index
          %swap3A_709 = tpu.vector_load %arg8[%swap3A_707, %swap3A_708] {strides = array<i32>} : memref<128x128xf32, #tpu.memory_space<vmem>>, vector<16xf32>,
          tpu.vector_store %arg8[%swap3A_707, %swap3A_708], %mul3A_706 {strides = array<i32>} : memref<128x128xf32, #tpu.memory_space<vmem>>, vector<16xf32>,
          %get3A_710 = arith.index_cast %scan3A_700 : i32 to index
          %get3A_711 = arith.constant 16 : index
          %get3A_712 = tpu.vector_load %arg8[%get3A_710, %get3A_711] {strides = array<i32>} : memref<128x128xf32, #tpu.memory_space<vmem>>, vector<16xf32>,
          %mul3A_713 = arith.mulf %get3A_712, %bitcast3A : vector<16xf32>
          %swap3A_714 = arith.index_cast %scan3A_700 : i32 to index
          %swap3A_715 = arith.constant 16 : index
          %swap3A_716 = tpu.vector_load %arg8[%swap3A_714, %swap3A_715] {strides = array<i32>} : memref<128x128xf32, #tpu.memory_space<vmem>>, vector<16xf32>,
          tpu.vector_store %arg8[%swap3A_714, %swap3A_715], %mul3A_713 {strides = array<i32>} : memref<128x128xf32, #tpu.memory_space<vmem>>, vector<16xf32>,
          %get3A_717 = arith.index_cast %scan3A_700 : i32 to index
          %get3A_718 = arith.constant 32 : index
          %get3A_719 = tpu.vector_load %arg8[%get3A_717, %get3A_718] {strides = array<i32>} : memref<128x128xf32, #tpu.memory_space<vmem>>, vector<16xf32>,
          %mul3A_720 = arith.mulf %get3A_719, %bitcast3A : vector<16xf32>
          %swap3A_721 = arith.index_cast %scan3A_700 : i32 to index
          %swap3A_722 = arith.constant 32 : index
          %swap3A_723 = tpu.vector_load %arg8[%swap3A_721, %swap3A_722] {strides = array<i32>} : memref<128x128xf32, #tpu.memory_space<vmem>>, vector<16xf32>,
          tpu.vector_store %arg8[%swap3A_721, %swap3A_722], %mul3A_720 {strides = array<i32>} : memref<128x128xf32, #tpu.memory_space<vmem>>, vector<16xf32>,
          %get3A_724 = arith.index_cast %scan3A_700 : i32 to index
          %get3A_725 = arith.constant 48 : index
          %get3A_726 = tpu.vector_load %arg8[%get3A_724, %get3A_725] {strides = array<i32>} : memref<128x128xf32, #tpu.memory_space<vmem>>, vector<16xf32>,
          %mul3A_727 = arith.mulf %get3A_726, %bitcast3A : vector<16xf32>
          %swap3A_728 = arith.index_cast %scan3A_700 : i32 to index
          %swap3A_729 = arith.constant 48 : index
          %swap3A_730 = tpu.vector_load %arg8[%swap3A_728, %swap3A_729] {strides = array<i32>} : memref<128x128xf32, #tpu.memory_space<vmem>>, vector<16xf32>,
          tpu.vector_store %arg8[%swap3A_728, %swap3A_729], %mul3A_727 {strides = array<i32>} : memref<128x128xf32, #tpu.memory_space<vmem>>, vector<16xf32>,
          %get3A_731 = arith.index_cast %scan3A_700 : i32 to index
          %get3A_732 = arith.constant 64 : index
          %get3A_733 = tpu.vector_load %arg8[%get3A_731, %get3A_732] {strides = array<i32>} : memref<128x128xf32, #tpu.memory_space<vmem>>, vector<16xf32>,
          %mul3A_734 = arith.mulf %get3A_733, %bitcast3A : vector<16xf32>
          %swap3A_735 = arith.index_cast %scan3A_700 : i32 to index
          %swap3A_736 = arith.constant 64 : index
          %swap3A_737 = tpu.vector_load %arg8[%swap3A_735, %swap3A_736] {strides = array<i32>} : memref<128x128xf32, #tpu.memory_space<vmem>>, vector<16xf32>,
          tpu.vector_store %arg8[%swap3A_735, %swap3A_736], %mul3A_734 {strides = array<i32>} : memref<128x128xf32, #tpu.memory_space<vmem>>, vector<16xf32>,
          %get3A_738 = arith.index_cast %scan3A_700 : i32 to index
          %get3A_739 = arith.constant 80 : index
          %get3A_740 = tpu.vector_load %arg8[%get3A_738, %get3A_739] {strides = array<i32>} : memref<128x128xf32, #tpu.memory_space<vmem>>, vector<16xf32>,
          %mul3A_741 = arith.mulf %get3A_740, %bitcast3A : vector<16xf32>
          %swap3A_742 = arith.index_cast %scan3A_700 : i32 to index
          %swap3A_743 = arith.constant 80 : index
          %swap3A_744 = tpu.vector_load %arg8[%swap3A_742, %swap3A_743] {strides = array<i32>} : memref<128x128xf32, #tpu.memory_space<vmem>>, vector<16xf32>,
          tpu.vector_store %arg8[%swap3A_742, %swap3A_743], %mul3A_741 {strides = array<i32>} : memref<128x128xf32, #tpu.memory_space<vmem>>, vector<16xf32>,
          %get3A_745 = arith.index_cast %scan3A_700 : i32 to index
          %get3A_746 = arith.constant 96 : index
          %get3A_747 = tpu.vector_load %arg8[%get3A_745, %get3A_746] {strides = array<i32>} : memref<128x128xf32, #tpu.memory_space<vmem>>, vector<16xf32>,
          %mul3A_748 = arith.mulf %get3A_747, %bitcast3A : vector<16xf32>
          %swap3A_749 = arith.index_cast %scan3A_700 : i32 to index
          %swap3A_750 = arith.constant 96 : index
          %swap3A_751 = tpu.vector_load %arg8[%swap3A_749, %swap3A_750] {strides = array<i32>} : memref<128x128xf32, #tpu.memory_space<vmem>>, vector<16xf32>,
          tpu.vector_store %arg8[%swap3A_749, %swap3A_750], %mul3A_748 {strides = array<i32>} : memref<128x128xf32, #tpu.memory_space<vmem>>, vector<16xf32>,
          %get3A_752 = arith.index_cast %scan3A_700 : i32 to index
          %get3A_753 = arith.constant 112 : index
          %get3A_754 = tpu.vector_load %arg8[%get3A_752, %get3A_753] {strides = array<i32>} : memref<128x128xf32, #tpu.memory_space<vmem>>, vector<16xf32>,
          %mul3A_755 = arith.mulf %get3A_754, %bitcast3A : vector<16xf32>
          %swap3A_756 = arith.index_cast %scan3A_700 : i32 to index
          %swap3A_757 = arith.constant 112 : index
          %swap3A_758 = tpu.vector_load %arg8[%swap3A_756, %swap3A_757] {strides = array<i32>} : memref<128x128xf32, #tpu.memory_space<vmem>>, vector<16xf32>,
          tpu.vector_store %arg8[%swap3A_756, %swap3A_757], %mul3A_755 {strides = array<i32>} : memref<128x128xf32, #tpu.memory_space<vmem>>, vector<16xf32>,
          %scan3A_759 = arith.constant 0 : i32
          scf.yield %scan3A_759 : i32
        }
        %scan3A_642 = arith.constant 64 : i32
        %dma_start3A_643 = arith.constant 0 : i32
        %dma_start3A_644 = arith.constant 0 : i32
        %dma_start3A_645 = tpu.memref_slice %arg8[%dma_start3A_643, %dma_start3A_644] : memref<128x128xf32, #tpu.memory_space<vmem>> -> memref<64x128xf32, #tpu.memory_space<vmem>>
        %dma_start3A_646 = arith.constant 0 : i32
        %dma_start3A_647 = arith.constant 0 : i32
        %dma_start3A_648 = tpu.memref_slice %arg14[%dma_start3A_646, %dma_start3A_647] : memref<10112x128xf32, #tpu.memory_space<vmem_shared>> -> memref<10112x128xf32, #tpu.memory_space<vmem_shared>>
        tpu.enqueue_indirect_dma source(%dma_start3A_645 : memref<64x128xf32, #tpu.memory_space<vmem>>) target(%dma_start3A_648 : memref<10112x128xf32, #tpu.memory_space<vmem_shared>>) offsets(%arg11 : memref<64xi32, #tpu.memory_space<vmem>>) semaphore(%arg20 : memref<!tpu.dma_semaphore, #tpu.memory_space<semaphore_mem>>) {add = true}
        %get3A_649 = arith.constant 1 : i32
        %get3A_650 = arith.index_cast %get3A_649 : i32 to index
        %get3A_651 = arith.constant 64 : index
        %get3A_652 = tpu.vector_load %arg6[%get3A_650, %get3A_651] {strides = array<i32>} : memref<3x128xi32, #tpu.memory_space<vmem>>, vector<16xi32>,
        %swap3A_653 = arith.constant 0 : index
        %swap3A_654 = tpu.vector_load %arg12[%swap3A_653] {strides = array<i32>} : memref<64xi32, #tpu.memory_space<vmem>>, vector<16xi32>,
        tpu.vector_store %arg12[%swap3A_653], %get3A_652 {strides = array<i32>} : memref<64xi32, #tpu.memory_space<vmem>>, vector<16xi32>,
        %get3A_655 = arith.constant 1 : i32
        %get3A_656 = arith.index_cast %get3A_655 : i32 to index
        %get3A_657 = arith.constant 80 : index
        %get3A_658 = tpu.vector_load %arg6[%get3A_656, %get3A_657] {strides = array<i32>} : memref<3x128xi32, #tpu.memory_space<vmem>>, vector<16xi32>,
        %swap3A_659 = arith.constant 16 : index
        %swap3A_660 = tpu.vector_load %arg12[%swap3A_659] {strides = array<i32>} : memref<64xi32, #tpu.memory_space<vmem>>, vector<16xi32>,
        tpu.vector_store %arg12[%swap3A_659], %get3A_658 {strides = array<i32>} : memref<64xi32, #tpu.memory_space<vmem>>, vector<16xi32>,
        %get3A_661 = arith.constant 1 : i32
        %get3A_662 = arith.index_cast %get3A_661 : i32 to index
        %get3A_663 = arith.constant 96 : index
        %get3A_664 = tpu.vector_load %arg6[%get3A_662, %get3A_663] {strides = array<i32>} : memref<3x128xi32, #tpu.memory_space<vmem>>, vector<16xi32>,
        %swap3A_665 = arith.constant 32 : index
        %swap3A_666 = tpu.vector_load %arg12[%swap3A_665] {strides = array<i32>} : memref<64xi32, #tpu.memory_space<vmem>>, vector<16xi32>,
        tpu.vector_store %arg12[%swap3A_665], %get3A_664 {strides = array<i32>} : memref<64xi32, #tpu.memory_space<vmem>>, vector<16xi32>,
        %get3A_667 = arith.constant 1 : i32
        %get3A_668 = arith.index_cast %get3A_667 : i32 to index
        %get3A_669 = arith.constant 112 : index
        %get3A_670 = tpu.vector_load %arg6[%get3A_668, %get3A_669] {strides = array<i32>} : memref<3x128xi32, #tpu.memory_space<vmem>>, vector<16xi32>,
        %swap3A_671 = arith.constant 48 : index
        %swap3A_672 = tpu.vector_load %arg12[%swap3A_671] {strides = array<i32>} : memref<64xi32, #tpu.memory_space<vmem>>, vector<16xi32>,
        tpu.vector_store %arg12[%swap3A_671], %get3A_670 {strides = array<i32>} : memref<64xi32, #tpu.memory_space<vmem>>, vector<16xi32>,
        %broadcast_in_dim3A_673 = arith.constant 2 : i32
        %broadcast_in_dim3A_674 = vector.broadcast %broadcast_in_dim3A_673 : i32 to vector<16xi32>
        %scan3A_675 = arith.constant 0 : i32
        %scan3A_676 = arith.constant 64 : i32
        %scan3A_677 = arith.constant 64 : i32
        %scan3A_678 = arith.addi %scan3A_676, %scan3A_677 : i32
        %scan3A_679 = arith.constant 1 : i32
        %scan3A_680 = scf.for %scan3A_700 = %scan3A_676 to %scan3A_678 step %scan3A_679 iter_args(%scan3A_701 = %scan3A_675) -> (i32)  : i32 {
          %broadcast_in_dim3A_702 = vector.broadcast %scan3A_700 : i32 to vector<16xi32>
          %gather3A = tpu.vector_load_idx %arg6[%broadcast_in_dim3A_674, %broadcast_in_dim3A_702] : memref<3x128xi32, #tpu.memory_space<vmem>>[vector<16xi32>, vector<16xi32>], vector<16xi32>,
          %bitcast3A = vector.bitcast %gather3A : vector<16xi32> to vector<16xf32>
          %get3A_703 = arith.index_cast %scan3A_700 : i32 to index
          %get3A_704 = arith.constant 0 : index
          %get3A_705 = tpu.vector_load %arg8[%get3A_703, %get3A_704] {strides = array<i32>} : memref<128x128xf32, #tpu.memory_space<vmem>>, vector<16xf32>,
          %mul3A_706 = arith.mulf %get3A_705, %bitcast3A : vector<16xf32>
          %swap3A_707 = arith.index_cast %scan3A_700 : i32 to index
          %swap3A_708 = arith.constant 0 : index
          %swap3A_709 = tpu.vector_load %arg8[%swap3A_707, %swap3A_708] {strides = array<i32>} : memref<128x128xf32, #tpu.memory_space<vmem>>, vector<16xf32>,
          tpu.vector_store %arg8[%swap3A_707, %swap3A_708], %mul3A_706 {strides = array<i32>} : memref<128x128xf32, #tpu.memory_space<vmem>>, vector<16xf32>,
          %get3A_710 = arith.index_cast %scan3A_700 : i32 to index
          %get3A_711 = arith.constant 16 : index
          %get3A_712 = tpu.vector_load %arg8[%get3A_710, %get3A_711] {strides = array<i32>} : memref<128x128xf32, #tpu.memory_space<vmem>>, vector<16xf32>,
          %mul3A_713 = arith.mulf %get3A_712, %bitcast3A : vector<16xf32>
          %swap3A_714 = arith.index_cast %scan3A_700 : i32 to index
          %swap3A_715 = arith.constant 16 : index
          %swap3A_716 = tpu.vector_load %arg8[%swap3A_714, %swap3A_715] {strides = array<i32>} : memref<128x128xf32, #tpu.memory_space<vmem>>, vector<16xf32>,
          tpu.vector_store %arg8[%swap3A_714, %swap3A_715], %mul3A_713 {strides = array<i32>} : memref<128x128xf32, #tpu.memory_space<vmem>>, vector<16xf32>,
          %get3A_717 = arith.index_cast %scan3A_700 : i32 to index
          %get3A_718 = arith.constant 32 : index
          %get3A_719 = tpu.vector_load %arg8[%get3A_717, %get3A_718] {strides = array<i32>} : memref<128x128xf32, #tpu.memory_space<vmem>>, vector<16xf32>,
          %mul3A_720 = arith.mulf %get3A_719, %bitcast3A : vector<16xf32>
          %swap3A_721 = arith.index_cast %scan3A_700 : i32 to index
          %swap3A_722 = arith.constant 32 : index
          %swap3A_723 = tpu.vector_load %arg8[%swap3A_721, %swap3A_722] {strides = array<i32>} : memref<128x128xf32, #tpu.memory_space<vmem>>, vector<16xf32>,
          tpu.vector_store %arg8[%swap3A_721, %swap3A_722], %mul3A_720 {strides = array<i32>} : memref<128x128xf32, #tpu.memory_space<vmem>>, vector<16xf32>,
          %get3A_724 = arith.index_cast %scan3A_700 : i32 to index
          %get3A_725 = arith.constant 48 : index
          %get3A_726 = tpu.vector_load %arg8[%get3A_724, %get3A_725] {strides = array<i32>} : memref<128x128xf32, #tpu.memory_space<vmem>>, vector<16xf32>,
          %mul3A_727 = arith.mulf %get3A_726, %bitcast3A : vector<16xf32>
          %swap3A_728 = arith.index_cast %scan3A_700 : i32 to index
          %swap3A_729 = arith.constant 48 : index
          %swap3A_730 = tpu.vector_load %arg8[%swap3A_728, %swap3A_729] {strides = array<i32>} : memref<128x128xf32, #tpu.memory_space<vmem>>, vector<16xf32>,
          tpu.vector_store %arg8[%swap3A_728, %swap3A_729], %mul3A_727 {strides = array<i32>} : memref<128x128xf32, #tpu.memory_space<vmem>>, vector<16xf32>,
          %get3A_731 = arith.index_cast %scan3A_700 : i32 to index
          %get3A_732 = arith.constant 64 : index
          %get3A_733 = tpu.vector_load %arg8[%get3A_731, %get3A_732] {strides = array<i32>} : memref<128x128xf32, #tpu.memory_space<vmem>>, vector<16xf32>,
          %mul3A_734 = arith.mulf %get3A_733, %bitcast3A : vector<16xf32>
          %swap3A_735 = arith.index_cast %scan3A_700 : i32 to index
          %swap3A_736 = arith.constant 64 : index
          %swap3A_737 = tpu.vector_load %arg8[%swap3A_735, %swap3A_736] {strides = array<i32>} : memref<128x128xf32, #tpu.memory_space<vmem>>, vector<16xf32>,
          tpu.vector_store %arg8[%swap3A_735, %swap3A_736], %mul3A_734 {strides = array<i32>} : memref<128x128xf32, #tpu.memory_space<vmem>>, vector<16xf32>,
          %get3A_738 = arith.index_cast %scan3A_700 : i32 to index
          %get3A_739 = arith.constant 80 : index
          %get3A_740 = tpu.vector_load %arg8[%get3A_738, %get3A_739] {strides = array<i32>} : memref<128x128xf32, #tpu.memory_space<vmem>>, vector<16xf32>,
          %mul3A_741 = arith.mulf %get3A_740, %bitcast3A : vector<16xf32>
          %swap3A_742 = arith.index_cast %scan3A_700 : i32 to index
          %swap3A_743 = arith.constant 80 : index
          %swap3A_744 = tpu.vector_load %arg8[%swap3A_742, %swap3A_743] {strides = array<i32>} : memref<128x128xf32, #tpu.memory_space<vmem>>, vector<16xf32>,
          tpu.vector_store %arg8[%swap3A_742, %swap3A_743], %mul3A_741 {strides = array<i32>} : memref<128x128xf32, #tpu.memory_space<vmem>>, vector<16xf32>,
          %get3A_745 = arith.index_cast %scan3A_700 : i32 to index
          %get3A_746 = arith.constant 96 : index
          %get3A_747 = tpu.vector_load %arg8[%get3A_745, %get3A_746] {strides = array<i32>} : memref<128x128xf32, #tpu.memory_space<vmem>>, vector<16xf32>,
          %mul3A_748 = arith.mulf %get3A_747, %bitcast3A : vector<16xf32>
          %swap3A_749 = arith.index_cast %scan3A_700 : i32 to index
          %swap3A_750 = arith.constant 96 : index
          %swap3A_751 = tpu.vector_load %arg8[%swap3A_749, %swap3A_750] {strides = array<i32>} : memref<128x128xf32, #tpu.memory_space<vmem>>, vector<16xf32>,
          tpu.vector_store %arg8[%swap3A_749, %swap3A_750], %mul3A_748 {strides = array<i32>} : memref<128x128xf32, #tpu.memory_space<vmem>>, vector<16xf32>,
          %get3A_752 = arith.index_cast %scan3A_700 : i32 to index
          %get3A_753 = arith.constant 112 : index
          %get3A_754 = tpu.vector_load %arg8[%get3A_752, %get3A_753] {strides = array<i32>} : memref<128x128xf32, #tpu.memory_space<vmem>>, vector<16xf32>,
          %mul3A_755 = arith.mulf %get3A_754, %bitcast3A : vector<16xf32>
          %swap3A_756 = arith.index_cast %scan3A_700 : i32 to index
          %swap3A_757 = arith.constant 112 : index
          %swap3A_758 = tpu.vector_load %arg8[%swap3A_756, %swap3A_757] {strides = array<i32>} : memref<128x128xf32, #tpu.memory_space<vmem>>, vector<16xf32>,
          tpu.vector_store %arg8[%swap3A_756, %swap3A_757], %mul3A_755 {strides = array<i32>} : memref<128x128xf32, #tpu.memory_space<vmem>>, vector<16xf32>,
          %scan3A_759 = arith.constant 0 : i32
          scf.yield %scan3A_759 : i32
        }
        %scan3A_681 = arith.constant 64 : i32
        %dma_start3A_682 = arith.constant 64 : i32
        %dma_start3A_683 = arith.constant 0 : i32
        %dma_start3A_684 = tpu.memref_slice %arg8[%dma_start3A_682, %dma_start3A_683] : memref<128x128xf32, #tpu.memory_space<vmem>> -> memref<64x128xf32, #tpu.memory_space<vmem>>
        %dma_start3A_685 = arith.constant 0 : i32
        %dma_start3A_686 = arith.constant 0 : i32
        %dma_start3A_687 = tpu.memref_slice %arg14[%dma_start3A_685, %dma_start3A_686] : memref<10112x128xf32, #tpu.memory_space<vmem_shared>> -> memref<10112x128xf32, #tpu.memory_space<vmem_shared>>
        tpu.enqueue_indirect_dma source(%dma_start3A_684 : memref<64x128xf32, #tpu.memory_space<vmem>>) target(%dma_start3A_687 : memref<10112x128xf32, #tpu.memory_space<vmem_shared>>) offsets(%arg12 : memref<64xi32, #tpu.memory_space<vmem>>) semaphore(%arg20 : memref<!tpu.dma_semaphore, #tpu.memory_space<semaphore_mem>>) {add = true}
        %add3A_688 = arith.constant 2 : i32
        %add3A_689 = arith.addi %add3A_597, %add3A_688 : i32
        %lt3A_690 = arith.cmpi slt, %add3A_689, %select_n3A : i32
        %convert_element_type3A_691 = arith.extui %lt3A_690 : i1 to i32
        %cond3A_692 = arith.constant 0 : i32
        %cond3A_693 = arith.cmpi ne, %convert_element_type3A_691, %cond3A_692 : i32
        scf.if %cond3A_693 {
          %add3A_700 = arith.constant 2 : i32
          %add3A_701 = arith.addi %add3A_597, %add3A_700 : i32
          %add3A_702 = arith.addi %select_n3A_399, %add3A_701 : i32
          %dma_start3A_703 = arith.constant 0 : i32
          %dma_start3A_704 = arith.constant 0 : i32
          %dma_start3A_705 = tpu.memref_slice %arg3[%add3A_702, %dma_start3A_703, %dma_start3A_704] : memref<2560x3x128xi32, #tpu.memory_space<hbm>> -> memref<1x3x128xi32, #tpu.memory_space<hbm>>
          %dma_start3A_706 = tpu.memref_squeeze %dma_start3A_705 : memref<1x3x128xi32, #tpu.memory_space<hbm>> -> memref<3x128xi32, #tpu.memory_space<hbm>>
          %dma_start3A_707 = arith.constant 0 : i32
          %dma_start3A_708 = arith.constant 0 : i32
          %dma_start3A_709 = tpu.memref_slice %arg3[%add3A_702, %dma_start3A_707, %dma_start3A_708] : memref<2560x3x128xi32, #tpu.memory_space<hbm>> -> memref<1x3x128xi32, #tpu.memory_space<hbm>>
          %dma_start3A_710 = tpu.memref_squeeze %dma_start3A_709 : memref<1x3x128xi32, #tpu.memory_space<hbm>> -> memref<3x128xi32, #tpu.memory_space<hbm>>
          tpu.enqueue_dma source(%dma_start3A_710 : memref<3x128xi32, #tpu.memory_space<hbm>>) target(%arg6 : memref<3x128xi32, #tpu.memory_space<vmem>>) target_semaphore(%arg16 : memref<!tpu.dma_semaphore, #tpu.memory_space<semaphore_mem>>)
        } else {
        }
        %add3A_694 = arith.constant 1 : i32
        %add3A_695 = arith.addi %add3A_597, %add3A_694 : i32
        %lt3A_696 = arith.cmpi slt, %add3A_695, %select_n3A : i32
        %convert_element_type3A_697 = arith.extui %lt3A_696 : i1 to i32
        %cond3A_698 = arith.constant 0 : i32
        %cond3A_699 = arith.cmpi ne, %convert_element_type3A_697, %cond3A_698 : i32
        scf.if %cond3A_699 {
          %add3A_700 = arith.constant 1 : i32
          %add3A_701 = arith.addi %add3A_597, %add3A_700 : i32
          %add3A_702 = arith.addi %select_n3A_399, %add3A_701 : i32
          %dma_wait3A_703 = arith.constant 0 : i32
          %dma_wait3A_704 = arith.constant 0 : i32
          %dma_wait3A_705 = tpu.memref_slice %arg3[%add3A_702, %dma_wait3A_703, %dma_wait3A_704] : memref<2560x3x128xi32, #tpu.memory_space<hbm>> -> memref<1x3x128xi32, #tpu.memory_space<hbm>>
          %dma_wait3A_706 = tpu.memref_squeeze %dma_wait3A_705 : memref<1x3x128xi32, #tpu.memory_space<hbm>> -> memref<3x128xi32, #tpu.memory_space<hbm>>
          %dma_wait3A_707 = arith.constant 0 : i32
          %dma_wait3A_708 = arith.constant 0 : i32
          %dma_wait3A_709 = tpu.memref_slice %arg3[%add3A_702, %dma_wait3A_707, %dma_wait3A_708] : memref<2560x3x128xi32, #tpu.memory_space<hbm>> -> memref<1x3x128xi32, #tpu.memory_space<hbm>>
          %dma_wait3A_710 = tpu.memref_squeeze %dma_wait3A_709 : memref<1x3x128xi32, #tpu.memory_space<hbm>> -> memref<3x128xi32, #tpu.memory_space<hbm>>
          tpu.wait_dma2 semaphore(%arg15 : memref<!tpu.dma_semaphore, #tpu.memory_space<semaphore_mem>>) src(%dma_wait3A_710 : memref<3x128xi32, #tpu.memory_space<hbm>>) dst(%arg5 : memref<3x128xi32, #tpu.memory_space<vmem>>)
          %ge3A = arith.constant 1 : i32
          %ge3A_711 = arith.cmpi sge, %add3A_597, %ge3A : i32
          %convert_element_type3A_712 = arith.extui %ge3A_711 : i1 to i32
          %cond3A_713 = arith.constant 0 : i32
          %cond3A_714 = arith.cmpi ne, %convert_element_type3A_712, %cond3A_713 : i32
          scf.if %cond3A_714 {
            %dma_wait3A_722 = arith.constant 0 : i32
            %dma_wait3A_723 = arith.constant 0 : i32
            %dma_wait3A_724 = tpu.memref_slice %arg7[%dma_wait3A_722, %dma_wait3A_723] : memref<128x128xf32, #tpu.memory_space<vmem>> -> memref<64x128xf32, #tpu.memory_space<vmem>>
            %dma_wait3A_725 = arith.constant 0 : i32
            %dma_wait3A_726 = arith.constant 0 : i32
            %dma_wait3A_727 = tpu.memref_slice %arg14[%dma_wait3A_725, %dma_wait3A_726] : memref<10112x128xf32, #tpu.memory_space<vmem_shared>> -> memref<10112x128xf32, #tpu.memory_space<vmem_shared>>
            tpu.wait_indirect_dma semaphore(%arg19 : memref<!tpu.dma_semaphore, #tpu.memory_space<semaphore_mem>>) src(%dma_wait3A_724 : memref<64x128xf32, #tpu.memory_space<vmem>>) dst(%dma_wait3A_727 : memref<10112x128xf32, #tpu.memory_space<vmem_shared>>)
            %dma_wait3A_728 = arith.constant 64 : i32
            %dma_wait3A_729 = arith.constant 0 : i32
            %dma_wait3A_730 = tpu.memref_slice %arg7[%dma_wait3A_728, %dma_wait3A_729] : memref<128x128xf32, #tpu.memory_space<vmem>> -> memref<64x128xf32, #tpu.memory_space<vmem>>
            %dma_wait3A_731 = arith.constant 0 : i32
            %dma_wait3A_732 = arith.constant 0 : i32
            %dma_wait3A_733 = tpu.memref_slice %arg14[%dma_wait3A_731, %dma_wait3A_732] : memref<10112x128xf32, #tpu.memory_space<vmem_shared>> -> memref<10112x128xf32, #tpu.memory_space<vmem_shared>>
            tpu.wait_indirect_dma semaphore(%arg19 : memref<!tpu.dma_semaphore, #tpu.memory_space<semaphore_mem>>) src(%dma_wait3A_730 : memref<64x128xf32, #tpu.memory_space<vmem>>) dst(%dma_wait3A_733 : memref<10112x128xf32, #tpu.memory_space<vmem_shared>>)
          } else {
          }
          %dma_start3A_715 = arith.constant 0 : i32
          %dma_start3A_716 = arith.constant 0 : i32
          %dma_start3A_717 = tpu.memref_slice %arg5[%dma_start3A_715, %dma_start3A_716] : memref<3x128xi32, #tpu.memory_space<vmem>> -> memref<1x128xi32, #tpu.memory_space<vmem>>
          %dma_start3A_718 = tpu.memref_squeeze %dma_start3A_717 : memref<1x128xi32, #tpu.memory_space<vmem>> -> memref<128xi32, #tpu.memory_space<vmem>>
          %dma_start3A_719 = arith.constant 0 : i32
          %dma_start3A_720 = arith.constant 0 : i32
          %dma_start3A_721 = tpu.memref_slice %arg2[%dma_start3A_719, %dma_start3A_720] : memref<10000x128xf32, #tpu.memory_space<hbm>> -> memref<10000x128xf32, #tpu.memory_space<hbm>>
          tpu.enqueue_indirect_dma source(%dma_start3A_721 : memref<10000x128xf32, #tpu.memory_space<hbm>>) target(%arg7 : memref<128x128xf32, #tpu.memory_space<vmem>>) offsets(%dma_start3A_718 : memref<128xi32, #tpu.memory_space<vmem>>) semaphore(%arg17 : memref<!tpu.dma_semaphore, #tpu.memory_space<semaphore_mem>>)
        } else {
        }
      } else {
      }
      %while3A_602 = arith.constant 0 : i32
      scf.yield %while3A_602 : i32
    }
    %dma_wait3A_466 = arith.constant 0 : i32
    %dma_wait3A_467 = arith.constant 0 : i32
    %dma_wait3A_468 = tpu.memref_slice %arg7[%dma_wait3A_466, %dma_wait3A_467] : memref<128x128xf32, #tpu.memory_space<vmem>> -> memref<64x128xf32, #tpu.memory_space<vmem>>
    %dma_wait3A_469 = arith.constant 0 : i32
    %dma_wait3A_470 = arith.constant 0 : i32
    %dma_wait3A_471 = tpu.memref_slice %arg14[%dma_wait3A_469, %dma_wait3A_470] : memref<10112x128xf32, #tpu.memory_space<vmem_shared>> -> memref<10112x128xf32, #tpu.memory_space<vmem_shared>>
    tpu.wait_indirect_dma semaphore(%arg19 : memref<!tpu.dma_semaphore, #tpu.memory_space<semaphore_mem>>) src(%dma_wait3A_468 : memref<64x128xf32, #tpu.memory_space<vmem>>) dst(%dma_wait3A_471 : memref<10112x128xf32, #tpu.memory_space<vmem_shared>>)
    %dma_wait3A_472 = arith.constant 64 : i32
    %dma_wait3A_473 = arith.constant 0 : i32
    %dma_wait3A_474 = tpu.memref_slice %arg7[%dma_wait3A_472, %dma_wait3A_473] : memref<128x128xf32, #tpu.memory_space<vmem>> -> memref<64x128xf32, #tpu.memory_space<vmem>>
    %dma_wait3A_475 = arith.constant 0 : i32
    %dma_wait3A_476 = arith.constant 0 : i32
    %dma_wait3A_477 = tpu.memref_slice %arg14[%dma_wait3A_475, %dma_wait3A_476] : memref<10112x128xf32, #tpu.memory_space<vmem_shared>> -> memref<10112x128xf32, #tpu.memory_space<vmem_shared>>
    tpu.wait_indirect_dma semaphore(%arg19 : memref<!tpu.dma_semaphore, #tpu.memory_space<semaphore_mem>>) src(%dma_wait3A_474 : memref<64x128xf32, #tpu.memory_space<vmem>>) dst(%dma_wait3A_477 : memref<10112x128xf32, #tpu.memory_space<vmem_shared>>)
    %dma_wait3A_478 = arith.constant 0 : i32
    %dma_wait3A_479 = arith.constant 0 : i32
    %dma_wait3A_480 = tpu.memref_slice %arg8[%dma_wait3A_478, %dma_wait3A_479] : memref<128x128xf32, #tpu.memory_space<vmem>> -> memref<64x128xf32, #tpu.memory_space<vmem>>
    %dma_wait3A_481 = arith.constant 0 : i32
    %dma_wait3A_482 = arith.constant 0 : i32
    %dma_wait3A_483 = tpu.memref_slice %arg14[%dma_wait3A_481, %dma_wait3A_482] : memref<10112x128xf32, #tpu.memory_space<vmem_shared>> -> memref<10112x128xf32, #tpu.memory_space<vmem_shared>>
    tpu.wait_indirect_dma semaphore(%arg20 : memref<!tpu.dma_semaphore, #tpu.memory_space<semaphore_mem>>) src(%dma_wait3A_480 : memref<64x128xf32, #tpu.memory_space<vmem>>) dst(%dma_wait3A_483 : memref<10112x128xf32, #tpu.memory_space<vmem_shared>>)
    %dma_wait3A_484 = arith.constant 64 : i32
    %dma_wait3A_485 = arith.constant 0 : i32
    %dma_wait3A_486 = tpu.memref_slice %arg8[%dma_wait3A_484, %dma_wait3A_485] : memref<128x128xf32, #tpu.memory_space<vmem>> -> memref<64x128xf32, #tpu.memory_space<vmem>>
    %dma_wait3A_487 = arith.constant 0 : i32
    %dma_wait3A_488 = arith.constant 0 : i32
    %dma_wait3A_489 = tpu.memref_slice %arg14[%dma_wait3A_487, %dma_wait3A_488] : memref<10112x128xf32, #tpu.memory_space<vmem_shared>> -> memref<10112x128xf32, #tpu.memory_space<vmem_shared>>
    tpu.wait_indirect_dma semaphore(%arg20 : memref<!tpu.dma_semaphore, #tpu.memory_space<semaphore_mem>>) src(%dma_wait3A_486 : memref<64x128xf32, #tpu.memory_space<vmem>>) dst(%dma_wait3A_489 : memref<10112x128xf32, #tpu.memory_space<vmem_shared>>)
    %barrier3A_490 = arith.constant 0 : index
    tpu.barrier barrier_id(%barrier3A_490)
    %mul3A_491 = arith.constant 632 : i32
    %mul3A_492 = arith.muli %arg1, %mul3A_491 : i32
    %mul3A_493 = arith.constant 632 : i32
    %mul3A_494 = arith.muli %arg1, %mul3A_493 : i32
    "tpu.region"() ({
      %run_scoped3A = tpu.sem_alloc : memref<!tpu.dma_semaphore, #tpu.memory_space<semaphore_mem>>
      %dma_start3A_495 = arith.constant 0 : i32
      %dma_start3A_496 = tpu.memref_slice %arg4[%arg0, %mul3A_494, %dma_start3A_495] : memref<2x10112x128xf32, #tpu.memory_space<hbm>> -> memref<1x632x128xf32, #tpu.memory_space<hbm>>
      %dma_start3A_497 = tpu.memref_squeeze %dma_start3A_496 : memref<1x632x128xf32, #tpu.memory_space<hbm>> -> memref<632x128xf32, #tpu.memory_space<hbm>>
      %dma_start3A_498 = arith.constant 0 : i32
      %dma_start3A_499 = tpu.memref_slice %arg14[%mul3A_492, %dma_start3A_498] : memref<10112x128xf32, #tpu.memory_space<vmem_shared>> -> memref<632x128xf32, #tpu.memory_space<vmem_shared>>
      tpu.enqueue_dma source(%dma_start3A_499 : memref<632x128xf32, #tpu.memory_space<vmem_shared>>) target(%dma_start3A_497 : memref<632x128xf32, #tpu.memory_space<hbm>>) target_semaphore(%run_scoped3A : memref<!tpu.dma_semaphore, #tpu.memory_space<semaphore_mem>>)
      %dma_wait3A_500 = arith.constant 0 : i32
      %dma_wait3A_501 = tpu.memref_slice %arg4[%arg0, %mul3A_494, %dma_wait3A_500] : memref<2x10112x128xf32, #tpu.memory_space<hbm>> -> memref<1x632x128xf32, #tpu.memory_space<hbm>>
      %dma_wait3A_502 = tpu.memref_squeeze %dma_wait3A_501 : memref<1x632x128xf32, #tpu.memory_space<hbm>> -> memref<632x128xf32, #tpu.memory_space<hbm>>
      %dma_wait3A_503 = arith.constant 0 : i32
      %dma_wait3A_504 = tpu.memref_slice %arg14[%mul3A_492, %dma_wait3A_503] : memref<10112x128xf32, #tpu.memory_space<vmem_shared>> -> memref<632x128xf32, #tpu.memory_space<vmem_shared>>
      tpu.wait_dma2 semaphore(%run_scoped3A : memref<!tpu.dma_semaphore, #tpu.memory_space<semaphore_mem>>) src(%dma_wait3A_504 : memref<632x128xf32, #tpu.memory_space<vmem_shared>>) dst(%dma_wait3A_502 : memref<632x128xf32, #tpu.memory_space<hbm>>)
      tpu.yield
    }) : () -> ()
    return
  }
}

module attributes {stable_mosaic.version = 14 : i64} {
  func.func @_mm_body(%arg0: i32, %arg1: memref<2000x128xf32, #tpu.memory_space<vmem>>, %arg2: memref<128x128xf32, #tpu.memory_space<vmem>>, %arg3: memref<1x128xf32, #tpu.memory_space<vmem>>, %arg4: memref<2000x128xf32, #tpu.memory_space<vmem>>) attributes {dimension_semantics = [#tpu.dimension_semantics<arbitrary>], iteration_bounds = array<i64: 5>, scalar_prefetch = 0 : i64, scratch_operands = 0 : i64, tpu.core_type = #tpu.core_type<tc>, window_params = [{transform_indices = @transform_0, window_bounds = array<i64: 2000, 128>}, {pipeline_mode = #tpu.pipeline_mode<synchronous>, transform_indices = @transform_1, window_bounds = array<i64: 128, 128>}, {pipeline_mode = #tpu.pipeline_mode<synchronous>, transform_indices = @transform_2, window_bounds = array<i64: 1, 128>}, {transform_indices = @transform_3, window_bounds = array<i64: 2000, 128>}]} {
    %get3A = arith.constant 0 : index
    %get3A_0 = arith.constant 0 : index
    %get3A_1 = vector.load %arg1[%get3A, %get3A_0] : memref<2000x128xf32, #tpu.memory_space<vmem>>, vector<2000x128xf32>
    %get3A_2 = arith.constant 0 : index
    %get3A_3 = arith.constant 0 : index
    %get3A_4 = vector.load %arg2[%get3A_2, %get3A_3] : memref<128x128xf32, #tpu.memory_space<vmem>>, vector<128x128xf32>
    %dot_general3A = arith.constant dense<0.000000e+00> : vector<2000x128xf32>
    %dot_general3A_5 = tpu.matmul %get3A_1, %get3A_4, %dot_general3A {dimension_numbers = #tpu.dot_dimension_numbers<[1], [0], [0], [1], [0, 0, 1, 1], [], []>, transpose_lhs_hint = false} : vector<2000x128xf32>, vector<128x128xf32>, vector<2000x128xf32> -> vector<2000x128xf32>
    %get3A_6 = arith.constant 0 : index
    %get3A_7 = arith.constant 0 : index
    %get3A_8 = vector.load %arg3[%get3A_6, %get3A_7] : memref<1x128xf32, #tpu.memory_space<vmem>>, vector<1x128xf32>
    %add3A = vector.broadcast %get3A_8 : vector<1x128xf32> to vector<2000x128xf32>
    %add3A_9 = arith.addf %dot_general3A_5, %add3A : vector<2000x128xf32>
    %swap3A = arith.constant 0 : index
    %swap3A_10 = arith.constant 0 : index
    %swap3A_11 = vector.load %arg4[%swap3A, %swap3A_10] : memref<2000x128xf32, #tpu.memory_space<vmem>>, vector<2000x128xf32>
    tpu.vector_store %arg4[%swap3A, %swap3A_10], %add3A_9 {strides = array<i32>} : memref<2000x128xf32, #tpu.memory_space<vmem>>, vector<2000x128xf32>,
    return
  }
  func.func @transform_0(%arg0: i32) -> (i32, i32) {
    %c0_i32 = arith.constant 0 : i32
    %c0_i32_0 = arith.constant 0 : i32
    return %arg0, %c0_i32 : i32, i32
  }
  func.func @transform_1(%arg0: i32) -> (i32, i32) {
    %c0_i32 = arith.constant 0 : i32
    %c0_i32_0 = arith.constant 0 : i32
    %c0_i32_1 = arith.constant 0 : i32
    return %c0_i32, %c0_i32_0 : i32, i32
  }
  func.func @transform_2(%arg0: i32) -> (i32, i32) {
    %c0_i32 = arith.constant 0 : i32
    %c0_i32_0 = arith.constant 0 : i32
    %c0_i32_1 = arith.constant 0 : i32
    return %c0_i32, %c0_i32_0 : i32, i32
  }
  func.func @transform_3(%arg0: i32) -> (i32, i32) {
    %c0_i32 = arith.constant 0 : i32
    %c0_i32_0 = arith.constant 0 : i32
    return %arg0, %c0_i32 : i32, i32
  }
}

module attributes {stable_mosaic.version = 14 : i64} {
  func.func @_comb_body(%arg0: i32, %arg1: memref<2000x128xf32, #tpu.memory_space<vmem>>, %arg2: memref<2000x128xf32, #tpu.memory_space<vmem>>, %arg3: memref<2000x128xf32, #tpu.memory_space<vmem>>, %arg4: memref<2000x128xf32, #tpu.memory_space<vmem>>, %arg5: memref<8x128xf32, #tpu.memory_space<vmem>>, %arg6: memref<8x128xf32, #tpu.memory_space<vmem>>) attributes {dimension_semantics = [#tpu.dimension_semantics<arbitrary>], iteration_bounds = array<i64: 5>, scalar_prefetch = 0 : i64, scratch_operands = 0 : i64, tpu.core_type = #tpu.core_type<tc>, window_params = [{transform_indices = @transform_0, window_bounds = array<i64: 2000, 128>}, {transform_indices = @transform_1, window_bounds = array<i64: 2000, 128>}, {transform_indices = @transform_2, window_bounds = array<i64: 2000, 128>}, {transform_indices = @transform_3, window_bounds = array<i64: 2000, 128>}, {pipeline_mode = #tpu.pipeline_mode<synchronous>, transform_indices = @transform_4, window_bounds = array<i64: 8, 128>}, {pipeline_mode = #tpu.pipeline_mode<synchronous>, transform_indices = @transform_5, window_bounds = array<i64: 8, 128>}]} {
    %get3A = arith.constant 0 : index
    %get3A_0 = arith.constant 0 : index
    %get3A_1 = vector.load %arg1[%get3A, %get3A_0] : memref<2000x128xf32, #tpu.memory_space<vmem>>, vector<2000x128xf32>
    %get3A_2 = arith.constant 0 : index
    %get3A_3 = arith.constant 0 : index
    %get3A_4 = vector.load %arg2[%get3A_2, %get3A_3] : memref<2000x128xf32, #tpu.memory_space<vmem>>, vector<2000x128xf32>
    %add3A = arith.addf %get3A_1, %get3A_4 : vector<2000x128xf32>
    %get3A_5 = arith.constant 0 : index
    %get3A_6 = arith.constant 0 : index
    %get3A_7 = vector.load %arg3[%get3A_5, %get3A_6] : memref<2000x128xf32, #tpu.memory_space<vmem>>, vector<2000x128xf32>
    %add3A_8 = arith.addf %add3A, %get3A_7 : vector<2000x128xf32>
    %swap3A = arith.constant 0 : index
    %swap3A_9 = arith.constant 0 : index
    %swap3A_10 = vector.load %arg4[%swap3A, %swap3A_9] : memref<2000x128xf32, #tpu.memory_space<vmem>>, vector<2000x128xf32>
    tpu.vector_store %arg4[%swap3A, %swap3A_9], %add3A_8 {strides = array<i32>} : memref<2000x128xf32, #tpu.memory_space<vmem>>, vector<2000x128xf32>,
    %eq3A = arith.constant 0 : i32
    %eq3A_11 = arith.cmpi eq, %arg0, %eq3A : i32
    %convert_element_type3A = arith.extui %eq3A_11 : i1 to i32
    %cond3A = arith.constant 0 : i32
    %cond3A_12 = arith.cmpi ne, %convert_element_type3A, %cond3A : i32
    scf.if %cond3A_12 {
      %broadcast_in_dim3A_31 = arith.constant 0.000000e+00 : f32
      %broadcast_in_dim3A_32 = vector.broadcast %broadcast_in_dim3A_31 : f32 to vector<8x128xf32>
      %swap3A_33 = arith.constant 0 : index
      %swap3A_34 = arith.constant 0 : index
      %swap3A_35 = vector.load %arg5[%swap3A_33, %swap3A_34] : memref<8x128xf32, #tpu.memory_space<vmem>>, vector<8x128xf32>
      tpu.vector_store %arg5[%swap3A_33, %swap3A_34], %broadcast_in_dim3A_32 {strides = array<i32>} : memref<8x128xf32, #tpu.memory_space<vmem>>, vector<8x128xf32>,
      %broadcast_in_dim3A_36 = arith.constant 0.000000e+00 : f32
      %broadcast_in_dim3A_37 = vector.broadcast %broadcast_in_dim3A_36 : f32 to vector<8x128xf32>
      %swap3A_38 = arith.constant 0 : index
      %swap3A_39 = arith.constant 0 : index
      %swap3A_40 = vector.load %arg6[%swap3A_38, %swap3A_39] : memref<8x128xf32, #tpu.memory_space<vmem>>, vector<8x128xf32>
      tpu.vector_store %arg6[%swap3A_38, %swap3A_39], %broadcast_in_dim3A_37 {strides = array<i32>} : memref<8x128xf32, #tpu.memory_space<vmem>>, vector<8x128xf32>,
    } else {
    }
    %get3A_13 = arith.constant 0 : index
    %get3A_14 = arith.constant 0 : index
    %get3A_15 = vector.load %arg5[%get3A_13, %get3A_14] : memref<8x128xf32, #tpu.memory_space<vmem>>, vector<1x128xf32>
    %reduce_sum3A = arith.constant dense<0.000000e+00> : vector<128xf32>
    %reduce_sum3A_16 = vector.multi_reduction <add>, %add3A_8, %reduce_sum3A [0] : vector<2000x128xf32> to vector<128xf32>
    %broadcast_in_dim3A = vector.shape_cast %reduce_sum3A_16 : vector<128xf32> to vector<1x128xf32>
    %add3A_17 = arith.addf %get3A_15, %broadcast_in_dim3A : vector<1x128xf32>
    %swap3A_18 = arith.constant 0 : index
    %swap3A_19 = arith.constant 0 : index
    %swap3A_20 = vector.load %arg5[%swap3A_18, %swap3A_19] : memref<8x128xf32, #tpu.memory_space<vmem>>, vector<1x128xf32>
    tpu.vector_store %arg5[%swap3A_18, %swap3A_19], %add3A_17 {strides = array<i32>} : memref<8x128xf32, #tpu.memory_space<vmem>>, vector<1x128xf32>,
    %get3A_21 = arith.constant 0 : index
    %get3A_22 = arith.constant 0 : index
    %get3A_23 = vector.load %arg6[%get3A_21, %get3A_22] : memref<8x128xf32, #tpu.memory_space<vmem>>, vector<1x128xf32>
    %mul3A = arith.mulf %add3A_8, %add3A_8 : vector<2000x128xf32>
    %reduce_sum3A_24 = arith.constant dense<0.000000e+00> : vector<128xf32>
    %reduce_sum3A_25 = vector.multi_reduction <add>, %mul3A, %reduce_sum3A_24 [0] : vector<2000x128xf32> to vector<128xf32>
    %broadcast_in_dim3A_26 = vector.shape_cast %reduce_sum3A_25 : vector<128xf32> to vector<1x128xf32>
    %add3A_27 = arith.addf %get3A_23, %broadcast_in_dim3A_26 : vector<1x128xf32>
    %swap3A_28 = arith.constant 0 : index
    %swap3A_29 = arith.constant 0 : index
    %swap3A_30 = vector.load %arg6[%swap3A_28, %swap3A_29] : memref<8x128xf32, #tpu.memory_space<vmem>>, vector<1x128xf32>
    tpu.vector_store %arg6[%swap3A_28, %swap3A_29], %add3A_27 {strides = array<i32>} : memref<8x128xf32, #tpu.memory_space<vmem>>, vector<1x128xf32>,
    return
  }
  func.func @transform_0(%arg0: i32) -> (i32, i32) {
    %c0_i32 = arith.constant 0 : i32
    %c0_i32_0 = arith.constant 0 : i32
    return %arg0, %c0_i32 : i32, i32
  }
  func.func @transform_1(%arg0: i32) -> (i32, i32) {
    %c0_i32 = arith.constant 0 : i32
    %c0_i32_0 = arith.constant 0 : i32
    return %arg0, %c0_i32 : i32, i32
  }
  func.func @transform_2(%arg0: i32) -> (i32, i32) {
    %c0_i32 = arith.constant 0 : i32
    %c0_i32_0 = arith.constant 0 : i32
    return %arg0, %c0_i32 : i32, i32
  }
  func.func @transform_3(%arg0: i32) -> (i32, i32) {
    %c0_i32 = arith.constant 0 : i32
    %c0_i32_0 = arith.constant 0 : i32
    return %arg0, %c0_i32 : i32, i32
  }
  func.func @transform_4(%arg0: i32) -> (i32, i32) {
    %c0_i32 = arith.constant 0 : i32
    %c0_i32_0 = arith.constant 0 : i32
    %c0_i32_1 = arith.constant 0 : i32
    return %c0_i32, %c0_i32_0 : i32, i32
  }
  func.func @transform_5(%arg0: i32) -> (i32, i32) {
    %c0_i32 = arith.constant 0 : i32
    %c0_i32_0 = arith.constant 0 : i32
    %c0_i32_1 = arith.constant 0 : i32
    return %c0_i32, %c0_i32_0 : i32, i32
  }
}

module attributes {stable_mosaic.version = 14 : i64} {
  func.func @_bn_body(%arg0: i32, %arg1: memref<2000x128xf32, #tpu.memory_space<vmem>>, %arg2: memref<8x128xf32, #tpu.memory_space<vmem>>, %arg3: memref<8x128xf32, #tpu.memory_space<vmem>>, %arg4: memref<1x128xf32, #tpu.memory_space<vmem>>, %arg5: memref<1x128xf32, #tpu.memory_space<vmem>>, %arg6: memref<2000x128xf32, #tpu.memory_space<vmem>>) attributes {dimension_semantics = [#tpu.dimension_semantics<arbitrary>], iteration_bounds = array<i64: 5>, scalar_prefetch = 0 : i64, scratch_operands = 0 : i64, tpu.core_type = #tpu.core_type<tc>, window_params = [{transform_indices = @transform_0, window_bounds = array<i64: 2000, 128>}, {pipeline_mode = #tpu.pipeline_mode<synchronous>, transform_indices = @transform_1, window_bounds = array<i64: 8, 128>}, {pipeline_mode = #tpu.pipeline_mode<synchronous>, transform_indices = @transform_2, window_bounds = array<i64: 8, 128>}, {pipeline_mode = #tpu.pipeline_mode<synchronous>, transform_indices = @transform_3, window_bounds = array<i64: 1, 128>}, {pipeline_mode = #tpu.pipeline_mode<synchronous>, transform_indices = @transform_4, window_bounds = array<i64: 1, 128>}, {transform_indices = @transform_5, window_bounds = array<i64: 2000, 128>}]} {
    %get3A = arith.constant 0 : index
    %get3A_0 = arith.constant 0 : index
    %get3A_1 = vector.load %arg2[%get3A, %get3A_0] : memref<8x128xf32, #tpu.memory_space<vmem>>, vector<1x128xf32>
    %div3A = arith.constant 1.000000e+04 : f32
    %div3A_2 = vector.broadcast %div3A : f32 to vector<1x128xf32>
    %div3A_3 = arith.divf %get3A_1, %div3A_2 : vector<1x128xf32>
    %get3A_4 = arith.constant 0 : index
    %get3A_5 = arith.constant 0 : index
    %get3A_6 = vector.load %arg3[%get3A_4, %get3A_5] : memref<8x128xf32, #tpu.memory_space<vmem>>, vector<1x128xf32>
    %div3A_7 = arith.constant 1.000000e+04 : f32
    %div3A_8 = vector.broadcast %div3A_7 : f32 to vector<1x128xf32>
    %div3A_9 = arith.divf %get3A_6, %div3A_8 : vector<1x128xf32>
    %mul3A = arith.mulf %div3A_3, %div3A_3 : vector<1x128xf32>
    %sub3A = arith.subf %div3A_9, %mul3A : vector<1x128xf32>
    %add3A = arith.constant 9.99999974E-6 : f32
    %add3A_10 = vector.broadcast %add3A : f32 to vector<1x128xf32>
    %add3A_11 = arith.addf %sub3A, %add3A_10 : vector<1x128xf32>
    %rsqrt3A = math.rsqrt %add3A_11 : vector<1x128xf32>
    %get3A_12 = arith.constant 0 : index
    %get3A_13 = arith.constant 0 : index
    %get3A_14 = vector.load %arg4[%get3A_12, %get3A_13] : memref<1x128xf32, #tpu.memory_space<vmem>>, vector<1x128xf32>
    %get3A_15 = arith.constant 0 : index
    %get3A_16 = arith.constant 0 : index
    %get3A_17 = vector.load %arg1[%get3A_15, %get3A_16] : memref<2000x128xf32, #tpu.memory_space<vmem>>, vector<2000x128xf32>
    %sub3A_18 = vector.broadcast %div3A_3 : vector<1x128xf32> to vector<2000x128xf32>
    %sub3A_19 = arith.subf %get3A_17, %sub3A_18 : vector<2000x128xf32>
    %mul3A_20 = vector.broadcast %get3A_14 : vector<1x128xf32> to vector<2000x128xf32>
    %mul3A_21 = arith.mulf %mul3A_20, %sub3A_19 : vector<2000x128xf32>
    %mul3A_22 = vector.broadcast %rsqrt3A : vector<1x128xf32> to vector<2000x128xf32>
    %mul3A_23 = arith.mulf %mul3A_21, %mul3A_22 : vector<2000x128xf32>
    %get3A_24 = arith.constant 0 : index
    %get3A_25 = arith.constant 0 : index
    %get3A_26 = vector.load %arg5[%get3A_24, %get3A_25] : memref<1x128xf32, #tpu.memory_space<vmem>>, vector<1x128xf32>
    %add3A_27 = vector.broadcast %get3A_26 : vector<1x128xf32> to vector<2000x128xf32>
    %add3A_28 = arith.addf %mul3A_23, %add3A_27 : vector<2000x128xf32>
    %swap3A = arith.constant 0 : index
    %swap3A_29 = arith.constant 0 : index
    %swap3A_30 = vector.load %arg6[%swap3A, %swap3A_29] : memref<2000x128xf32, #tpu.memory_space<vmem>>, vector<2000x128xf32>
    tpu.vector_store %arg6[%swap3A, %swap3A_29], %add3A_28 {strides = array<i32>} : memref<2000x128xf32, #tpu.memory_space<vmem>>, vector<2000x128xf32>,
    return
  }
  func.func @transform_0(%arg0: i32) -> (i32, i32) {
    %c0_i32 = arith.constant 0 : i32
    %c0_i32_0 = arith.constant 0 : i32
    return %arg0, %c0_i32 : i32, i32
  }
  func.func @transform_1(%arg0: i32) -> (i32, i32) {
    %c0_i32 = arith.constant 0 : i32
    %c0_i32_0 = arith.constant 0 : i32
    %c0_i32_1 = arith.constant 0 : i32
    return %c0_i32, %c0_i32_0 : i32, i32
  }
  func.func @transform_2(%arg0: i32) -> (i32, i32) {
    %c0_i32 = arith.constant 0 : i32
    %c0_i32_0 = arith.constant 0 : i32
    %c0_i32_1 = arith.constant 0 : i32
    return %c0_i32, %c0_i32_0 : i32, i32
  }
  func.func @transform_3(%arg0: i32) -> (i32, i32) {
    %c0_i32 = arith.constant 0 : i32
    %c0_i32_0 = arith.constant 0 : i32
    %c0_i32_1 = arith.constant 0 : i32
    return %c0_i32, %c0_i32_0 : i32, i32
  }
  func.func @transform_4(%arg0: i32) -> (i32, i32) {
    %c0_i32 = arith.constant 0 : i32
    %c0_i32_0 = arith.constant 0 : i32
    %c0_i32_1 = arith.constant 0 : i32
    return %c0_i32, %c0_i32_0 : i32, i32
  }
  func.func @transform_5(%arg0: i32) -> (i32, i32) {
    %c0_i32 = arith.constant 0 : i32
    %c0_i32_0 = arith.constant 0 : i32
    return %arg0, %c0_i32 : i32, i32
  }
}

</mosaic_0001>

<sc_bundles>
// kernel: kernel.6.cloned.1.call-start
scs
__scs_entry_jumppad:
0x0: {  	(pc) =	sbr.rel $0x88, $3  }
0x1: {  	(tag) =	ssettag $0x0;
	lr =	simm.s32 $0x1  }
0x2: {  	[smem:$0x3F9A] =	sst lr;
	_ =	strace $0xD0000000  }
0x3: {  	_ = 	snop  }
0x4: {  	_ = 	snop  }
0x5: {  	_ = 	snop  }
0x6: {  	_ = 	snop  }
0x7: {  	_ = 	snop  }
__scs_overlays_trampoline_lowered:
0x8: {  	[smem:$0x3FA9] =	sst s0  }
0x9: {  	[smem:$0x3FAA] =	sst s1  }
0xa: {  	[smem:$0x3FAB] =	sst s2  }
0xb: {  	[smem:$0x3FAC] =	sst s3  }
0xc: {  	[smem:$0x3FAD] =	sst s4  }
0xd: {  	[smem:$0x3FAE] =	sst s5  }
0xe: {  	[smem:$0x3FAF] =	sst s6  }
0xf: {  	[smem:$0x3FB0] =	sst s7  }
0x10: {  	[smem:$0x3FB1] =	sst s8  }
0x11: {  	[smem:$0x3FB2] =	sst s9;
	s0 =	simm.s32 @!p0 $0x0  }
0x12: {  	s1 =	sld [smem:$0x3F98];
	s0 =	simm.s32 @p0 $0x1  }
0x13: {  	[smem:$0x3FB3] =	sst s0;
	s0 =	simm.s32 @!p1 $0x0  }
0x14: {  	s2 =	sld [smem:$0x3F97];
	s0 =	simm.s32 @p1 $0x1  }
0x15: {  	[smem:$0x3FB4] =	sst s0;
	s0 =	simm.s32 @!p2 $0x0  }
0x16: {  	s3 =	sld [smem:$0x3FDB];
	s0 =	simm.s32 @p2 $0x1  }
0x17: {  	s4 =	simm.s32 $0x1BF5;
	[smem:$0x3FB6] =	sst s0  }
0x18: {  	s0 =	sld [smem:$0x3F99];
	_ =	swait.ge [sflag:s4], $0x0  }
0x19: {  	s7 =	sld [smem:$0x3F9A]  }
0x1a: {  	s8 =	sadd.s32 $0xFFFFE003, lr  }
0x1b: {  	s9 =	sadd.s32 $0xFFFFFEF7, lr;
	s5 =	simm.s32 $0xFFFFFFFF;
	p2 =	slt.u32 s8, $0xFFFFF086  }
0x1c: {  	p1 =	slt.u32 s9, $0xF7A;
	s5 =	simm.s32 @!p2 $0x0  }
0x1d: {  	s5 =	simm.s32 @p1 $0x1;
	p0 =	seq.s32 s7, s2  }
0x1e: {  	s7 =	smul.u32 @!p0 $0xF7A, s2;
	p2 =	seq.s32 @!p0 s5, $0x0  }
0x1f: {  	s9 =	smul.u32 $0xF7A, s1;
	s8 =	simm.s32 @!p0 $0x1BF5;
	p2 =	por !p2, p0  }
0x20: {  	[sflag:s8] =	ssyncset.s32 @!p0 $0xFFFFF086;
	s6 =	sadd.s32 @!p0 s3, s7;
	s7 =	simm.s32 @!p0 $0x108  }
0x21: {  	s3 =	sadd.s32 s3, s9;
	s6 =	sadd.s32 @!p0 $0x88, s6;
	s7 =	simm.s32 @p2 $0x1082  }
0x22: {  	[simem:s7], [sflag:s8] =	dma.local @!p0 [hbm:s6], $0xF7A  }
0x23: {  	s9 =	sor.u32 $0xD0000000, s2;
	s6 =	simm.s32 $0x108;
	_ =	swait.ge @!p0 [sflag:s8], $0x0  }
0x24: {  	s3 =	sadd.s32 $0x88, s3;
	s6 =	simm.s32 @!p1 $0x1082;
	[sflag:s4] =	ssyncset.s32 $0xFFFFF086  }
0x25: {  	[simem:s6], [sflag:s4] =	dma.local [hbm:s3], $0xF7A  }
0x26: {  	[smem:$0x3F9A] =	sst s1;
	(tag) =	ssettag s2;
	_ =	strace s9  }
0x27: {  	s1 =	sld [smem:$0x3FAA]  }
0x28: {  	s2 =	sld [smem:$0x3FAB]  }
0x29: {  	s4 =	sld [smem:$0x3FAD]  }
0x2a: {  	p0 =	seq.s32 s5, $0x0;
	s5 =	sld [smem:$0x3FAE]  }
0x2b: {  	s6 =	sld [smem:$0x3FAF]  }
0x2c: {  	s7 =	sld [smem:$0x3FB0]  }
0x2d: {  	s3 =	simm.s32 $0x108;
	s8 =	sld [smem:$0x3FB1]  }
0x2e: {  	s3 =	simm.s32 @!p0 $0x1082;
	s9 =	sld [smem:$0x3FB2]  }
0x2f: {  	lr =	sadd.s32 s0, s3;
	s0 =	sld [smem:$0x3FA9]  }
0x30: {  	s3 =	sld [smem:$0x3FAC]  }
0x31: {  	[smem:$0x3FB5] =	sst s10  }
0x32: {  	s10 =	sld [smem:$0x3FB3];
	_ =	sdelay $0x3  }
0x33: {  	p0 =	seq.s32 s10, $0x1;
	s10 =	sld [smem:$0x3FB5];
	_ =	sdelay $0x3  }
0x34: {  	[smem:$0x3FB5] =	sst s10  }
0x35: {  	s10 =	sld [smem:$0x3FB4];
	_ =	sdelay $0x3  }
0x36: {  	p1 =	seq.s32 s10, $0x1;
	s10 =	sld [smem:$0x3FB5];
	_ =	sdelay $0x3  }
0x37: {  	[smem:$0x3FB5] =	sst s10  }
0x38: {  	s10 =	sld [smem:$0x3FB6]  }
0x39: {  	_ = 	snop;
	(pc) =	sbr.ind lr, $3  }
0x3a: {  	_ = 	snop  }
0x3b: {  	_ = 	snop  }
0x3c: {  	p2 =	seq.s32 s10, $0x1;
	s10 =	sld [smem:$0x3FB5]  }
0x3d: {  	_ =	shalt  }
0x3e: {  	_ =	shalt  }
0x3f: {  	_ =	shalt  }
0x40: {  	_ =	shalt  }
0x41: {  	_ =	shalt  }
0x42: {  	_ =	shalt  }
0x43: {  	_ =	shalt  }
0x44: {  	_ =	shalt  }
0x45: {  	_ =	shalt  }
0x46: {  	_ =	shalt  }
0x47: {  	_ =	shalt  }
0x48: {  	_ =	shalt  }
0x49: {  	_ =	shalt  }
0x4a: {  	_ =	shalt  }
0x4b: {  	_ =	shalt  }
0x4c: {  	_ =	shalt  }
0x4d: {  	_ =	shalt  }
0x4e: {  	_ =	shalt  }
0x4f: {  	_ =	shalt  }
0x50: {  	_ =	shalt  }
0x51: {  	_ =	shalt  }
0x52: {  	_ =	shalt  }
0x53: {  	_ =	shalt  }
0x54: {  	_ =	shalt  }
0x55: {  	_ =	shalt  }
0x56: {  	_ =	shalt  }
0x57: {  	_ =	shalt  }
0x58: {  	_ =	shalt  }
0x59: {  	_ =	shalt  }
0x5a: {  	_ =	shalt  }
0x5b: {  	_ =	shalt  }
0x5c: {  	_ =	shalt  }
0x5d: {  	_ =	shalt  }
0x5e: {  	_ =	shalt  }
0x5f: {  	_ =	shalt  }
0x60: {  	_ =	shalt  }
0x61: {  	_ =	shalt  }
0x62: {  	_ =	shalt  }
0x63: {  	_ =	shalt  }
0x64: {  	_ =	shalt  }
0x65: {  	_ =	shalt  }
0x66: {  	_ =	shalt  }
0x67: {  	_ =	shalt  }
0x68: {  	_ =	shalt  }
0x69: {  	_ =	shalt  }
0x6a: {  	_ =	shalt  }
0x6b: {  	_ =	shalt  }
0x6c: {  	_ =	shalt  }
0x6d: {  	_ =	shalt  }
0x6e: {  	_ =	shalt  }
0x6f: {  	_ =	shalt  }
0x70: {  	_ =	shalt  }
0x71: {  	_ =	shalt  }
0x72: {  	_ =	shalt  }
0x73: {  	_ =	shalt  }
0x74: {  	_ =	shalt  }
0x75: {  	_ =	shalt  }
0x76: {  	_ =	shalt  }
0x77: {  	_ =	shalt  }
0x78: {  	_ =	shalt  }
0x79: {  	_ =	shalt  }
0x7a: {  	_ =	shalt  }
0x7b: {  	_ =	shalt  }
0x7c: {  	_ =	shalt  }
0x7d: {  	_ =	shalt  }
0x7e: {  	_ =	shalt  }
0x7f: {  	_ =	shalt  }
0x80: {  	_ =	shalt  }
0x81: {  	_ =	shalt  }
0x82: {  	_ =	shalt  }
0x83: {  	_ =	shalt  }
0x84: {  	_ =	shalt  }
0x85: {  	_ =	shalt  }
0x86: {  	_ =	shalt  }
0x87: {  	_ =	shalt  }
.Lfunc_end0:
.L_simem_size_0:
called_computation_lowered:
.L_overlay_start_0:
0x88: {  	s2 =	sld [smem:$0x3FD9]  }
0x89: {  	s3 =	sld [smem:$0x3FFE];
	_ =	sdelay $0x1  }
0x8a: {  	s1 =	srdreg.scid  }
0x8b: {  	s0 =	sand.u32 $0x1, s1  }
0x8c: {  	s17 =	sshll.u32 s0, $0xA;
	s2 =	sadd.s32 s3, s2  }
0x8d: {  	s2 =	sadd.s32 s2, s17  }
0x8e: {  	[smem:$0x3FC1] =	sst s2  }
0x8f: {  	_ = 	snop  }
0x90: {  	s2 =	sld [smem:$0x3FD0];
	(tm) =	ssettm $0x1  }
0x91: {  	s18 =	sld [smem:$0x3FFB];
	_ =	sdelay $0x3  }
0x92: {  	_ =	strace s18  }
0x93: {  	s3 =	sld [smem:$0x3FFC];
	_ =	sdelay $0x3  }
0x94: {  	_ =	strace s3  }
0x95: {  	s3 =	sld [smem:$0x3FFD];
	_ =	sdelay $0x3  }
0x96: {  	_ =	strace s3  }
0x97: {  	_ =	strace $0x8FFFFFFF  }
0x98: {  	s19 =	sld [smem:$0x3FDB];
	_ =	sdelay $0x1  }
0x99: {  	s4 =	simm.s32 $_scs_section_size  }
0x9a: {  	s5 =	simm.s32 $_size__tile_overlayer_lowered;
	s6 =	simm.s32 $_tile_overlayer_lowered  }
0x9b: {  	s22 =	simm.s32 $0x1BFF;
	s21 =	sshll.u32 s6, $0x1;
	s3 =	sadd.s32 s4, s19  }
0x9c: {  	s7 =	simm.s32 $0x0;
	s20 =	sshll.u32 s5, $0x1;
	s5 =	sadd.s32 s21, s3  }
0x9d: {  	[timem:s7], [sflag:s22] =	dma.local [hbm:s5], s20  }
0x9e: {  	_ =	swait.ge [sflag:s22], s20  }
0x9f: {  	s4 =	ssub.s32 $0x0, s20;
	[sflag:s22] =	ssyncset.done $0x0  }
0xa0: {  	[sflag:s22] =	ssyncadd.s32 s4;
	_ =	sdelay $0x1  }
0xa1: {  	s23 =	simm.s32 $0x1B8B  }
0xa2: {  	_ =	swait.ge [sflag:s23], $0x1  }
0xa3: {  	[sflag:s23] =	ssyncset.done $0x0  }
0xa4: {  	s25 =	simm.s32 $0x1B8E;
	s24 =	sld [smem:$0x3FFE];
	[sflag:s23] =	ssyncadd.s32 $0xFFFFFFFF  }
0xa5: {  	s26 =	simm.s32 $execute0_lowered;
	[smem:$0x3FD2] =	sst s25  }
0xa6: {  	s5 =	sshll.u32 s26, $0x1;
	_ =	strace $0x80000046;
	[dreg:$0x1] =	wrdreg $0xFFFFFFFF  }
0xa7: {  	s28 =	simm.s32 $_size_execute0_lowered;
	s3 =	sadd.s32 s3, s5;
	[dreg:$0x0] =	wrdreg $0x0  }
0xa8: {  	s5 =	sshll.u32 s28, $0x1;
	[dreg:$0x2] =	wrdreg s3  }
0xa9: {  	[dreg:$0x3] =	wrdreg s5  }
0xaa: {  	[dreg:$0x4] =	wrdreg $0xC0  }
0xab: {  	_ =	task [dreg:s7], $0x5FFFF  }
0xac: {  	[dreg:$0x1] =	wrdreg $0xFFFFFFFF  }
0xad: {  	[dreg:$0x0] =	wrdreg $0x60  }
0xae: {  	[dreg:$0x2] =	wrdreg s2  }
0xaf: {  	[dreg:$0x3] =	wrdreg s24  }
0xb0: {  	[dreg:$0x4] =	wrdreg $0x88000  }
0xb1: {  	[dreg:$0x5] =	wrdreg $0x9  }
0xb2: {  	_ =	task.clear_ibuf [dreg:s7], $0x6FFFF;
	_ =	strace $0x90000046  }
0xb3: {  	s29 =	simm.s32 $0x9;
	_ =	strace $0x80000048  }
0xb4: {  	_ =	swait.ge [sflag:s29], $0x1  }
0xb5: {  	[sflag:s29] =	ssyncadd.s32 $0xFFFFFFFF  }
0xb6: {  	_ =	strace $0x90000048  }
0xb7: {  	_ =	sfence  }
0xb8: {  	s30 =	sld [smem:$0x0];
	_ =	sdelay $0x2  }
0xb9: {  	s31 =	sshll.u32 s1, $0xD;
	s1 =	sshrl.u32 s1, $0x2  }
0xba: {  	s3 =	sand.u32 $0x4000, s31;
	s1 =	sadd.s32 s1, s30  }
0xbb: {  	s0 =	sor.u32 s3, s0;
	s1 =	sshll.u32 s1, $0x11  }
0xbc: {  	s0 =	sor.u32 s1, s0  }
0xbd: {  	s0 =	sadd.s32 $0x8F2B, s0  }
0xbe: {  	[sflag:s0] =	ssyncadd.remote.s32 $0x1  }
0xbf: {  	_ =	sfence.sel $0xFFFF  }
0xc0: {  	[dreg:$0x0] =	wrdreg $0xFFFFFFFF;
	(pc) =	sbr.abs _section_cstart, $3  }
0xc1: {  	[dreg:$0x1] =	wrdreg $0xFFFFFFFF  }
0xc2: {  	_ =	task.clear_ibuf [dreg:s7], $0x2FFFF;
	_ =	strace $0x9FFFFFFF  }
0xc3: {  	(tm) =	ssettm $0x7FFFFFFF  }
tec
execute0_lowered:
.L_overlay_start_1:
0x0: {  	(tag) =	ssettag $0x1  }
0x1: {  	s1 =	rddreg [dreg:$0x0]  }
0x2: {  	s0 =	rddreg [dreg:$0x1]  }
0x3: {  	s2 =	rddreg [dreg:$0x2];
	s3 =	srdreg.scid;
	s4 =	simm.s32 $0x0  }
0x4: {  	s9 =	stileid.u32;
	s13 =	simm.s32 $0x8400;
	s14 =	simm.s32 $0x7  }
0x5: {  	s15 =	simm.s32 $0x180;
	s16 =	simm.s32 $0x1;
	s17 =	simm.s32 $0x80  }
0x6: {  	s18 =	simm.s32 $0x300;
	s19 =	simm.s32 $0x3;
	s21 =	simm.s32 $0x40  }
0x7: {  	s22 =	simm.s32 $0x8340;
	s23 =	simm.s32 $0x2300;
	s24 =	simm.s32 $0x2  }
0x8: {  	s28 =	simm.s32 $0x4;
	s29 =	simm.s32 $0x8380;
	s7 =	smul.u32 $0x50, s9  }
0x9: {  	s30 =	simm.s32 $0x83C0;
	s31 =	simm.s32 $0x6300;
	s8 =	smul.u32 $0x13C00, s9  }
0xa: {  	s11 =	simm.s32 $0x0;
	s3 =	sand.u32 $0x1, s3;
	s9 =	smul.u32 $0x4F000, s9  }
0xb: {  	[smem:$0x7FF] =	sst s4;
	s5 =	sadd.s32 $0x1C00, s0;
	s6 =	smul.u32 $0x13C000, s3  }
0xc: {  	_ =	strace $0x80000047;
	p0 =	seq.s32 s3, $0x0;
	s3 =	ssub.s32 $0x2, s3  }
0xd: {  	s10 =	sadd.s32 $0x500, s7;
	s25 =	sshrl.u32 s3, $0x1;
	s9 =	sshrl.u32 s9, $0x2  }
0xe: {  	s26 =	sadd.s32 s8, s2;
	s6 =	sadd.s32 s8, s6;
	s10 =	smov.u32 @p0 s7  }
0xf: {  	s3 =	ssub.s32 s3, s25;
	s6 =	sshrl.u32 s6, $0x3;
	s7 =	smul.u32 $0x30, s10  }
0x10: {  	s3 =	smax.u32 s3, $0x1;
	s0 =	sadd.s32 s6, s0;
	s6 =	sadd.s32 s9, s2  }
.Ltmp0:
0x11: {  	[dreg:$0x7] =	wrdreg s3;
	s7 =	sadd.s32 s5, s7;
	(pc) =	sbr.rel .LBB2_1-.Ltmp0, $4  }
0x12: {  	s9 =	sor.u32 $0x2, s10;
	s0 =	sadd.s32 $0x1FC00, s0;
	[dreg:$0x4] =	wrdreg s7  }
0x13: {  	s10 =	sor.u32 $0x3, s10;
	s7 =	sadd.s32 $0x30, s7;
	[dreg:$0x6] =	wrdreg s0  }
0x14: {  	s0 =	sshrl.u32 s26, $0x3;
	s26 =	simm.s32 $0x4300;
	[dreg:$0x5] =	wrdreg s7  }
0x15: {  	v0 =	vimm.f32 $0.0e+00;
	[dreg:$0x8] =	wrdreg s0;
	s0 =	simm.s32 $0x5;
	s7 =	simm.s32 $0x0  }
.LBB2_14:
0x16: {  	_ =	swait.ge [sflag:s0], $0x2000  }
0x17: {  	[sflag:s0] =	ssyncset.done $0x0  }
0x18: {  	[sflag:s0] =	ssyncadd.s32 $0xFFFFE000  }
0x19: {  	_ =	swait.ge [sflag:s0], $0x2000  }
0x1a: {  	[sflag:s0] =	ssyncset.done $0x0  }
0x1b: {  	s3 =	simm.s32 $0x6;
	[sflag:s0] =	ssyncadd.s32 $0xFFFFE000  }
0x1c: {  	_ =	swait.ge [sflag:s3], $0x2000  }
0x1d: {  	[sflag:s3] =	ssyncset.done $0x0  }
0x1e: {  	[sflag:s3] =	ssyncadd.s32 $0xFFFFE000  }
0x1f: {  	_ =	swait.ge [sflag:s3], $0x2000  }
0x20: {  	[sflag:s3] =	ssyncset.done $0x0  }
0x21: {  	[sflag:s3] =	ssyncadd.s32 $0xFFFFE000  }
0x22: {  	s12 =	stileid.u32;
	[bflag:$0x0] =	sbarrier.arrive $0xFFFF  }
0x23: {  	s3 =	sshll.u32 s12, $0x6;
	s7 =	rddreg [dreg:$0x6]  }
0x24: {  	s3 =	sor.u32 $0x1C07, s3;
	s8 =	rddreg [dreg:$0x8]  }
0x25: {  	[hbm:s7], [sflag:s3] =	dma.local [spmem:s8], $0x2780  }
0x26: {  	_ =	swait.ge [sflag:s14], $0x2780  }
0x27: {  	s20 =	rddreg [dreg:$0x9]  }
0x28: {  	s25 =	rddreg [dreg:$0x7];
	s7 =	sadd.s32 $0x1, s20  }
0x29: {  	p0 =	sne.s32 s7, s25  }
.Ltmp1:
0x2a: {  	_ = 	snop;
	(pc) =	sbr.rel @!p0 .LBB2_15-.Ltmp1, $3  }
0x2b: {  	_ =	sdelay $0x1  }
0x2c: {  	[sflag:s14] =	ssyncset.done $0x0  }
0x2d: {  	[sflag:s14] =	ssyncadd.s32 $0xFFFFD880  }
.LBB2_1:
0x2e: {  	[tilespmem:$0x8400] =	vst v0  }
0x2f: {  	[tilespmem:$0x8410] =	vst v0  }
0x30: {  	[tilespmem:$0x8420] =	vst v0  }
0x31: {  	[tilespmem:$0x8430] =	vst v0  }
0x32: {  	[tilespmem:$0x8440] =	vst v0  }
0x33: {  	[tilespmem:$0x8450] =	vst v0  }
0x34: {  	[tilespmem:$0x8460] =	vst v0  }
0x35: {  	[tilespmem:$0x8470] =	vst v0  }
0x36: {  	[tilespmem:$0x8480] =	vst v0  }
0x37: {  	[tilespmem:$0x8490] =	vst v0  }
0x38: {  	[tilespmem:$0x84A0] =	vst v0  }
0x39: {  	[tilespmem:$0x84B0] =	vst v0  }
0x3a: {  	[tilespmem:$0x84C0] =	vst v0  }
0x3b: {  	[tilespmem:$0x84D0] =	vst v0  }
0x3c: {  	[tilespmem:$0x84E0] =	vst v0  }
0x3d: {  	[tilespmem:$0x84F0] =	vst v0  }
0x3e: {  	[tilespmem:$0x8500] =	vst v0  }
0x3f: {  	[tilespmem:$0x8510] =	vst v0  }
0x40: {  	[tilespmem:$0x8520] =	vst v0  }
0x41: {  	[tilespmem:$0x8530] =	vst v0  }
0x42: {  	[tilespmem:$0x8540] =	vst v0  }
0x43: {  	[tilespmem:$0x8550] =	vst v0  }
0x44: {  	[tilespmem:$0x8560] =	vst v0  }
0x45: {  	[tilespmem:$0x8570] =	vst v0  }
0x46: {  	[tilespmem:$0x8580] =	vst v0  }
0x47: {  	[tilespmem:$0x8590] =	vst v0  }
0x48: {  	[tilespmem:$0x85A0] =	vst v0  }
0x49: {  	[tilespmem:$0x85B0] =	vst v0  }
0x4a: {  	[tilespmem:$0x85C0] =	vst v0  }
0x4b: {  	[tilespmem:$0x85D0] =	vst v0  }
0x4c: {  	[tilespmem:$0x85E0] =	vst v0  }
0x4d: {  	[tilespmem:$0x85F0] =	vst v0  }
0x4e: {  	[tilespmem:$0x8600] =	vst v0  }
0x4f: {  	[tilespmem:$0x8610] =	vst v0  }
0x50: {  	[tilespmem:$0x8620] =	vst v0  }
0x51: {  	[tilespmem:$0x8630] =	vst v0  }
0x52: {  	[tilespmem:$0x8640] =	vst v0  }
0x53: {  	[tilespmem:$0x8650] =	vst v0  }
0x54: {  	[tilespmem:$0x8660] =	vst v0  }
0x55: {  	[tilespmem:$0x8670] =	vst v0  }
0x56: {  	[tilespmem:$0x8680] =	vst v0  }
0x57: {  	[tilespmem:$0x8690] =	vst v0  }
0x58: {  	[tilespmem:$0x86A0] =	vst v0  }
0x59: {  	[tilespmem:$0x86B0] =	vst v0  }
0x5a: {  	[tilespmem:$0x86C0] =	vst v0  }
0x5b: {  	[tilespmem:$0x86D0] =	vst v0  }
0x5c: {  	[tilespmem:$0x86E0] =	vst v0  }
0x5d: {  	[tilespmem:$0x86F0] =	vst v0  }
0x5e: {  	[tilespmem:$0x8700] =	vst v0  }
0x5f: {  	[tilespmem:$0x8710] =	vst v0  }
0x60: {  	[tilespmem:$0x8720] =	vst v0  }
0x61: {  	[tilespmem:$0x8730] =	vst v0  }
0x62: {  	[tilespmem:$0x8740] =	vst v0  }
0x63: {  	[tilespmem:$0x8750] =	vst v0  }
0x64: {  	[tilespmem:$0x8760] =	vst v0  }
0x65: {  	[tilespmem:$0x8770] =	vst v0  }
0x66: {  	[tilespmem:$0x8780] =	vst v0  }
0x67: {  	[tilespmem:$0x8790] =	vst v0  }
0x68: {  	[tilespmem:$0x87A0] =	vst v0  }
0x69: {  	[tilespmem:$0x87B0] =	vst v0  }
0x6a: {  	[tilespmem:$0x87C0] =	vst v0  }
0x6b: {  	[tilespmem:$0x87D0] =	vst v0  }
0x6c: {  	[tilespmem:$0x87E0] =	vst v0  }
0x6d: {  	[dreg:$0x9] =	wrdreg s7;
	[tilespmem:$0x87F0] =	vst v0;
	s3 =	sadd.s32 $0x0, s6  }
0x6e: {  	[spmem:s3] =	stream.linear.scatter [tilespmem:s13], [sflag:$0x7], $0x400, $0x38;
	[tilespmem:$0x1C400] =	vst v63  }
0x6f: {  	s3 =	simm.s32 $0x1000;
	_ =	swait.ge [sflag:s14], $0x400  }
.LBB2_2:
0x70: {  	s7 =	sshra.s32 s3, $0x2;
	[sflag:s14] =	ssyncset.done $0x0;
	p0 =	sne.s32 s3, $0x4E000  }
.Ltmp2:
0x71: {  	s7 =	sadd.s32 s7, s6;
	[sflag:s14] =	ssyncadd.s32 $0xFFFFFC00;
	(pc) =	sbr.rel @p0 .LBB2_2-.Ltmp2, $3  }
0x72: {  	[spmem:s7] =	stream.linear.scatter [tilespmem:s13], [sflag:$0x7], $0x400, $0x38;
	[tilespmem:$0x1C400] =	vst v63  }
0x73: {  	s3 =	sadd.s32 $0x1000, s3;
	_ =	sdelay $0x1  }
0x74: {  	_ =	swait.ge [sflag:s14], $0x400  }
0x75: {  	[sflag:s14] =	ssyncset.done $0x0  }
0x76: {  	[sflag:s14] =	ssyncadd.s32 $0xFFFFFC00  }
0x77: {  	[bflag:$0x0] =	sbarrier.arrive $0xFFFF  }
0x78: {  	s3 =	rddreg [dreg:$0x4]  }
0x79: {  	[tilespmem:s11], [sflag:$0x1] =	stream.linear.gather [hbm4b:s3+s11], $0x180, $0x38;
	[tilespmem:$0x1C400] =	vst v63  }
0x7a: {  	s25 =	rddreg [dreg:$0x5]  }
0x7b: {  	[tilespmem:s15], [sflag:$0x2] =	stream.linear.gather [hbm4b:s25+s11], $0x180, $0x38;
	[tilespmem:$0x1C400] =	vst v63  }
0x7c: {  	_ =	swait.ge [sflag:s16], $0x180  }
0x7d: {  	[sflag:s16] =	ssyncset.done $0x0  }
0x7e: {  	s12 =	simm.s32 $0x0;
	[sflag:s16] =	ssyncadd.s32 $0xFFFFFE80  }
0x7f: {  	[tilespmem:s18], [sflag:$0x3] =	stream.indirect.gather [hbm4b:s1+s17], $0x80, s11, s17, $0xb8;
	[tilespmem:$0x1C400] =	vst v63  }
.LBB2_4:
0x80: {  	_ =	swait.ge [sflag:s19], $0x4000  }
0x81: {  	[sflag:s19] =	ssyncset.done $0x0  }
0x82: {  	[sflag:s19] =	ssyncadd.s32 $0xFFFFC000  }
0x83: {  	v1 =	vld [tilespmem:$0x80]  }
0x84: {  	v2 =	vld [tilespmem:$0x90]  }
0x85: {  	v3 =	vld [tilespmem:$0xA0]  }
0x86: {  	v5 =	vmov s11;
	v4 =	vld [tilespmem:$0xB0]  }
0x87: {  	v5 =	vand.u32 $0x3F, v5  }
0x88: {  	[tilespmem:$0x8300] =	vst v1;
	v1 =	vor.u32 $0x100, v5  }
0x89: {  	[tilespmem:$0x8310] =	vst v2;
	v1 =	vbroadcast v1, $0x0  }
0x8a: {  	[tilespmem:$0x8320] =	vst v3  }
0x8b: {  	s25 =	simm.s32 $0x340;
	[tilespmem:$0x8330] =	vst v4  }
0x8c: {  	v5 =	vld [tilespmem:s25+$0x30]  }
0x8d: {  	v8 =	vld [tilespmem:s25+$0x10]  }
0x8e: {  	v6 =	vld [tilespmem:s25+$0xFFFFFFC0]  }
0x8f: {  	v2 =	vld.idx.msk [tilespmem:v1+s4+$0x0], $0xffff  }
0x90: {  	v11 =	vld [tilespmem:s25+$0xFFFFFFE0]  }
0x91: {  	v3 =	vld [tilespmem:s25+$0x20]  }
0x92: {  	v4 =	vld [tilespmem:s25+$0xFFFFFFD0]  }
0x93: {  	v1 =	vld [tilespmem:s25+$0xFFFFFFF0]  }
0x94: {  	v9 =	vmul.f32 v2, v5;
	v5 =	vld [tilespmem:s25+$0x0]  }
0x95: {  	s7 =	simm.s32 $0x1;
	v7 =	vmul.f32 v2, v6  }
0x96: {  	s3 =	simm.s32 $0x2;
	v10 =	vmov s7;
	s7 =	simm.s32 $0x340;
	v6 =	vmul.f32 v2, v11;
	v8 =	vmul.f32 v2, v8  }
.LBB2_5:
0x97: {  	p0 =	sne.s32 s3, $0x3F  }
0x98: {  	v10 =	vand.u32 $0x3F, v10;
	v4 =	vmul.f32 v2, v4;
	v3 =	vmul.f32 v2, v3;
	[tilespmem:s25+$0x30] =	vst v9;
	s7 =	sadd.s32 $0x80, s7;
	s8 =	smov.u32 s3;
	s3 =	sadd.s32 $0x1, s3  }
0x99: {  	v9 =	vor.u32 $0x100, v10;
	[tilespmem:s25+$0xFFFFFFC0] =	vst v7;
	v7 =	vmul.f32 v2, v1;
	v2 =	vmul.f32 v2, v5  }
0x9a: {  	v5 =	vbroadcast v9, $0x0;
	[tilespmem:s25+$0x10] =	vst v8  }
0x9b: {  	[tilespmem:s25+$0xFFFFFFE0] =	vst v6  }
0x9c: {  	v1 =	vld [tilespmem:s7+$0xFFFFFFF0];
	[tilespmem:s25+$0xFFFFFFF0] =	vst v7  }
0x9d: {  	v6 =	vld [tilespmem:s7+$0x30];
	[tilespmem:s25+$0x0] =	vst v2  }
0x9e: {  	v8 =	vld [tilespmem:s7+$0x10];
	[tilespmem:s25+$0x20] =	vst v3  }
0x9f: {  	v7 =	vld [tilespmem:s7+$0xFFFFFFC0];
	[tilespmem:s25+$0xFFFFFFD0] =	vst v4;
	s25 =	smov.u32 s7  }
0xa0: {  	v2 =	vld.idx.msk [tilespmem:v5+s4+$0x0], $0xffff  }
0xa1: {  	v11 =	vld [tilespmem:s7+$0xFFFFFFE0]  }
0xa2: {  	v3 =	vld [tilespmem:s7+$0x20]  }
.Ltmp3:
0xa3: {  	v4 =	vld [tilespmem:s7+$0xFFFFFFD0];
	(pc) =	sbr.rel @p0 .LBB2_5-.Ltmp3, $3  }
0xa4: {  	v5 =	vld [tilespmem:s7+$0x0];
	_ =	sdelay $0x1  }
0xa5: {  	v7 =	vmul.f32 v2, v7;
	v9 =	vmul.f32 v2, v6  }
0xa6: {  	v10 =	vmov s8;
	v8 =	vmul.f32 v2, v8;
	v6 =	vmul.f32 v2, v11  }
0xa7: {  	[tilespmem:s25+$0xFFFFFFC0] =	vst v7;
	v7 =	vand.u32 $0x3F, v10  }
0xa8: {  	[tilespmem:s25+$0x30] =	vst v9;
	v7 =	vor.u32 $0x100, v7  }
0xa9: {  	v1 =	vmul.f32 v2, v1;
	[tilespmem:s25+$0xFFFFFFE0] =	vst v6;
	v6 =	vbroadcast v7, $0x0  }
0xaa: {  	s3 =	sadd.s32 $0x80, s7;
	[tilespmem:s25+$0x10] =	vst v8;
	v5 =	vmul.f32 v2, v5  }
0xab: {  	v3 =	vmul.f32 v2, v3;
	v7 =	vld [tilespmem:s3+$0xFFFFFFF0];
	[tilespmem:s25+$0xFFFFFFF0] =	vst v1  }
0xac: {  	v2 =	vmul.f32 v2, v4;
	v1 =	vld [tilespmem:s3+$0x30];
	[tilespmem:s25+$0x0] =	vst v5  }
0xad: {  	v4 =	vld [tilespmem:s3+$0x10];
	[tilespmem:s25+$0x20] =	vst v3  }
0xae: {  	v3 =	vld [tilespmem:s3+$0xFFFFFFC0];
	[tilespmem:s25+$0xFFFFFFD0] =	vst v2  }
0xaf: {  	v2 =	vld.idx.msk [tilespmem:v6+s4+$0x0], $0xffff;
	_ =	sdelay $0x2  }
0xb0: {  	v5 =	vld [tilespmem:s3+$0xFFFFFFE0];
	_ =	sdelay $0x1  }
0xb1: {  	v6 =	vld [tilespmem:s3+$0x0];
	v1 =	vmul.f32 v2, v1  }
0xb2: {  	v8 =	vld [tilespmem:s3+$0x20];
	v3 =	vmul.f32 v2, v3  }
0xb3: {  	v9 =	vld [tilespmem:s3+$0xFFFFFFD0];
	v4 =	vmul.f32 v2, v4;
	[tilespmem:s3+$0x30] =	vst v1  }
0xb4: {  	v1 =	vmul.f32 v2, v5;
	[tilespmem:s3+$0xFFFFFFC0] =	vst v3  }
0xb5: {  	v3 =	vmul.f32 v2, v7;
	[tilespmem:s3+$0x10] =	vst v4  }
0xb6: {  	v4 =	vmul.f32 v2, v6;
	[tilespmem:s3+$0xFFFFFFE0] =	vst v1  }
0xb7: {  	v1 =	vmul.f32 v2, v8;
	[tilespmem:s3+$0xFFFFFFF0] =	vst v3  }
0xb8: {  	v2 =	vmul.f32 v2, v9;
	[tilespmem:s3+$0x0] =	vst v4  }
0xb9: {  	[tilespmem:s3+$0x20] =	vst v1  }
0xba: {  	s20 =	simm.s32 $0x40;
	s25 =	simm.s32 $0x8300;
	[tilespmem:s3+$0xFFFFFFD0] =	vst v2  }
0xbb: {  	[spmem:s2] =	stream.indirect.scatter.add.f32 [tilespmem:s18], [sflag:$0x5], $0x80, s25, s20, $0xb8;
	[tilespmem:$0x1C400] =	vst v63  }
0xbc: {  	v1 =	vld [tilespmem:$0xC0]  }
0xbd: {  	v2 =	vld [tilespmem:$0xD0]  }
0xbe: {  	v3 =	vld [tilespmem:$0xE0]  }
0xbf: {  	v4 =	vmov s20;
	v5 =	vld [tilespmem:$0xF0]  }
0xc0: {  	v4 =	vand.u32 $0x7F, v4  }
0xc1: {  	v4 =	vor.u32 $0x100, v4;
	[tilespmem:$0x8340] =	vst v1  }
0xc2: {  	v1 =	vbroadcast v4, $0x0;
	[tilespmem:$0x8350] =	vst v2  }
0xc3: {  	[tilespmem:$0x8360] =	vst v3  }
0xc4: {  	s7 =	simm.s32 $0x2370;
	[tilespmem:$0x8370] =	vst v5  }
0xc5: {  	v5 =	vld [tilespmem:s7+$0x0]  }
0xc6: {  	v8 =	vld [tilespmem:s7+$0xFFFFFFE0]  }
0xc7: {  	v6 =	vld [tilespmem:s7+$0xFFFFFF90]  }
0xc8: {  	v1 =	vld.idx.msk [tilespmem:v1+s4+$0x0], $0xffff  }
0xc9: {  	v11 =	vld [tilespmem:s7+$0xFFFFFFB0]  }
0xca: {  	v2 =	vld [tilespmem:s7+$0xFFFFFFF0]  }
0xcb: {  	v3 =	vld [tilespmem:s7+$0xFFFFFFC0]  }
0xcc: {  	v4 =	vld [tilespmem:s7+$0xFFFFFFA0]  }
0xcd: {  	v9 =	vmul.f32 v1, v5;
	v5 =	vld [tilespmem:s7+$0xFFFFFFD0]  }
0xce: {  	s8 =	simm.s32 $0x41;
	v7 =	vmul.f32 v1, v6  }
0xcf: {  	v10 =	vmov s8;
	s8 =	simm.s32 $0x2370;
	s3 =	simm.s32 $0x42;
	v6 =	vmul.f32 v1, v11;
	v8 =	vmul.f32 v1, v8  }
.LBB2_7:
0xd0: {  	p0 =	sne.s32 s3, $0x7F  }
0xd1: {  	v10 =	vand.u32 $0x7F, v10;
	v4 =	vmul.f32 v1, v4;
	v11 =	vmul.f32 v1, v2;
	[tilespmem:s7+$0x0] =	vst v9;
	s8 =	sadd.s32 $0x80, s8;
	s25 =	smov.u32 s3;
	s3 =	sadd.s32 $0x1, s3  }
0xd2: {  	v3 =	vmul.f32 v1, v3;
	v2 =	vor.u32 $0x100, v10;
	[tilespmem:s7+$0xFFFFFF90] =	vst v7;
	v1 =	vmul.f32 v1, v5  }
0xd3: {  	v5 =	vbroadcast v2, $0x0;
	[tilespmem:s7+$0xFFFFFFE0] =	vst v8  }
0xd4: {  	[tilespmem:s7+$0xFFFFFFB0] =	vst v6  }
0xd5: {  	v2 =	vld [tilespmem:s8+$0xFFFFFFF0];
	[tilespmem:s7+$0xFFFFFFC0] =	vst v3  }
0xd6: {  	v6 =	vld [tilespmem:s8+$0x0];
	[tilespmem:s7+$0xFFFFFFD0] =	vst v1  }
0xd7: {  	v3 =	vld [tilespmem:s8+$0xFFFFFFC0];
	[tilespmem:s7+$0xFFFFFFF0] =	vst v11  }
0xd8: {  	v8 =	vld [tilespmem:s8+$0xFFFFFFE0];
	[tilespmem:s7+$0xFFFFFFA0] =	vst v4;
	s7 =	smov.u32 s8  }
0xd9: {  	v1 =	vld.idx.msk [tilespmem:v5+s4+$0x0], $0xffff  }
0xda: {  	v7 =	vld [tilespmem:s8+$0xFFFFFF90]  }
0xdb: {  	v11 =	vld [tilespmem:s8+$0xFFFFFFB0]  }
.Ltmp4:
0xdc: {  	v4 =	vld [tilespmem:s8+$0xFFFFFFA0];
	(pc) =	sbr.rel @p0 .LBB2_7-.Ltmp4, $3  }
0xdd: {  	v5 =	vld [tilespmem:s8+$0xFFFFFFD0];
	_ =	sdelay $0x1  }
0xde: {  	v9 =	vmul.f32 v1, v6;
	v7 =	vmul.f32 v1, v7  }
0xdf: {  	v10 =	vmov s25;
	v8 =	vmul.f32 v1, v8;
	v6 =	vmul.f32 v1, v11  }
0xe0: {  	[tilespmem:s7+$0x0] =	vst v9;
	v9 =	vand.u32 $0x7F, v10  }
0xe1: {  	[tilespmem:s7+$0xFFFFFF90] =	vst v7;
	v7 =	vor.u32 $0x100, v9  }
0xe2: {  	v3 =	vmul.f32 v1, v3;
	[tilespmem:s7+$0xFFFFFFE0] =	vst v8;
	v7 =	vbroadcast v7, $0x0  }
0xe3: {  	s3 =	sadd.s32 $0x80, s8;
	v5 =	vmul.f32 v1, v5;
	[tilespmem:s7+$0xFFFFFFB0] =	vst v6  }
0xe4: {  	v2 =	vmul.f32 v1, v2;
	v6 =	vld [tilespmem:s3+$0xFFFFFFF0];
	[tilespmem:s7+$0xFFFFFFC0] =	vst v3  }
0xe5: {  	v1 =	vmul.f32 v1, v4;
	v3 =	vld [tilespmem:s3+$0x0];
	[tilespmem:s7+$0xFFFFFFD0] =	vst v5  }
0xe6: {  	v4 =	vld [tilespmem:s3+$0xFFFFFFC0];
	[tilespmem:s7+$0xFFFFFFF0] =	vst v2  }
0xe7: {  	[tilespmem:s7+$0xFFFFFFA0] =	vst v1  }
0xe8: {  	v1 =	vld.idx.msk [tilespmem:v7+s4+$0x0], $0xffff  }
0xe9: {  	v2 =	vld [tilespmem:s3+$0xFFFFFF90]  }
0xea: {  	v5 =	vld [tilespmem:s3+$0xFFFFFFE0]  }
0xeb: {  	v7 =	vld [tilespmem:s3+$0xFFFFFFB0];
	_ =	sdelay $0x1  }
0xec: {  	v8 =	vld [tilespmem:s3+$0xFFFFFFD0];
	v3 =	vmul.f32 v1, v3  }
0xed: {  	v2 =	vmul.f32 v1, v2  }
0xee: {  	v9 =	vld [tilespmem:s3+$0xFFFFFFA0];
	v5 =	vmul.f32 v1, v5;
	[tilespmem:s3+$0x0] =	vst v3  }
0xef: {  	v3 =	vmul.f32 v1, v7;
	[tilespmem:s3+$0xFFFFFF90] =	vst v2  }
0xf0: {  	v2 =	vmul.f32 v1, v4;
	[tilespmem:s3+$0xFFFFFFE0] =	vst v5  }
0xf1: {  	v4 =	vmul.f32 v1, v8;
	[tilespmem:s3+$0xFFFFFFB0] =	vst v3  }
0xf2: {  	v3 =	vmul.f32 v1, v6;
	[tilespmem:s3+$0xFFFFFFC0] =	vst v2  }
0xf3: {  	s25 =	sshll.u32 s12, $0x1;
	p0 =	seq.s32 s12, $0x27;
	v1 =	vmul.f32 v1, v9;
	[tilespmem:s3+$0xFFFFFFD0] =	vst v4  }
0xf4: {  	s7 =	sadd.s32 @!p0 s25, s9;
	[tilespmem:s3+$0xFFFFFFF0] =	vst v3  }
0xf5: {  	[tilespmem:s3+$0xFFFFFFA0] =	vst v1;
	s3 =	smul.u32 @!p0 $0x30, s7  }
0xf6: {  	[spmem:s2] =	stream.indirect.scatter.add.f32 [tilespmem:s23], [sflag:$0x5], $0x80, s22, s21, $0xb8;
	[tilespmem:$0x1C400] =	vst v63  }
0xf7: {  	s7 =	simm.s32 @!p0 $0x0;
	s3 =	sadd.s32 @!p0 s5, s3  }
0xf8: {  	[tilespmem:s7], [sflag:$0x1] =	stream.linear.gather @!p0 [hbm4b:s3+s7], $0x180, $0x38;
	[tilespmem:$0x1C400] =	vst v63  }
0xf9: {  	_ =	swait.ge [sflag:s24], $0x180  }
0xfa: {  	p1 =	seq.s32 s12, $0x0;
	[sflag:s24] =	ssyncset.done $0x0  }
0xfb: {  	s3 =	simm.s32 @!p1 $0x6;
	[sflag:s24] =	ssyncadd.s32 $0xFFFFFE80  }
0xfc: {  	_ =	swait.ge @!p1 [sflag:s3], $0x2000  }
0xfd: {  	[sflag:s3] =	ssyncset.done @!p1 $0x0  }
0xfe: {  	[sflag:s3] =	ssyncadd.s32 @!p1 $0xFFFFE000  }
0xff: {  	_ =	swait.ge @!p1 [sflag:s3], $0x2000  }
0x100: {  	[sflag:s3] =	ssyncset.done @!p1 $0x0  }
0x101: {  	[sflag:s3] =	ssyncadd.s32 @!p1 $0xFFFFE000  }
0x102: {  	[tilespmem:s26], [sflag:$0x4] =	stream.indirect.gather [hbm4b:s1+s17], $0x80, s15, s17, $0xb8;
	[tilespmem:$0x1C400] =	vst v63  }
0x103: {  	_ =	swait.ge [sflag:s28], $0x4000  }
0x104: {  	[sflag:s28] =	ssyncset.done $0x0  }
0x105: {  	[sflag:s28] =	ssyncadd.s32 $0xFFFFC000  }
0x106: {  	v1 =	vld [tilespmem:$0x200]  }
0x107: {  	v2 =	vld [tilespmem:$0x210]  }
0x108: {  	s8 =	simm.s32 $0x0;
	v3 =	vld [tilespmem:$0x220]  }
0x109: {  	v5 =	vmov s8;
	v4 =	vld [tilespmem:$0x230]  }
0x10a: {  	v5 =	vand.u32 $0x3F, v5  }
0x10b: {  	[tilespmem:$0x8380] =	vst v1;
	v1 =	vor.u32 $0x100, v5  }
0x10c: {  	[tilespmem:$0x8390] =	vst v2;
	v1 =	vbroadcast v1, $0x0  }
0x10d: {  	[tilespmem:$0x83A0] =	vst v3  }
0x10e: {  	s7 =	simm.s32 $0x4340;
	[tilespmem:$0x83B0] =	vst v4  }
0x10f: {  	v5 =	vld [tilespmem:s7+$0x30]  }
0x110: {  	v8 =	vld [tilespmem:s7+$0x10]  }
0x111: {  	v6 =	vld [tilespmem:s7+$0xFFFFFFC0]  }
0x112: {  	v2 =	vld.idx.msk [tilespmem:v1+s15+$0x0], $0xffff  }
0x113: {  	v11 =	vld [tilespmem:s7+$0xFFFFFFE0]  }
0x114: {  	v3 =	vld [tilespmem:s7+$0x20]  }
0x115: {  	v4 =	vld [tilespmem:s7+$0xFFFFFFD0]  }
0x116: {  	v1 =	vld [tilespmem:s7+$0xFFFFFFF0]  }
0x117: {  	v9 =	vmul.f32 v2, v5;
	v5 =	vld [tilespmem:s7+$0x0]  }
0x118: {  	s20 =	simm.s32 $0x1;
	v7 =	vmul.f32 v2, v6  }
0x119: {  	v10 =	vmov s20;
	s8 =	simm.s32 $0x2;
	s3 =	simm.s32 $0x4340;
	v6 =	vmul.f32 v2, v11;
	v8 =	vmul.f32 v2, v8  }
.LBB2_9:
0x11a: {  	p1 =	sne.s32 s8, $0x3F  }
0x11b: {  	v10 =	vand.u32 $0x3F, v10;
	v4 =	vmul.f32 v2, v4;
	v3 =	vmul.f32 v2, v3;
	[tilespmem:s7+$0x30] =	vst v9;
	s3 =	sadd.s32 $0x80, s3;
	s20 =	smov.u32 s8;
	s8 =	sadd.s32 $0x1, s8  }
0x11c: {  	v9 =	vor.u32 $0x100, v10;
	[tilespmem:s7+$0xFFFFFFC0] =	vst v7;
	v7 =	vmul.f32 v2, v1;
	v2 =	vmul.f32 v2, v5  }
0x11d: {  	v5 =	vbroadcast v9, $0x0;
	[tilespmem:s7+$0x10] =	vst v8  }
0x11e: {  	[tilespmem:s7+$0xFFFFFFE0] =	vst v6  }
0x11f: {  	v1 =	vld [tilespmem:s3+$0xFFFFFFF0];
	[tilespmem:s7+$0xFFFFFFF0] =	vst v7  }
0x120: {  	v6 =	vld [tilespmem:s3+$0x30];
	[tilespmem:s7+$0x0] =	vst v2  }
0x121: {  	v8 =	vld [tilespmem:s3+$0x10];
	[tilespmem:s7+$0x20] =	vst v3  }
0x122: {  	v7 =	vld [tilespmem:s3+$0xFFFFFFC0];
	[tilespmem:s7+$0xFFFFFFD0] =	vst v4;
	s7 =	smov.u32 s3  }
0x123: {  	v2 =	vld.idx.msk [tilespmem:v5+s15+$0x0], $0xffff  }
0x124: {  	v11 =	vld [tilespmem:s3+$0xFFFFFFE0]  }
0x125: {  	v3 =	vld [tilespmem:s3+$0x20]  }
.Ltmp5:
0x126: {  	v4 =	vld [tilespmem:s3+$0xFFFFFFD0];
	(pc) =	sbr.rel @p1 .LBB2_9-.Ltmp5, $3  }
0x127: {  	v5 =	vld [tilespmem:s3+$0x0];
	_ =	sdelay $0x1  }
0x128: {  	v7 =	vmul.f32 v2, v7;
	v9 =	vmul.f32 v2, v6  }
0x129: {  	v10 =	vmov s20;
	v8 =	vmul.f32 v2, v8;
	v6 =	vmul.f32 v2, v11  }
0x12a: {  	[tilespmem:s7+$0xFFFFFFC0] =	vst v7;
	v7 =	vand.u32 $0x3F, v10  }
0x12b: {  	[tilespmem:s7+$0x30] =	vst v9;
	v7 =	vor.u32 $0x100, v7  }
0x12c: {  	v1 =	vmul.f32 v2, v1;
	[tilespmem:s7+$0xFFFFFFE0] =	vst v6;
	v6 =	vbroadcast v7, $0x0  }
0x12d: {  	s3 =	sadd.s32 $0x80, s3;
	[tilespmem:s7+$0x10] =	vst v8;
	v5 =	vmul.f32 v2, v5  }
0x12e: {  	v3 =	vmul.f32 v2, v3;
	v7 =	vld [tilespmem:s3+$0xFFFFFFF0];
	[tilespmem:s7+$0xFFFFFFF0] =	vst v1  }
0x12f: {  	v2 =	vmul.f32 v2, v4;
	v1 =	vld [tilespmem:s3+$0x30];
	[tilespmem:s7+$0x0] =	vst v5  }
0x130: {  	v4 =	vld [tilespmem:s3+$0x10];
	[tilespmem:s7+$0x20] =	vst v3  }
0x131: {  	v3 =	vld [tilespmem:s3+$0xFFFFFFC0];
	[tilespmem:s7+$0xFFFFFFD0] =	vst v2  }
0x132: {  	v2 =	vld.idx.msk [tilespmem:v6+s15+$0x0], $0xffff;
	_ =	sdelay $0x2  }
0x133: {  	v5 =	vld [tilespmem:s3+$0xFFFFFFE0];
	_ =	sdelay $0x1  }
0x134: {  	v6 =	vld [tilespmem:s3+$0x0];
	v1 =	vmul.f32 v2, v1  }
0x135: {  	v8 =	vld [tilespmem:s3+$0x20];
	v3 =	vmul.f32 v2, v3  }
0x136: {  	v9 =	vld [tilespmem:s3+$0xFFFFFFD0];
	v4 =	vmul.f32 v2, v4;
	[tilespmem:s3+$0x30] =	vst v1  }
0x137: {  	v1 =	vmul.f32 v2, v5;
	[tilespmem:s3+$0xFFFFFFC0] =	vst v3  }
0x138: {  	v3 =	vmul.f32 v2, v7;
	[tilespmem:s3+$0x10] =	vst v4  }
0x139: {  	v4 =	vmul.f32 v2, v6;
	[tilespmem:s3+$0xFFFFFFE0] =	vst v1  }
0x13a: {  	v1 =	vmul.f32 v2, v8;
	[tilespmem:s3+$0xFFFFFFF0] =	vst v3  }
0x13b: {  	v2 =	vmul.f32 v2, v9;
	[tilespmem:s3+$0x0] =	vst v4  }
0x13c: {  	[tilespmem:s3+$0x20] =	vst v1  }
0x13d: {  	s20 =	simm.s32 $0x40;
	[tilespmem:s3+$0xFFFFFFD0] =	vst v2  }
0x13e: {  	[spmem:s2] =	stream.indirect.scatter.add.f32 [tilespmem:s26], [sflag:$0x6], $0x80, s29, s20, $0xb8;
	[tilespmem:$0x1C400] =	vst v63  }
0x13f: {  	v1 =	vld [tilespmem:$0x240]  }
0x140: {  	v2 =	vld [tilespmem:$0x250]  }
0x141: {  	v3 =	vld [tilespmem:$0x260]  }
0x142: {  	v4 =	vmov s20;
	v5 =	vld [tilespmem:$0x270]  }
0x143: {  	v4 =	vand.u32 $0x7F, v4  }
0x144: {  	v4 =	vor.u32 $0x100, v4;
	[tilespmem:$0x83C0] =	vst v1  }
0x145: {  	v1 =	vbroadcast v4, $0x0;
	[tilespmem:$0x83D0] =	vst v2  }
0x146: {  	[tilespmem:$0x83E0] =	vst v3  }
0x147: {  	s7 =	simm.s32 $0x6370;
	[tilespmem:$0x83F0] =	vst v5  }
0x148: {  	v5 =	vld [tilespmem:s7+$0x0]  }
0x149: {  	v8 =	vld [tilespmem:s7+$0xFFFFFFE0]  }
0x14a: {  	v6 =	vld [tilespmem:s7+$0xFFFFFF90]  }
0x14b: {  	v1 =	vld.idx.msk [tilespmem:v1+s15+$0x0], $0xffff  }
0x14c: {  	v11 =	vld [tilespmem:s7+$0xFFFFFFB0]  }
0x14d: {  	v2 =	vld [tilespmem:s7+$0xFFFFFFF0]  }
0x14e: {  	v3 =	vld [tilespmem:s7+$0xFFFFFFC0]  }
0x14f: {  	v4 =	vld [tilespmem:s7+$0xFFFFFFA0]  }
0x150: {  	v9 =	vmul.f32 v1, v5;
	v5 =	vld [tilespmem:s7+$0xFFFFFFD0]  }
0x151: {  	s8 =	simm.s32 $0x41;
	v7 =	vmul.f32 v1, v6  }
0x152: {  	v10 =	vmov s8;
	s8 =	simm.s32 $0x6370;
	s3 =	simm.s32 $0x42;
	v6 =	vmul.f32 v1, v11;
	v8 =	vmul.f32 v1, v8  }
.LBB2_11:
0x153: {  	p1 =	sne.s32 s3, $0x7F  }
0x154: {  	v10 =	vand.u32 $0x7F, v10;
	v4 =	vmul.f32 v1, v4;
	v11 =	vmul.f32 v1, v2;
	[tilespmem:s7+$0x0] =	vst v9;
	s8 =	sadd.s32 $0x80, s8;
	s20 =	smov.u32 s3;
	s3 =	sadd.s32 $0x1, s3  }
0x155: {  	v3 =	vmul.f32 v1, v3;
	v2 =	vor.u32 $0x100, v10;
	[tilespmem:s7+$0xFFFFFF90] =	vst v7;
	v1 =	vmul.f32 v1, v5  }
0x156: {  	v5 =	vbroadcast v2, $0x0;
	[tilespmem:s7+$0xFFFFFFE0] =	vst v8  }
0x157: {  	[tilespmem:s7+$0xFFFFFFB0] =	vst v6  }
0x158: {  	v2 =	vld [tilespmem:s8+$0xFFFFFFF0];
	[tilespmem:s7+$0xFFFFFFC0] =	vst v3  }
0x159: {  	v6 =	vld [tilespmem:s8+$0x0];
	[tilespmem:s7+$0xFFFFFFD0] =	vst v1  }
0x15a: {  	v3 =	vld [tilespmem:s8+$0xFFFFFFC0];
	[tilespmem:s7+$0xFFFFFFF0] =	vst v11  }
0x15b: {  	v8 =	vld [tilespmem:s8+$0xFFFFFFE0];
	[tilespmem:s7+$0xFFFFFFA0] =	vst v4;
	s7 =	smov.u32 s8  }
0x15c: {  	v1 =	vld.idx.msk [tilespmem:v5+s15+$0x0], $0xffff  }
0x15d: {  	v7 =	vld [tilespmem:s8+$0xFFFFFF90]  }
0x15e: {  	v11 =	vld [tilespmem:s8+$0xFFFFFFB0]  }
.Ltmp6:
0x15f: {  	v4 =	vld [tilespmem:s8+$0xFFFFFFA0];
	(pc) =	sbr.rel @p1 .LBB2_11-.Ltmp6, $3  }
0x160: {  	v5 =	vld [tilespmem:s8+$0xFFFFFFD0];
	_ =	sdelay $0x1  }
0x161: {  	v9 =	vmul.f32 v1, v6;
	v7 =	vmul.f32 v1, v7  }
0x162: {  	v10 =	vmov s20;
	v8 =	vmul.f32 v1, v8;
	v6 =	vmul.f32 v1, v11  }
0x163: {  	[tilespmem:s7+$0x0] =	vst v9;
	v57 =	vand.u32 $0x7F, v10  }
0x164: {  	[tilespmem:s7+$0xFFFFFF90] =	vst v7;
	v58 =	vor.u32 $0x100, v57  }
0x165: {  	v3 =	vmul.f32 v1, v3;
	[tilespmem:s7+$0xFFFFFFE0] =	vst v8;
	v7 =	vbroadcast v58, $0x0  }
0x166: {  	s3 =	sadd.s32 $0x80, s8;
	v5 =	vmul.f32 v1, v5;
	[tilespmem:s7+$0xFFFFFFB0] =	vst v6  }
0x167: {  	v2 =	vmul.f32 v1, v2;
	v59 =	vld [tilespmem:s3+$0xFFFFFFF0];
	[tilespmem:s7+$0xFFFFFFC0] =	vst v3  }
0x168: {  	v1 =	vmul.f32 v1, v4;
	v3 =	vld [tilespmem:s3+$0x0];
	[tilespmem:s7+$0xFFFFFFD0] =	vst v5  }
0x169: {  	v60 =	vld [tilespmem:s3+$0xFFFFFFC0];
	[tilespmem:s7+$0xFFFFFFF0] =	vst v2  }
0x16a: {  	[tilespmem:s7+$0xFFFFFFA0] =	vst v1  }
0x16b: {  	v1 =	vld.idx.msk [tilespmem:v7+s15+$0x0], $0xffff  }
0x16c: {  	v2 =	vld [tilespmem:s3+$0xFFFFFF90]  }
0x16d: {  	v5 =	vld [tilespmem:s3+$0xFFFFFFE0]  }
0x16e: {  	v8 =	vld [tilespmem:s3+$0xFFFFFFD0]  }
0x16f: {  	v61 =	vld [tilespmem:s3+$0xFFFFFFB0]  }
0x170: {  	v3 =	vmul.f32 v1, v3  }
0x171: {  	v2 =	vmul.f32 v1, v2  }
0x172: {  	v62 =	vld [tilespmem:s3+$0xFFFFFFA0];
	v5 =	vmul.f32 v1, v5;
	[tilespmem:s3+$0x0] =	vst v3  }
0x173: {  	v63 =	vmul.f32 v1, v8;
	[tilespmem:s3+$0xFFFFFF90] =	vst v2  }
0x174: {  	v3 =	vmul.f32 v1, v61;
	[tilespmem:s3+$0xFFFFFFE0] =	vst v5  }
0x175: {  	v2 =	vmul.f32 v1, v60;
	[tilespmem:s3+$0xFFFFFFD0] =	vst v63  }
.Ltmp7:
0x176: {  	[tilespmem:s3+$0xFFFFFFB0] =	vst v3;
	v3 =	vmul.f32 v1, v59;
	(pc) =	sbr.rel @p0 .LBB2_14-.Ltmp7, $4  }
0x177: {  	[tilespmem:s3+$0xFFFFFFC0] =	vst v2;
	v1 =	vmul.f32 v1, v62  }
0x178: {  	[tilespmem:s3+$0xFFFFFFF0] =	vst v3  }
0x179: {  	[tilespmem:s3+$0xFFFFFFA0] =	vst v1  }
0x17a: {  	[spmem:s2] =	stream.indirect.scatter.add.f32 [tilespmem:s31], [sflag:$0x6], $0x80, s30, s21, $0xb8;
	[tilespmem:$0x1C400] =	vst v63  }
0x17b: {  	s3 =	sadd.s32 s25, s10  }
0x17c: {  	s3 =	smul.u32 $0x30, s3;
	_ =	sdelay $0x1  }
0x17d: {  	s3 =	sadd.s32 s5, s3  }
0x17e: {  	[tilespmem:s15], [sflag:$0x2] =	stream.linear.gather [hbm4b:s3+s4], $0x180, $0x38;
	[tilespmem:$0x1C400] =	vst v63  }
0x17f: {  	_ =	swait.ge [sflag:s16], $0x180  }
0x180: {  	[sflag:s16] =	ssyncset.done $0x0  }
0x181: {  	[sflag:s16] =	ssyncadd.s32 $0xFFFFFE80  }
0x182: {  	_ =	swait.ge [sflag:s0], $0x2000  }
0x183: {  	[sflag:s0] =	ssyncset.done $0x0  }
.Ltmp8:
0x184: {  	[sflag:s0] =	ssyncadd.s32 $0xFFFFE000;
	(pc) =	sbr.rel .LBB2_4-.Ltmp8, $4  }
0x185: {  	_ =	swait.ge [sflag:s0], $0x2000  }
0x186: {  	[sflag:s0] =	ssyncset.done $0x0  }
0x187: {  	s12 =	sadd.s32 $0x1, s12;
	[sflag:s0] =	ssyncadd.s32 $0xFFFFE000  }
0x188: {  	[tilespmem:s18], [sflag:$0x3] =	stream.indirect.gather [hbm4b:s1+s17], $0x80, s4, s17, $0xb8;
	[tilespmem:$0x1C400] =	vst v63  }
.LBB2_15:
0x189: {  	_ =	sfence.sel $0x180000  }
0x18a: {  	[bflag:$0x0] =	sbarrier.arrive $0xFFFF  }
0x18b: {  	_ =	strace $0x90000047  }
0x18c: {  	s0 =	stileid.u32;
	[bflag:$0x2] =	sbarrier.arrive $0xFFFF  }
0x18d: {  	p0 =	sne.s32 s0, $0x0;
	s0 =	rddreg [dreg:$0x3]  }
0x18e: {  	s0 =	sadd.s32 @!p0 $0x100000, s0  }
0x18f: {  	[sflag:s0] =	ssyncadd.tile.s32 @!p0 $0x1;
	_ =	shalt  }
.Lfunc_end2:
_tile_overlayer_lowered:
.L_overlay_start_2:
0x190: {  	(tag) =	ssettag $0x2  }
0x191: {  	s0 =	rddreg [dreg:$0x0];
	s2 =	stileid.u32  }
0x192: {  	s1 =	rddreg [dreg:$0x1];
	p0 =	sne.s32 s2, $0x0  }
0x193: {  	s3 =	rddreg [dreg:$0x2];
	[bflag:$0x3] =	sbarrier.arrive $0xFFFF;
	s2 =	simm.s32 @!p0 $0x1C07  }
0x194: {  	[timem:s3], [sflag:s2] =	dma.local @!p0 [hbm:s0], s1  }
0x195: {  	s0 =	simm.s32 @!p0 $0x7  }
0x196: {  	_ =	swait.ge @!p0 [sflag:s0], s1  }
0x197: {  	s1 =	ssub.s32 @!p0 $0x0, s1;
	[sflag:s0] =	ssyncset.done @!p0 $0x0  }
0x198: {  	[sflag:s0] =	ssyncadd.s32 @!p0 s1  }
0x199: {  	[bflag:$0x3] =	sbarrier.arrive $0xFFFF  }
0x19a: {  	_ =	shalt  }

</sc_bundles>
